<compile_context>
chip_gen: v7x
topology: tpu7x:2x2x1
jax: 0.10.2.dev20260603
libtpu: 0.0.44.dev20260713+nightly
codegen_flags: <defaults>
</compile_context>

<pallas_src>
import functools

import jax
import jax.numpy as jnp
from jax import lax
from jax.experimental import pallas as pl
from jax.experimental.pallas import tpu as pltpu
from jax.experimental.pallas import tpu_sc as plsc

D = 64
NC, NS = 2, 16
NW = NC * NS
CG = 128
C = 256
NBUF = 2
U = 8
EPS = 1e-12


def _rsqrt(x):
    i = lax.bitcast_convert_type(x, jnp.int32)
    i = jnp.int32(0x5F3759DF) - (i >> 1)
    y = lax.bitcast_convert_type(i, jnp.float32)
    half = x * 0.5
    for _ in range(2):
        y = y * (1.5 - half * y * y)
    return y


def _body(n_tok, wids_hbm, pids_hbm, wtab_hbm, ptab_hbm, lnw_hbm, lnb_hbm,
          out_hbm, widx_v, pidx_v, ptab_v, scr, wbuf0, wbuf1, obuf0, obuf1,
          wv, bv, gsem0, gsem1, ssem0, ssem1):
    wbufs = (wbuf0, wbuf1)
    obufs = (obuf0, obuf1)
    gsems = (gsem0, gsem1)
    ssems = (ssem0, ssem1)

    wid = lax.axis_index("s") * NC + lax.axis_index("c")
    per_w = n_tok // NW
    n_chunks = per_w // C
    base0 = wid * per_w

    pltpu.sync_copy(lnw_hbm, wv)
    pltpu.sync_copy(lnb_hbm, bv)
    pltpu.sync_copy(ptab_hbm, ptab_v)
    pltpu.sync_copy(wids_hbm.at[pl.ds(base0, per_w)], widx_v)
    pltpu.sync_copy(pids_hbm.at[pl.ds(base0, per_w)], pidx_v)
    w_vecs = [wv[pl.ds(g * 16, 16)] for g in range(4)]
    b_vecs = [bv[pl.ds(g * 16, 16)] for g in range(4)]

    def gather_descs(ci, b):
        descs = []
        for h in range(C // CG):
            idx_w = widx_v.at[pl.ds(ci * C + h * CG, CG)]
            descs.append(pltpu.make_async_copy(
                wtab_hbm.at[idx_w], wbufs[b].at[pl.ds(h * CG, CG)], gsems[b]))
        return descs

    def issue_gathers(ci, b):
        for desc in gather_descs(ci, b):
            desc.start()

    def wait_gathers(ci, b):
        for desc in gather_descs(ci, b):
            desc.wait()

    def store_desc(ci, b):
        return pltpu.make_async_copy(
            obufs[b], out_hbm.at[pl.ds(base0 + ci * C, C)], ssems[b])

    for b in range(NBUF):
        issue_gathers(b, b)

    cols = [lax.iota(jnp.int32, 16) + g * 16 for g in range(4)]

    def compute_chunk(ci, b):
        @plsc.parallel_loop(0, C, step=1, unroll=U)
        def tok(t):
            tvec = jnp.full((16,), ci * C + t, dtype=jnp.int32)
            pbc = plsc.load_gather(pidx_v, [tvec])
            e = [wbufs[b][t, pl.ds(g * 16, 16)]
                 + plsc.load_gather(ptab_v, [pbc, cols[g]])
                 for g in range(4)]
            s = (e[0] + e[1]) + (e[2] + e[3])
            q = (e[0] * e[0] + e[1] * e[1]) + (e[2] * e[2] + e[3] * e[3])
            cs = plsc.cumsum(s)
            cq = plsc.cumsum(q)
            off = t * 32
            scr[pl.ds(off, 16)] = cs
            scr[pl.ds(off + 16, 16)] = cq
            offv = jnp.full((16,), off + 15, dtype=jnp.int32)
            tot = plsc.load_gather(scr, [offv])
            qt = plsc.load_gather(scr, [offv + 16])
            u = tot * (1.0 / D)
            var = qt * (1.0 / D) - u * u
            rstd = _rsqrt(var + EPS)
            for g in range(4):
                obufs[b][t, pl.ds(g * 16, 16)] = (e[g] - u) * (rstd * w_vecs[g]) + b_vecs[g]

    def pair_body(g, carry):
        for b in range(NBUF):
            ci = g * NBUF + b
            wait_gathers(ci, b)

            @pl.when(g > 0)
            def _():
                store_desc(ci - NBUF, b).wait()

            compute_chunk(ci, b)
            store_desc(ci, b).start()

            @pl.when(ci + NBUF < n_chunks)
            def _():
                issue_gathers(ci + NBUF, b)
        return carry

    lax.fori_loop(0, n_chunks // NBUF, pair_body, 0)
    for b in range(NBUF):
        store_desc(n_chunks - NBUF + b, b).wait()


def kernel(input_ids, position_ids, word_table, pos_table, ln_weight, ln_bias):
    shape = input_ids.shape
    n_tok = 1
    for s in shape:
        n_tok *= s
    per_w = n_tok // NW
    wids = input_ids.reshape((n_tok,)).astype(jnp.int32)
    pids = position_ids.reshape((n_tok,)).astype(jnp.int32)

    mesh = plsc.VectorSubcoreMesh(core_axis_name="c", subcore_axis_name="s",
                                  num_cores=NC, num_subcores=NS)
    run = pl.kernel(
        functools.partial(_body, n_tok),
        out_type=jax.ShapeDtypeStruct((n_tok, D), jnp.float32),
        mesh=mesh,
        compiler_params=pltpu.CompilerParams(needs_layout_passes=False,
                                             use_tc_tiling_on_sc=False),
        scratch_types=[
            pltpu.VMEM((per_w,), jnp.int32),
            pltpu.VMEM((per_w,), jnp.int32),
            pltpu.VMEM(pos_table.shape, jnp.float32),
            pltpu.VMEM((C * 32,), jnp.float32),
            pltpu.VMEM((C, D), jnp.float32),
            pltpu.VMEM((C, D), jnp.float32),
            pltpu.VMEM((C, D), jnp.float32),
            pltpu.VMEM((C, D), jnp.float32),
            pltpu.VMEM((D,), jnp.float32),
            pltpu.VMEM((D,), jnp.float32),
            pltpu.SemaphoreType.DMA,
            pltpu.SemaphoreType.DMA,
            pltpu.SemaphoreType.DMA,
            pltpu.SemaphoreType.DMA,
        ],
    )
    out = run(wids, pids, word_table, pos_table, ln_weight, ln_bias)
    return out.reshape(shape + (D,))

# --- scband reference (transcript-rebuilt; emitter-appended) ---
"""Pipeline reference for scband-semantic-map-embeddings-28157805592737 (READ-ONLY COPY).

The authoritative reference and input builder live on the scoring server;
editing this copy changes nothing except your own understanding.
"""

import jax, jax.numpy as jnp
import numpy as np

MAP_SIZE = 1000000
EMB_DIM = 64
MAX_POS = 512
B, H, W = 64, 64, 64
EPS = 1e-12

def setup_inputs(seed: int = 0) -> dict:
    key = jax.random.key(seed)
    k1, k2, k3, k4 = jax.random.split(key, 4)
    input_ids = jax.random.randint(k1, (B, H, W), 0, MAP_SIZE, dtype=jnp.int64 if jax.config.jax_enable_x64 else jnp.int32)
    position_ids = jax.random.randint(k2, (B, H, W), 0, MAX_POS, dtype=jnp.int64 if jax.config.jax_enable_x64 else jnp.int32)
    word_table = jax.random.normal(k3, (MAP_SIZE, EMB_DIM), dtype=jnp.float32) * 0.02
    # padding_idx=0 -> row 0 initialized to zeros (matches nn.Embedding padding_idx init)
    word_table = word_table.at[0].set(0.0)
    pos_table = jax.random.normal(k4, (MAX_POS, EMB_DIM), dtype=jnp.float32) * 0.02
    ln_weight = jnp.ones((EMB_DIM,), dtype=jnp.float32)
    ln_bias = jnp.zeros((EMB_DIM,), dtype=jnp.float32)
    return {"input_ids": input_ids, "position_ids": position_ids, "word_table": word_table, "pos_table": pos_table, "ln_weight": ln_weight, "ln_bias": ln_bias}

def reference(input_ids, position_ids, word_table, pos_table, ln_weight, ln_bias):
    words_embeddings = jnp.take(word_table, input_ids, axis=0)
    position_embeddings = jnp.take(pos_table, position_ids, axis=0)
    embeddings = words_embeddings + position_embeddings
    u = jnp.mean(embeddings, axis=-1, keepdims=True)
    s = jnp.mean((embeddings - u) ** 2, axis=-1, keepdims=True)
    x = (embeddings - u) / jnp.sqrt(s + EPS)
    out = ln_weight * x + ln_bias
    # dropout p=0.0 (eval / identity)
    return out

if __name__ == "__main__":
    import jax
    _d = setup_inputs()
    print(jax.jit(kernel)(*tuple(_d.values())))

</pallas_src>

<mosaic_0001>
#map = affine_map<(d0, d1) -> (0)>
#map1 = affine_map<(d0, d1) -> (0, 0)>
module attributes {stable_mosaic.version = 14 : i64} {
  func.func @_body(%arg0: i32, %arg1: i32, %arg2: memref<262144xi32, #tpu.memory_space<hbm>>, %arg3: memref<262144xi32, #tpu.memory_space<hbm>>, %arg4: memref<1000000x64xf32, #tpu.memory_space<hbm>>, %arg5: memref<512x64xf32, #tpu.memory_space<hbm>>, %arg6: memref<64xf32, #tpu.memory_space<hbm>>, %arg7: memref<64xf32, #tpu.memory_space<hbm>>, %arg8: memref<262144x64xf32, #tpu.memory_space<hbm>>, %arg9: memref<8192xi32, #tpu.memory_space<vmem>>, %arg10: memref<8192xi32, #tpu.memory_space<vmem>>, %arg11: memref<512x64xf32, #tpu.memory_space<vmem>>, %arg12: memref<8192xf32, #tpu.memory_space<vmem>>, %arg13: memref<256x64xf32, #tpu.memory_space<vmem>>, %arg14: memref<256x64xf32, #tpu.memory_space<vmem>>, %arg15: memref<256x64xf32, #tpu.memory_space<vmem>>, %arg16: memref<256x64xf32, #tpu.memory_space<vmem>>, %arg17: memref<64xf32, #tpu.memory_space<vmem>>, %arg18: memref<64xf32, #tpu.memory_space<vmem>>, %arg19: memref<!tpu.dma_semaphore, #tpu.memory_space<semaphore_mem>>, %arg20: memref<!tpu.dma_semaphore, #tpu.memory_space<semaphore_mem>>, %arg21: memref<!tpu.dma_semaphore, #tpu.memory_space<semaphore_mem>>, %arg22: memref<!tpu.dma_semaphore, #tpu.memory_space<semaphore_mem>>) attributes {dimension_semantics = [#tpu.dimension_semantics<core_parallel>, #tpu.dimension_semantics<subcore_parallel>], iteration_bounds = array<i64: 2, 16>, scalar_prefetch = 0 : i64, scratch_operands = 14 : i64, tpu.core_type = #tpu.core_type<sc_vector_subcore>, window_params = [{transform_indices = #map}, {transform_indices = #map}, {transform_indices = #map1}, {transform_indices = #map1}, {transform_indices = #map}, {transform_indices = #map}, {transform_indices = #map1}]} {
    %mul3A = arith.constant 2 : i32
    %mul3A_0 = arith.muli %arg1, %mul3A : i32
    %add3A = arith.addi %mul3A_0, %arg0 : i32
    %mul3A_1 = arith.constant 8192 : i32
    %mul3A_2 = arith.muli %add3A, %mul3A_1 : i32
    "tpu.region"() ({
      %run_scoped3A = tpu.sem_alloc : memref<!tpu.dma_semaphore, #tpu.memory_space<semaphore_mem>>
      tpu.enqueue_dma source(%arg6 : memref<64xf32, #tpu.memory_space<hbm>>) target(%arg17 : memref<64xf32, #tpu.memory_space<vmem>>) target_semaphore(%run_scoped3A : memref<!tpu.dma_semaphore, #tpu.memory_space<semaphore_mem>>)
      tpu.wait_dma2 semaphore(%run_scoped3A : memref<!tpu.dma_semaphore, #tpu.memory_space<semaphore_mem>>) src(%arg6 : memref<64xf32, #tpu.memory_space<hbm>>) dst(%arg17 : memref<64xf32, #tpu.memory_space<vmem>>)
      tpu.yield
    }) : () -> ()
    "tpu.region"() ({
      %run_scoped3A = tpu.sem_alloc : memref<!tpu.dma_semaphore, #tpu.memory_space<semaphore_mem>>
      tpu.enqueue_dma source(%arg7 : memref<64xf32, #tpu.memory_space<hbm>>) target(%arg18 : memref<64xf32, #tpu.memory_space<vmem>>) target_semaphore(%run_scoped3A : memref<!tpu.dma_semaphore, #tpu.memory_space<semaphore_mem>>)
      tpu.wait_dma2 semaphore(%run_scoped3A : memref<!tpu.dma_semaphore, #tpu.memory_space<semaphore_mem>>) src(%arg7 : memref<64xf32, #tpu.memory_space<hbm>>) dst(%arg18 : memref<64xf32, #tpu.memory_space<vmem>>)
      tpu.yield
    }) : () -> ()
    "tpu.region"() ({
      %run_scoped3A = tpu.sem_alloc : memref<!tpu.dma_semaphore, #tpu.memory_space<semaphore_mem>>
      tpu.enqueue_dma source(%arg5 : memref<512x64xf32, #tpu.memory_space<hbm>>) target(%arg11 : memref<512x64xf32, #tpu.memory_space<vmem>>) target_semaphore(%run_scoped3A : memref<!tpu.dma_semaphore, #tpu.memory_space<semaphore_mem>>)
      tpu.wait_dma2 semaphore(%run_scoped3A : memref<!tpu.dma_semaphore, #tpu.memory_space<semaphore_mem>>) src(%arg5 : memref<512x64xf32, #tpu.memory_space<hbm>>) dst(%arg11 : memref<512x64xf32, #tpu.memory_space<vmem>>)
      tpu.yield
    }) : () -> ()
    "tpu.region"() ({
      %run_scoped3A = tpu.sem_alloc : memref<!tpu.dma_semaphore, #tpu.memory_space<semaphore_mem>>
      %dma_start3A_80 = tpu.memref_slice %arg2[%mul3A_2] : memref<262144xi32, #tpu.memory_space<hbm>> -> memref<8192xi32, #tpu.memory_space<hbm>>
      %dma_start3A_81 = tpu.memref_slice %arg2[%mul3A_2] : memref<262144xi32, #tpu.memory_space<hbm>> -> memref<8192xi32, #tpu.memory_space<hbm>>
      tpu.enqueue_dma source(%dma_start3A_81 : memref<8192xi32, #tpu.memory_space<hbm>>) target(%arg9 : memref<8192xi32, #tpu.memory_space<vmem>>) target_semaphore(%run_scoped3A : memref<!tpu.dma_semaphore, #tpu.memory_space<semaphore_mem>>)
      %dma_wait3A_82 = tpu.memref_slice %arg2[%mul3A_2] : memref<262144xi32, #tpu.memory_space<hbm>> -> memref<8192xi32, #tpu.memory_space<hbm>>
      %dma_wait3A_83 = tpu.memref_slice %arg2[%mul3A_2] : memref<262144xi32, #tpu.memory_space<hbm>> -> memref<8192xi32, #tpu.memory_space<hbm>>
      tpu.wait_dma2 semaphore(%run_scoped3A : memref<!tpu.dma_semaphore, #tpu.memory_space<semaphore_mem>>) src(%dma_wait3A_83 : memref<8192xi32, #tpu.memory_space<hbm>>) dst(%arg9 : memref<8192xi32, #tpu.memory_space<vmem>>)
      tpu.yield
    }) : () -> ()
    "tpu.region"() ({
      %run_scoped3A = tpu.sem_alloc : memref<!tpu.dma_semaphore, #tpu.memory_space<semaphore_mem>>
      %dma_start3A_80 = tpu.memref_slice %arg3[%mul3A_2] : memref<262144xi32, #tpu.memory_space<hbm>> -> memref<8192xi32, #tpu.memory_space<hbm>>
      %dma_start3A_81 = tpu.memref_slice %arg3[%mul3A_2] : memref<262144xi32, #tpu.memory_space<hbm>> -> memref<8192xi32, #tpu.memory_space<hbm>>
      tpu.enqueue_dma source(%dma_start3A_81 : memref<8192xi32, #tpu.memory_space<hbm>>) target(%arg10 : memref<8192xi32, #tpu.memory_space<vmem>>) target_semaphore(%run_scoped3A : memref<!tpu.dma_semaphore, #tpu.memory_space<semaphore_mem>>)
      %dma_wait3A_82 = tpu.memref_slice %arg3[%mul3A_2] : memref<262144xi32, #tpu.memory_space<hbm>> -> memref<8192xi32, #tpu.memory_space<hbm>>
      %dma_wait3A_83 = tpu.memref_slice %arg3[%mul3A_2] : memref<262144xi32, #tpu.memory_space<hbm>> -> memref<8192xi32, #tpu.memory_space<hbm>>
      tpu.wait_dma2 semaphore(%run_scoped3A : memref<!tpu.dma_semaphore, #tpu.memory_space<semaphore_mem>>) src(%dma_wait3A_83 : memref<8192xi32, #tpu.memory_space<hbm>>) dst(%arg10 : memref<8192xi32, #tpu.memory_space<vmem>>)
      tpu.yield
    }) : () -> ()
    %get3A = arith.constant 0 : index
    %get3A_3 = tpu.vector_load %arg17[%get3A] {strides = array<i32>} : memref<64xf32, #tpu.memory_space<vmem>>, vector<16xf32>,
    %get3A_4 = arith.constant 16 : index
    %get3A_5 = tpu.vector_load %arg17[%get3A_4] {strides = array<i32>} : memref<64xf32, #tpu.memory_space<vmem>>, vector<16xf32>,
    %get3A_6 = arith.constant 32 : index
    %get3A_7 = tpu.vector_load %arg17[%get3A_6] {strides = array<i32>} : memref<64xf32, #tpu.memory_space<vmem>>, vector<16xf32>,
    %get3A_8 = arith.constant 48 : index
    %get3A_9 = tpu.vector_load %arg17[%get3A_8] {strides = array<i32>} : memref<64xf32, #tpu.memory_space<vmem>>, vector<16xf32>,
    %get3A_10 = arith.constant 0 : index
    %get3A_11 = tpu.vector_load %arg18[%get3A_10] {strides = array<i32>} : memref<64xf32, #tpu.memory_space<vmem>>, vector<16xf32>,
    %get3A_12 = arith.constant 16 : index
    %get3A_13 = tpu.vector_load %arg18[%get3A_12] {strides = array<i32>} : memref<64xf32, #tpu.memory_space<vmem>>, vector<16xf32>,
    %get3A_14 = arith.constant 32 : index
    %get3A_15 = tpu.vector_load %arg18[%get3A_14] {strides = array<i32>} : memref<64xf32, #tpu.memory_space<vmem>>, vector<16xf32>,
    %get3A_16 = arith.constant 48 : index
    %get3A_17 = tpu.vector_load %arg18[%get3A_16] {strides = array<i32>} : memref<64xf32, #tpu.memory_space<vmem>>, vector<16xf32>,
    %dma_start3A = arith.constant 0 : i32
    %dma_start3A_18 = arith.constant 0 : i32
    %dma_start3A_19 = tpu.memref_slice %arg13[%dma_start3A, %dma_start3A_18] : memref<256x64xf32, #tpu.memory_space<vmem>> -> memref<128x64xf32, #tpu.memory_space<vmem>>
    %dma_start3A_20 = arith.constant 0 : i32
    %dma_start3A_21 = tpu.memref_slice %arg9[%dma_start3A_20] : memref<8192xi32, #tpu.memory_space<vmem>> -> memref<128xi32, #tpu.memory_space<vmem>>
    %dma_start3A_22 = arith.constant 0 : i32
    %dma_start3A_23 = arith.constant 0 : i32
    %dma_start3A_24 = tpu.memref_slice %arg4[%dma_start3A_22, %dma_start3A_23] : memref<1000000x64xf32, #tpu.memory_space<hbm>> -> memref<1000000x64xf32, #tpu.memory_space<hbm>>
    tpu.enqueue_indirect_dma source(%dma_start3A_24 : memref<1000000x64xf32, #tpu.memory_space<hbm>>) target(%dma_start3A_19 : memref<128x64xf32, #tpu.memory_space<vmem>>) offsets(%dma_start3A_21 : memref<128xi32, #tpu.memory_space<vmem>>) semaphore(%arg19 : memref<!tpu.dma_semaphore, #tpu.memory_space<semaphore_mem>>)
    %dma_start3A_25 = arith.constant 128 : i32
    %dma_start3A_26 = arith.constant 0 : i32
    %dma_start3A_27 = tpu.memref_slice %arg13[%dma_start3A_25, %dma_start3A_26] : memref<256x64xf32, #tpu.memory_space<vmem>> -> memref<128x64xf32, #tpu.memory_space<vmem>>
    %dma_start3A_28 = arith.constant 128 : i32
    %dma_start3A_29 = tpu.memref_slice %arg9[%dma_start3A_28] : memref<8192xi32, #tpu.memory_space<vmem>> -> memref<128xi32, #tpu.memory_space<vmem>>
    %dma_start3A_30 = arith.constant 0 : i32
    %dma_start3A_31 = arith.constant 0 : i32
    %dma_start3A_32 = tpu.memref_slice %arg4[%dma_start3A_30, %dma_start3A_31] : memref<1000000x64xf32, #tpu.memory_space<hbm>> -> memref<1000000x64xf32, #tpu.memory_space<hbm>>
    tpu.enqueue_indirect_dma source(%dma_start3A_32 : memref<1000000x64xf32, #tpu.memory_space<hbm>>) target(%dma_start3A_27 : memref<128x64xf32, #tpu.memory_space<vmem>>) offsets(%dma_start3A_29 : memref<128xi32, #tpu.memory_space<vmem>>) semaphore(%arg19 : memref<!tpu.dma_semaphore, #tpu.memory_space<semaphore_mem>>)
    %dma_start3A_33 = arith.constant 0 : i32
    %dma_start3A_34 = arith.constant 0 : i32
    %dma_start3A_35 = tpu.memref_slice %arg14[%dma_start3A_33, %dma_start3A_34] : memref<256x64xf32, #tpu.memory_space<vmem>> -> memref<128x64xf32, #tpu.memory_space<vmem>>
    %dma_start3A_36 = arith.constant 256 : i32
    %dma_start3A_37 = tpu.memref_slice %arg9[%dma_start3A_36] : memref<8192xi32, #tpu.memory_space<vmem>> -> memref<128xi32, #tpu.memory_space<vmem>>
    %dma_start3A_38 = arith.constant 0 : i32
    %dma_start3A_39 = arith.constant 0 : i32
    %dma_start3A_40 = tpu.memref_slice %arg4[%dma_start3A_38, %dma_start3A_39] : memref<1000000x64xf32, #tpu.memory_space<hbm>> -> memref<1000000x64xf32, #tpu.memory_space<hbm>>
    tpu.enqueue_indirect_dma source(%dma_start3A_40 : memref<1000000x64xf32, #tpu.memory_space<hbm>>) target(%dma_start3A_35 : memref<128x64xf32, #tpu.memory_space<vmem>>) offsets(%dma_start3A_37 : memref<128xi32, #tpu.memory_space<vmem>>) semaphore(%arg20 : memref<!tpu.dma_semaphore, #tpu.memory_space<semaphore_mem>>)
    %dma_start3A_41 = arith.constant 128 : i32
    %dma_start3A_42 = arith.constant 0 : i32
    %dma_start3A_43 = tpu.memref_slice %arg14[%dma_start3A_41, %dma_start3A_42] : memref<256x64xf32, #tpu.memory_space<vmem>> -> memref<128x64xf32, #tpu.memory_space<vmem>>
    %dma_start3A_44 = arith.constant 384 : i32
    %dma_start3A_45 = tpu.memref_slice %arg9[%dma_start3A_44] : memref<8192xi32, #tpu.memory_space<vmem>> -> memref<128xi32, #tpu.memory_space<vmem>>
    %dma_start3A_46 = arith.constant 0 : i32
    %dma_start3A_47 = arith.constant 0 : i32
    %dma_start3A_48 = tpu.memref_slice %arg4[%dma_start3A_46, %dma_start3A_47] : memref<1000000x64xf32, #tpu.memory_space<hbm>> -> memref<1000000x64xf32, #tpu.memory_space<hbm>>
    tpu.enqueue_indirect_dma source(%dma_start3A_48 : memref<1000000x64xf32, #tpu.memory_space<hbm>>) target(%dma_start3A_43 : memref<128x64xf32, #tpu.memory_space<vmem>>) offsets(%dma_start3A_45 : memref<128xi32, #tpu.memory_space<vmem>>) semaphore(%arg20 : memref<!tpu.dma_semaphore, #tpu.memory_space<semaphore_mem>>)
    %iota3A = tpu.iota {dimensions = array<i32: 0>} : vector<16xi32>
    %add3A_49 = arith.constant 0 : i32
    %add3A_50 = vector.broadcast %add3A_49 : i32 to vector<16xi32>
    %add3A_51 = arith.addi %iota3A, %add3A_50 : vector<16xi32>
    %iota3A_52 = tpu.iota {dimensions = array<i32: 0>} : vector<16xi32>
    %add3A_53 = arith.constant 16 : i32
    %add3A_54 = vector.broadcast %add3A_53 : i32 to vector<16xi32>
    %add3A_55 = arith.addi %iota3A_52, %add3A_54 : vector<16xi32>
    %iota3A_56 = tpu.iota {dimensions = array<i32: 0>} : vector<16xi32>
    %add3A_57 = arith.constant 32 : i32
    %add3A_58 = vector.broadcast %add3A_57 : i32 to vector<16xi32>
    %add3A_59 = arith.addi %iota3A_56, %add3A_58 : vector<16xi32>
    %iota3A_60 = tpu.iota {dimensions = array<i32: 0>} : vector<16xi32>
    %add3A_61 = arith.constant 48 : i32
    %add3A_62 = vector.broadcast %add3A_61 : i32 to vector<16xi32>
    %add3A_63 = arith.addi %iota3A_60, %add3A_62 : vector<16xi32>
    %scan3A = arith.constant 0 : i32
    %scan3A_64 = arith.constant 0 : i32
    %scan3A_65 = arith.constant 16 : i32
    %scan3A_66 = arith.addi %scan3A_64, %scan3A_65 : i32
    %scan3A_67 = arith.constant 1 : i32
    scf.for %scan3A_80 = %scan3A_64 to %scan3A_66 step %scan3A_67  : i32 {
      %mul3A_81 = arith.constant 2 : i32
      %mul3A_82 = arith.muli %scan3A_80, %mul3A_81 : i32
      %add3A_83 = arith.constant 0 : i32
      %add3A_84 = arith.addi %mul3A_82, %add3A_83 : i32
      %mul3A_85 = arith.constant 256 : i32
      %mul3A_86 = arith.muli %add3A_84, %mul3A_85 : i32
      %add3A_87 = arith.constant 0 : i32
      %add3A_88 = arith.addi %mul3A_86, %add3A_87 : i32
      %mul3A_89 = arith.constant 256 : i32
      %mul3A_90 = arith.muli %add3A_84, %mul3A_89 : i32
      %add3A_91 = arith.constant 128 : i32
      %add3A_92 = arith.addi %mul3A_90, %add3A_91 : i32
      %dma_wait3A_93 = arith.constant 0 : i32
      %dma_wait3A_94 = arith.constant 0 : i32
      %dma_wait3A_95 = tpu.memref_slice %arg13[%dma_wait3A_93, %dma_wait3A_94] : memref<256x64xf32, #tpu.memory_space<vmem>> -> memref<128x64xf32, #tpu.memory_space<vmem>>
      %dma_wait3A_96 = tpu.memref_slice %arg9[%add3A_88] : memref<8192xi32, #tpu.memory_space<vmem>> -> memref<128xi32, #tpu.memory_space<vmem>>
      %dma_wait3A_97 = arith.constant 0 : i32
      %dma_wait3A_98 = arith.constant 0 : i32
      %dma_wait3A_99 = tpu.memref_slice %arg4[%dma_wait3A_97, %dma_wait3A_98] : memref<1000000x64xf32, #tpu.memory_space<hbm>> -> memref<1000000x64xf32, #tpu.memory_space<hbm>>
      tpu.wait_indirect_dma semaphore(%arg19 : memref<!tpu.dma_semaphore, #tpu.memory_space<semaphore_mem>>) src(%dma_wait3A_99 : memref<1000000x64xf32, #tpu.memory_space<hbm>>) dst(%dma_wait3A_95 : memref<128x64xf32, #tpu.memory_space<vmem>>)
      %dma_wait3A_100 = arith.constant 128 : i32
      %dma_wait3A_101 = arith.constant 0 : i32
      %dma_wait3A_102 = tpu.memref_slice %arg13[%dma_wait3A_100, %dma_wait3A_101] : memref<256x64xf32, #tpu.memory_space<vmem>> -> memref<128x64xf32, #tpu.memory_space<vmem>>
      %dma_wait3A_103 = tpu.memref_slice %arg9[%add3A_92] : memref<8192xi32, #tpu.memory_space<vmem>> -> memref<128xi32, #tpu.memory_space<vmem>>
      %dma_wait3A_104 = arith.constant 0 : i32
      %dma_wait3A_105 = arith.constant 0 : i32
      %dma_wait3A_106 = tpu.memref_slice %arg4[%dma_wait3A_104, %dma_wait3A_105] : memref<1000000x64xf32, #tpu.memory_space<hbm>> -> memref<1000000x64xf32, #tpu.memory_space<hbm>>
      tpu.wait_indirect_dma semaphore(%arg19 : memref<!tpu.dma_semaphore, #tpu.memory_space<semaphore_mem>>) src(%dma_wait3A_106 : memref<1000000x64xf32, #tpu.memory_space<hbm>>) dst(%dma_wait3A_102 : memref<128x64xf32, #tpu.memory_space<vmem>>)
      %gt3A = arith.constant 0 : i32
      %gt3A_107 = arith.cmpi sgt, %scan3A_80, %gt3A : i32
      %convert_element_type3A = arith.extui %gt3A_107 : i1 to i32
      %cond3A = arith.constant 0 : i32
      %cond3A_108 = arith.cmpi ne, %convert_element_type3A, %cond3A : i32
      scf.if %cond3A_108 {
        %sub3A = arith.constant 2 : i32
        %sub3A_172 = arith.subi %add3A_84, %sub3A : i32
        %mul3A_173 = arith.constant 256 : i32
        %mul3A_174 = arith.muli %sub3A_172, %mul3A_173 : i32
        %add3A_175 = arith.addi %mul3A_2, %mul3A_174 : i32
        %dma_wait3A_176 = arith.constant 0 : i32
        %dma_wait3A_177 = tpu.memref_slice %arg8[%add3A_175, %dma_wait3A_176] : memref<262144x64xf32, #tpu.memory_space<hbm>> -> memref<256x64xf32, #tpu.memory_space<hbm>>
        %dma_wait3A_178 = arith.constant 0 : i32
        %dma_wait3A_179 = tpu.memref_slice %arg8[%add3A_175, %dma_wait3A_178] : memref<262144x64xf32, #tpu.memory_space<hbm>> -> memref<256x64xf32, #tpu.memory_space<hbm>>
        tpu.wait_dma2 semaphore(%arg21 : memref<!tpu.dma_semaphore, #tpu.memory_space<semaphore_mem>>) src(%arg15 : memref<256x64xf32, #tpu.memory_space<vmem>>) dst(%dma_wait3A_179 : memref<256x64xf32, #tpu.memory_space<hbm>>)
      } else {
      }
      %parallel_loop3A = arith.constant 0 : i32
      %parallel_loop3A_109 = arith.constant 256 : i32
      %parallel_loop3A_110 = arith.constant 1 : i32
      scf.for %parallel_loop3A_172 = %parallel_loop3A to %parallel_loop3A_109 step %parallel_loop3A_110  : i32 {
        %parallel_loop3A_173 = arith.constant 256 : i32
        %parallel_loop3A_174 = arith.muli %add3A_84, %parallel_loop3A_173 : i32
        %parallel_loop3A_175 = arith.addi %parallel_loop3A_174, %parallel_loop3A_172 : i32
        %parallel_loop3A_176 = vector.broadcast %parallel_loop3A_175 : i32 to vector<16xi32>
        %parallel_loop3A_177 = tpu.vector_load_idx %arg10[%parallel_loop3A_176] : memref<8192xi32, #tpu.memory_space<vmem>>[vector<16xi32>], vector<16xi32>,
        %parallel_loop3A_178 = arith.index_cast %parallel_loop3A_172 : i32 to index
        %parallel_loop3A_179 = arith.constant 0 : index
        %parallel_loop3A_180 = tpu.vector_load %arg13[%parallel_loop3A_178, %parallel_loop3A_179] {strides = array<i32>} : memref<256x64xf32, #tpu.memory_space<vmem>>, vector<16xf32>,
        %parallel_loop3A_181 = tpu.vector_load_idx %arg11[%parallel_loop3A_177, %add3A_51] : memref<512x64xf32, #tpu.memory_space<vmem>>[vector<16xi32>, vector<16xi32>], vector<16xf32>,
        %parallel_loop3A_182 = arith.addf %parallel_loop3A_180, %parallel_loop3A_181 : vector<16xf32>
        %parallel_loop3A_183 = arith.index_cast %parallel_loop3A_172 : i32 to index
        %parallel_loop3A_184 = arith.constant 16 : index
        %parallel_loop3A_185 = tpu.vector_load %arg13[%parallel_loop3A_183, %parallel_loop3A_184] {strides = array<i32>} : memref<256x64xf32, #tpu.memory_space<vmem>>, vector<16xf32>,
        %parallel_loop3A_186 = tpu.vector_load_idx %arg11[%parallel_loop3A_177, %add3A_55] : memref<512x64xf32, #tpu.memory_space<vmem>>[vector<16xi32>, vector<16xi32>], vector<16xf32>,
        %parallel_loop3A_187 = arith.addf %parallel_loop3A_185, %parallel_loop3A_186 : vector<16xf32>
        %parallel_loop3A_188 = arith.index_cast %parallel_loop3A_172 : i32 to index
        %parallel_loop3A_189 = arith.constant 32 : index
        %parallel_loop3A_190 = tpu.vector_load %arg13[%parallel_loop3A_188, %parallel_loop3A_189] {strides = array<i32>} : memref<256x64xf32, #tpu.memory_space<vmem>>, vector<16xf32>,
        %parallel_loop3A_191 = tpu.vector_load_idx %arg11[%parallel_loop3A_177, %add3A_59] : memref<512x64xf32, #tpu.memory_space<vmem>>[vector<16xi32>, vector<16xi32>], vector<16xf32>,
        %parallel_loop3A_192 = arith.addf %parallel_loop3A_190, %parallel_loop3A_191 : vector<16xf32>
        %parallel_loop3A_193 = arith.index_cast %parallel_loop3A_172 : i32 to index
        %parallel_loop3A_194 = arith.constant 48 : index
        %parallel_loop3A_195 = tpu.vector_load %arg13[%parallel_loop3A_193, %parallel_loop3A_194] {strides = array<i32>} : memref<256x64xf32, #tpu.memory_space<vmem>>, vector<16xf32>,
        %parallel_loop3A_196 = tpu.vector_load_idx %arg11[%parallel_loop3A_177, %add3A_63] : memref<512x64xf32, #tpu.memory_space<vmem>>[vector<16xi32>, vector<16xi32>], vector<16xf32>,
        %parallel_loop3A_197 = arith.addf %parallel_loop3A_195, %parallel_loop3A_196 : vector<16xf32>
        %parallel_loop3A_198 = arith.addf %parallel_loop3A_182, %parallel_loop3A_187 : vector<16xf32>
        %parallel_loop3A_199 = arith.addf %parallel_loop3A_192, %parallel_loop3A_197 : vector<16xf32>
        %parallel_loop3A_200 = arith.addf %parallel_loop3A_198, %parallel_loop3A_199 : vector<16xf32>
        %parallel_loop3A_201 = arith.mulf %parallel_loop3A_182, %parallel_loop3A_182 : vector<16xf32>
        %parallel_loop3A_202 = arith.mulf %parallel_loop3A_187, %parallel_loop3A_187 : vector<16xf32>
        %parallel_loop3A_203 = arith.addf %parallel_loop3A_201, %parallel_loop3A_202 : vector<16xf32>
        %parallel_loop3A_204 = arith.mulf %parallel_loop3A_192, %parallel_loop3A_192 : vector<16xf32>
        %parallel_loop3A_205 = arith.mulf %parallel_loop3A_197, %parallel_loop3A_197 : vector<16xf32>
        %parallel_loop3A_206 = arith.addf %parallel_loop3A_204, %parallel_loop3A_205 : vector<16xf32>
        %parallel_loop3A_207 = arith.addf %parallel_loop3A_203, %parallel_loop3A_206 : vector<16xf32>
        %parallel_loop3A_208 = arith.constant true
        %parallel_loop3A_209 = vector.broadcast %parallel_loop3A_208 : i1 to vector<16xi1>
        %parallel_loop3A_210 = tpu.scan <sum>, %parallel_loop3A_200 masked %parallel_loop3A_209 : vector<16xf32>, vector<16xi1> -> vector<16xf32>
        %parallel_loop3A_211 = arith.constant true
        %parallel_loop3A_212 = vector.broadcast %parallel_loop3A_211 : i1 to vector<16xi1>
        %parallel_loop3A_213 = tpu.scan <sum>, %parallel_loop3A_207 masked %parallel_loop3A_212 : vector<16xf32>, vector<16xi1> -> vector<16xf32>
        %parallel_loop3A_214 = arith.constant 32 : i32
        %parallel_loop3A_215 = arith.muli %parallel_loop3A_172, %parallel_loop3A_214 : i32
        %parallel_loop3A_216 = arith.index_cast %parallel_loop3A_215 : i32 to index
        %parallel_loop3A_217 = tpu.vector_load %arg12[%parallel_loop3A_216] {strides = array<i32>} : memref<8192xf32, #tpu.memory_space<vmem>>, vector<16xf32>,
        tpu.vector_store %arg12[%parallel_loop3A_216], %parallel_loop3A_210 {strides = array<i32>} : memref<8192xf32, #tpu.memory_space<vmem>>, vector<16xf32>,
        %parallel_loop3A_218 = arith.constant 16 : i32
        %parallel_loop3A_219 = arith.addi %parallel_loop3A_215, %parallel_loop3A_218 : i32
        %parallel_loop3A_220 = arith.index_cast %parallel_loop3A_219 : i32 to index
        %parallel_loop3A_221 = tpu.vector_load %arg12[%parallel_loop3A_220] {strides = array<i32>} : memref<8192xf32, #tpu.memory_space<vmem>>, vector<16xf32>,
        tpu.vector_store %arg12[%parallel_loop3A_220], %parallel_loop3A_213 {strides = array<i32>} : memref<8192xf32, #tpu.memory_space<vmem>>, vector<16xf32>,
        %parallel_loop3A_222 = arith.constant 15 : i32
        %parallel_loop3A_223 = arith.addi %parallel_loop3A_215, %parallel_loop3A_222 : i32
        %parallel_loop3A_224 = vector.broadcast %parallel_loop3A_223 : i32 to vector<16xi32>
        %parallel_loop3A_225 = tpu.vector_load_idx %arg12[%parallel_loop3A_224] : memref<8192xf32, #tpu.memory_space<vmem>>[vector<16xi32>], vector<16xf32>,
        %parallel_loop3A_226 = arith.constant 16 : i32
        %parallel_loop3A_227 = vector.broadcast %parallel_loop3A_226 : i32 to vector<16xi32>
        %parallel_loop3A_228 = arith.addi %parallel_loop3A_224, %parallel_loop3A_227 : vector<16xi32>
        %parallel_loop3A_229 = tpu.vector_load_idx %arg12[%parallel_loop3A_228] : memref<8192xf32, #tpu.memory_space<vmem>>[vector<16xi32>], vector<16xf32>,
        %parallel_loop3A_230 = arith.constant 1.562500e-02 : f32
        %parallel_loop3A_231 = vector.broadcast %parallel_loop3A_230 : f32 to vector<16xf32>
        %parallel_loop3A_232 = arith.mulf %parallel_loop3A_225, %parallel_loop3A_231 : vector<16xf32>
        %parallel_loop3A_233 = arith.constant 1.562500e-02 : f32
        %parallel_loop3A_234 = vector.broadcast %parallel_loop3A_233 : f32 to vector<16xf32>
        %parallel_loop3A_235 = arith.mulf %parallel_loop3A_229, %parallel_loop3A_234 : vector<16xf32>
        %parallel_loop3A_236 = arith.mulf %parallel_loop3A_232, %parallel_loop3A_232 : vector<16xf32>
        %parallel_loop3A_237 = arith.subf %parallel_loop3A_235, %parallel_loop3A_236 : vector<16xf32>
        %parallel_loop3A_238 = arith.constant 9.99999996E-13 : f32
        %parallel_loop3A_239 = vector.broadcast %parallel_loop3A_238 : f32 to vector<16xf32>
        %parallel_loop3A_240 = arith.addf %parallel_loop3A_237, %parallel_loop3A_239 : vector<16xf32>
        %parallel_loop3A_241 = tpu.bitcast %parallel_loop3A_240 : vector<16xf32> -> vector<16xi32>
        %parallel_loop3A_242 = arith.constant 1 : i32
        %parallel_loop3A_243 = vector.broadcast %parallel_loop3A_242 : i32 to vector<16xi32>
        %parallel_loop3A_244 = arith.shrsi %parallel_loop3A_241, %parallel_loop3A_243 : vector<16xi32>
        %parallel_loop3A_245 = arith.constant 1597463007 : i32
        %parallel_loop3A_246 = vector.broadcast %parallel_loop3A_245 : i32 to vector<16xi32>
        %parallel_loop3A_247 = arith.subi %parallel_loop3A_246, %parallel_loop3A_244 : vector<16xi32>
        %parallel_loop3A_248 = tpu.bitcast %parallel_loop3A_247 : vector<16xi32> -> vector<16xf32>
        %parallel_loop3A_249 = arith.constant 5.000000e-01 : f32
        %parallel_loop3A_250 = vector.broadcast %parallel_loop3A_249 : f32 to vector<16xf32>
        %parallel_loop3A_251 = arith.mulf %parallel_loop3A_240, %parallel_loop3A_250 : vector<16xf32>
        %parallel_loop3A_252 = arith.mulf %parallel_loop3A_251, %parallel_loop3A_248 : vector<16xf32>
        %parallel_loop3A_253 = arith.mulf %parallel_loop3A_252, %parallel_loop3A_248 : vector<16xf32>
        %parallel_loop3A_254 = arith.constant 1.500000e+00 : f32
        %parallel_loop3A_255 = vector.broadcast %parallel_loop3A_254 : f32 to vector<16xf32>
        %parallel_loop3A_256 = arith.subf %parallel_loop3A_255, %parallel_loop3A_253 : vector<16xf32>
        %parallel_loop3A_257 = arith.mulf %parallel_loop3A_248, %parallel_loop3A_256 : vector<16xf32>
        %parallel_loop3A_258 = arith.mulf %parallel_loop3A_251, %parallel_loop3A_257 : vector<16xf32>
        %parallel_loop3A_259 = arith.mulf %parallel_loop3A_258, %parallel_loop3A_257 : vector<16xf32>
        %parallel_loop3A_260 = arith.constant 1.500000e+00 : f32
        %parallel_loop3A_261 = vector.broadcast %parallel_loop3A_260 : f32 to vector<16xf32>
        %parallel_loop3A_262 = arith.subf %parallel_loop3A_261, %parallel_loop3A_259 : vector<16xf32>
        %parallel_loop3A_263 = arith.mulf %parallel_loop3A_257, %parallel_loop3A_262 : vector<16xf32>
        %parallel_loop3A_264 = arith.subf %parallel_loop3A_182, %parallel_loop3A_232 : vector<16xf32>
        %parallel_loop3A_265 = arith.mulf %parallel_loop3A_263, %get3A_3 : vector<16xf32>
        %parallel_loop3A_266 = arith.mulf %parallel_loop3A_264, %parallel_loop3A_265 : vector<16xf32>
        %parallel_loop3A_267 = arith.addf %parallel_loop3A_266, %get3A_11 : vector<16xf32>
        %parallel_loop3A_268 = arith.index_cast %parallel_loop3A_172 : i32 to index
        %parallel_loop3A_269 = arith.constant 0 : index
        %parallel_loop3A_270 = tpu.vector_load %arg15[%parallel_loop3A_268, %parallel_loop3A_269] {strides = array<i32>} : memref<256x64xf32, #tpu.memory_space<vmem>>, vector<16xf32>,
        tpu.vector_store %arg15[%parallel_loop3A_268, %parallel_loop3A_269], %parallel_loop3A_267 {strides = array<i32>} : memref<256x64xf32, #tpu.memory_space<vmem>>, vector<16xf32>,
        %parallel_loop3A_271 = arith.subf %parallel_loop3A_187, %parallel_loop3A_232 : vector<16xf32>
        %parallel_loop3A_272 = arith.mulf %parallel_loop3A_263, %get3A_5 : vector<16xf32>
        %parallel_loop3A_273 = arith.mulf %parallel_loop3A_271, %parallel_loop3A_272 : vector<16xf32>
        %parallel_loop3A_274 = arith.addf %parallel_loop3A_273, %get3A_13 : vector<16xf32>
        %parallel_loop3A_275 = arith.index_cast %parallel_loop3A_172 : i32 to index
        %parallel_loop3A_276 = arith.constant 16 : index
        %parallel_loop3A_277 = tpu.vector_load %arg15[%parallel_loop3A_275, %parallel_loop3A_276] {strides = array<i32>} : memref<256x64xf32, #tpu.memory_space<vmem>>, vector<16xf32>,
        tpu.vector_store %arg15[%parallel_loop3A_275, %parallel_loop3A_276], %parallel_loop3A_274 {strides = array<i32>} : memref<256x64xf32, #tpu.memory_space<vmem>>, vector<16xf32>,
        %parallel_loop3A_278 = arith.subf %parallel_loop3A_192, %parallel_loop3A_232 : vector<16xf32>
        %parallel_loop3A_279 = arith.mulf %parallel_loop3A_263, %get3A_7 : vector<16xf32>
        %parallel_loop3A_280 = arith.mulf %parallel_loop3A_278, %parallel_loop3A_279 : vector<16xf32>
        %parallel_loop3A_281 = arith.addf %parallel_loop3A_280, %get3A_15 : vector<16xf32>
        %parallel_loop3A_282 = arith.index_cast %parallel_loop3A_172 : i32 to index
        %parallel_loop3A_283 = arith.constant 32 : index
        %parallel_loop3A_284 = tpu.vector_load %arg15[%parallel_loop3A_282, %parallel_loop3A_283] {strides = array<i32>} : memref<256x64xf32, #tpu.memory_space<vmem>>, vector<16xf32>,
        tpu.vector_store %arg15[%parallel_loop3A_282, %parallel_loop3A_283], %parallel_loop3A_281 {strides = array<i32>} : memref<256x64xf32, #tpu.memory_space<vmem>>, vector<16xf32>,
        %parallel_loop3A_285 = arith.subf %parallel_loop3A_197, %parallel_loop3A_232 : vector<16xf32>
        %parallel_loop3A_286 = arith.mulf %parallel_loop3A_263, %get3A_9 : vector<16xf32>
        %parallel_loop3A_287 = arith.mulf %parallel_loop3A_285, %parallel_loop3A_286 : vector<16xf32>
        %parallel_loop3A_288 = arith.addf %parallel_loop3A_287, %get3A_17 : vector<16xf32>
        %parallel_loop3A_289 = arith.index_cast %parallel_loop3A_172 : i32 to index
        %parallel_loop3A_290 = arith.constant 48 : index
        %parallel_loop3A_291 = tpu.vector_load %arg15[%parallel_loop3A_289, %parallel_loop3A_290] {strides = array<i32>} : memref<256x64xf32, #tpu.memory_space<vmem>>, vector<16xf32>,
        tpu.vector_store %arg15[%parallel_loop3A_289, %parallel_loop3A_290], %parallel_loop3A_288 {strides = array<i32>} : memref<256x64xf32, #tpu.memory_space<vmem>>, vector<16xf32>,
      } {sc.loop_unroll_factor = 8 : i64, sc.parallel_access}
      %mul3A_111 = arith.constant 256 : i32
      %mul3A_112 = arith.muli %add3A_84, %mul3A_111 : i32
      %add3A_113 = arith.addi %mul3A_2, %mul3A_112 : i32
      %dma_start3A_114 = arith.constant 0 : i32
      %dma_start3A_115 = tpu.memref_slice %arg8[%add3A_113, %dma_start3A_114] : memref<262144x64xf32, #tpu.memory_space<hbm>> -> memref<256x64xf32, #tpu.memory_space<hbm>>
      %dma_start3A_116 = arith.constant 0 : i32
      %dma_start3A_117 = tpu.memref_slice %arg8[%add3A_113, %dma_start3A_116] : memref<262144x64xf32, #tpu.memory_space<hbm>> -> memref<256x64xf32, #tpu.memory_space<hbm>>
      tpu.enqueue_dma source(%arg15 : memref<256x64xf32, #tpu.memory_space<vmem>>) target(%dma_start3A_117 : memref<256x64xf32, #tpu.memory_space<hbm>>) target_semaphore(%arg21 : memref<!tpu.dma_semaphore, #tpu.memory_space<semaphore_mem>>)
      %add3A_118 = arith.constant 2 : i32
      %add3A_119 = arith.addi %add3A_84, %add3A_118 : i32
      %lt3A = arith.constant 32 : i32
      %lt3A_120 = arith.cmpi slt, %add3A_119, %lt3A : i32
      %convert_element_type3A_121 = arith.extui %lt3A_120 : i1 to i32
      %cond3A_122 = arith.constant 0 : i32
      %cond3A_123 = arith.cmpi ne, %convert_element_type3A_121, %cond3A_122 : i32
      scf.if %cond3A_123 {
        %add3A_172 = arith.constant 2 : i32
        %add3A_173 = arith.addi %add3A_84, %add3A_172 : i32
        %mul3A_174 = arith.constant 256 : i32
        %mul3A_175 = arith.muli %add3A_173, %mul3A_174 : i32
        %add3A_176 = arith.constant 0 : i32
        %add3A_177 = arith.addi %mul3A_175, %add3A_176 : i32
        %mul3A_178 = arith.constant 256 : i32
        %mul3A_179 = arith.muli %add3A_173, %mul3A_178 : i32
        %add3A_180 = arith.constant 128 : i32
        %add3A_181 = arith.addi %mul3A_179, %add3A_180 : i32
        %dma_start3A_182 = arith.constant 0 : i32
        %dma_start3A_183 = arith.constant 0 : i32
        %dma_start3A_184 = tpu.memref_slice %arg13[%dma_start3A_182, %dma_start3A_183] : memref<256x64xf32, #tpu.memory_space<vmem>> -> memref<128x64xf32, #tpu.memory_space<vmem>>
        %dma_start3A_185 = tpu.memref_slice %arg9[%add3A_177] : memref<8192xi32, #tpu.memory_space<vmem>> -> memref<128xi32, #tpu.memory_space<vmem>>
        %dma_start3A_186 = arith.constant 0 : i32
        %dma_start3A_187 = arith.constant 0 : i32
        %dma_start3A_188 = tpu.memref_slice %arg4[%dma_start3A_186, %dma_start3A_187] : memref<1000000x64xf32, #tpu.memory_space<hbm>> -> memref<1000000x64xf32, #tpu.memory_space<hbm>>
        tpu.enqueue_indirect_dma source(%dma_start3A_188 : memref<1000000x64xf32, #tpu.memory_space<hbm>>) target(%dma_start3A_184 : memref<128x64xf32, #tpu.memory_space<vmem>>) offsets(%dma_start3A_185 : memref<128xi32, #tpu.memory_space<vmem>>) semaphore(%arg19 : memref<!tpu.dma_semaphore, #tpu.memory_space<semaphore_mem>>)
        %dma_start3A_189 = arith.constant 128 : i32
        %dma_start3A_190 = arith.constant 0 : i32
        %dma_start3A_191 = tpu.memref_slice %arg13[%dma_start3A_189, %dma_start3A_190] : memref<256x64xf32, #tpu.memory_space<vmem>> -> memref<128x64xf32, #tpu.memory_space<vmem>>
        %dma_start3A_192 = tpu.memref_slice %arg9[%add3A_181] : memref<8192xi32, #tpu.memory_space<vmem>> -> memref<128xi32, #tpu.memory_space<vmem>>
        %dma_start3A_193 = arith.constant 0 : i32
        %dma_start3A_194 = arith.constant 0 : i32
        %dma_start3A_195 = tpu.memref_slice %arg4[%dma_start3A_193, %dma_start3A_194] : memref<1000000x64xf32, #tpu.memory_space<hbm>> -> memref<1000000x64xf32, #tpu.memory_space<hbm>>
        tpu.enqueue_indirect_dma source(%dma_start3A_195 : memref<1000000x64xf32, #tpu.memory_space<hbm>>) target(%dma_start3A_191 : memref<128x64xf32, #tpu.memory_space<vmem>>) offsets(%dma_start3A_192 : memref<128xi32, #tpu.memory_space<vmem>>) semaphore(%arg19 : memref<!tpu.dma_semaphore, #tpu.memory_space<semaphore_mem>>)
      } else {
      }
      %mul3A_124 = arith.constant 2 : i32
      %mul3A_125 = arith.muli %scan3A_80, %mul3A_124 : i32
      %add3A_126 = arith.constant 1 : i32
      %add3A_127 = arith.addi %mul3A_125, %add3A_126 : i32
      %mul3A_128 = arith.constant 256 : i32
      %mul3A_129 = arith.muli %add3A_127, %mul3A_128 : i32
      %add3A_130 = arith.constant 0 : i32
      %add3A_131 = arith.addi %mul3A_129, %add3A_130 : i32
      %mul3A_132 = arith.constant 256 : i32
      %mul3A_133 = arith.muli %add3A_127, %mul3A_132 : i32
      %add3A_134 = arith.constant 128 : i32
      %add3A_135 = arith.addi %mul3A_133, %add3A_134 : i32
      %dma_wait3A_136 = arith.constant 0 : i32
      %dma_wait3A_137 = arith.constant 0 : i32
      %dma_wait3A_138 = tpu.memref_slice %arg14[%dma_wait3A_136, %dma_wait3A_137] : memref<256x64xf32, #tpu.memory_space<vmem>> -> memref<128x64xf32, #tpu.memory_space<vmem>>
      %dma_wait3A_139 = tpu.memref_slice %arg9[%add3A_131] : memref<8192xi32, #tpu.memory_space<vmem>> -> memref<128xi32, #tpu.memory_space<vmem>>
      %dma_wait3A_140 = arith.constant 0 : i32
      %dma_wait3A_141 = arith.constant 0 : i32
      %dma_wait3A_142 = tpu.memref_slice %arg4[%dma_wait3A_140, %dma_wait3A_141] : memref<1000000x64xf32, #tpu.memory_space<hbm>> -> memref<1000000x64xf32, #tpu.memory_space<hbm>>
      tpu.wait_indirect_dma semaphore(%arg20 : memref<!tpu.dma_semaphore, #tpu.memory_space<semaphore_mem>>) src(%dma_wait3A_142 : memref<1000000x64xf32, #tpu.memory_space<hbm>>) dst(%dma_wait3A_138 : memref<128x64xf32, #tpu.memory_space<vmem>>)
      %dma_wait3A_143 = arith.constant 128 : i32
      %dma_wait3A_144 = arith.constant 0 : i32
      %dma_wait3A_145 = tpu.memref_slice %arg14[%dma_wait3A_143, %dma_wait3A_144] : memref<256x64xf32, #tpu.memory_space<vmem>> -> memref<128x64xf32, #tpu.memory_space<vmem>>
      %dma_wait3A_146 = tpu.memref_slice %arg9[%add3A_135] : memref<8192xi32, #tpu.memory_space<vmem>> -> memref<128xi32, #tpu.memory_space<vmem>>
      %dma_wait3A_147 = arith.constant 0 : i32
      %dma_wait3A_148 = arith.constant 0 : i32
      %dma_wait3A_149 = tpu.memref_slice %arg4[%dma_wait3A_147, %dma_wait3A_148] : memref<1000000x64xf32, #tpu.memory_space<hbm>> -> memref<1000000x64xf32, #tpu.memory_space<hbm>>
      tpu.wait_indirect_dma semaphore(%arg20 : memref<!tpu.dma_semaphore, #tpu.memory_space<semaphore_mem>>) src(%dma_wait3A_149 : memref<1000000x64xf32, #tpu.memory_space<hbm>>) dst(%dma_wait3A_145 : memref<128x64xf32, #tpu.memory_space<vmem>>)
      %gt3A_150 = arith.constant 0 : i32
      %gt3A_151 = arith.cmpi sgt, %scan3A_80, %gt3A_150 : i32
      %convert_element_type3A_152 = arith.extui %gt3A_151 : i1 to i32
      %cond3A_153 = arith.constant 0 : i32
      %cond3A_154 = arith.cmpi ne, %convert_element_type3A_152, %cond3A_153 : i32
      scf.if %cond3A_154 {
        %sub3A = arith.constant 2 : i32
        %sub3A_172 = arith.subi %add3A_127, %sub3A : i32
        %mul3A_173 = arith.constant 256 : i32
        %mul3A_174 = arith.muli %sub3A_172, %mul3A_173 : i32
        %add3A_175 = arith.addi %mul3A_2, %mul3A_174 : i32
        %dma_wait3A_176 = arith.constant 0 : i32
        %dma_wait3A_177 = tpu.memref_slice %arg8[%add3A_175, %dma_wait3A_176] : memref<262144x64xf32, #tpu.memory_space<hbm>> -> memref<256x64xf32, #tpu.memory_space<hbm>>
        %dma_wait3A_178 = arith.constant 0 : i32
        %dma_wait3A_179 = tpu.memref_slice %arg8[%add3A_175, %dma_wait3A_178] : memref<262144x64xf32, #tpu.memory_space<hbm>> -> memref<256x64xf32, #tpu.memory_space<hbm>>
        tpu.wait_dma2 semaphore(%arg22 : memref<!tpu.dma_semaphore, #tpu.memory_space<semaphore_mem>>) src(%arg16 : memref<256x64xf32, #tpu.memory_space<vmem>>) dst(%dma_wait3A_179 : memref<256x64xf32, #tpu.memory_space<hbm>>)
      } else {
      }
      %parallel_loop3A_155 = arith.constant 0 : i32
      %parallel_loop3A_156 = arith.constant 256 : i32
      %parallel_loop3A_157 = arith.constant 1 : i32
      scf.for %parallel_loop3A_172 = %parallel_loop3A_155 to %parallel_loop3A_156 step %parallel_loop3A_157  : i32 {
        %parallel_loop3A_173 = arith.constant 256 : i32
        %parallel_loop3A_174 = arith.muli %add3A_127, %parallel_loop3A_173 : i32
        %parallel_loop3A_175 = arith.addi %parallel_loop3A_174, %parallel_loop3A_172 : i32
        %parallel_loop3A_176 = vector.broadcast %parallel_loop3A_175 : i32 to vector<16xi32>
        %parallel_loop3A_177 = tpu.vector_load_idx %arg10[%parallel_loop3A_176] : memref<8192xi32, #tpu.memory_space<vmem>>[vector<16xi32>], vector<16xi32>,
        %parallel_loop3A_178 = arith.index_cast %parallel_loop3A_172 : i32 to index
        %parallel_loop3A_179 = arith.constant 0 : index
        %parallel_loop3A_180 = tpu.vector_load %arg14[%parallel_loop3A_178, %parallel_loop3A_179] {strides = array<i32>} : memref<256x64xf32, #tpu.memory_space<vmem>>, vector<16xf32>,
        %parallel_loop3A_181 = tpu.vector_load_idx %arg11[%parallel_loop3A_177, %add3A_51] : memref<512x64xf32, #tpu.memory_space<vmem>>[vector<16xi32>, vector<16xi32>], vector<16xf32>,
        %parallel_loop3A_182 = arith.addf %parallel_loop3A_180, %parallel_loop3A_181 : vector<16xf32>
        %parallel_loop3A_183 = arith.index_cast %parallel_loop3A_172 : i32 to index
        %parallel_loop3A_184 = arith.constant 16 : index
        %parallel_loop3A_185 = tpu.vector_load %arg14[%parallel_loop3A_183, %parallel_loop3A_184] {strides = array<i32>} : memref<256x64xf32, #tpu.memory_space<vmem>>, vector<16xf32>,
        %parallel_loop3A_186 = tpu.vector_load_idx %arg11[%parallel_loop3A_177, %add3A_55] : memref<512x64xf32, #tpu.memory_space<vmem>>[vector<16xi32>, vector<16xi32>], vector<16xf32>,
        %parallel_loop3A_187 = arith.addf %parallel_loop3A_185, %parallel_loop3A_186 : vector<16xf32>
        %parallel_loop3A_188 = arith.index_cast %parallel_loop3A_172 : i32 to index
        %parallel_loop3A_189 = arith.constant 32 : index
        %parallel_loop3A_190 = tpu.vector_load %arg14[%parallel_loop3A_188, %parallel_loop3A_189] {strides = array<i32>} : memref<256x64xf32, #tpu.memory_space<vmem>>, vector<16xf32>,
        %parallel_loop3A_191 = tpu.vector_load_idx %arg11[%parallel_loop3A_177, %add3A_59] : memref<512x64xf32, #tpu.memory_space<vmem>>[vector<16xi32>, vector<16xi32>], vector<16xf32>,
        %parallel_loop3A_192 = arith.addf %parallel_loop3A_190, %parallel_loop3A_191 : vector<16xf32>
        %parallel_loop3A_193 = arith.index_cast %parallel_loop3A_172 : i32 to index
        %parallel_loop3A_194 = arith.constant 48 : index
        %parallel_loop3A_195 = tpu.vector_load %arg14[%parallel_loop3A_193, %parallel_loop3A_194] {strides = array<i32>} : memref<256x64xf32, #tpu.memory_space<vmem>>, vector<16xf32>,
        %parallel_loop3A_196 = tpu.vector_load_idx %arg11[%parallel_loop3A_177, %add3A_63] : memref<512x64xf32, #tpu.memory_space<vmem>>[vector<16xi32>, vector<16xi32>], vector<16xf32>,
        %parallel_loop3A_197 = arith.addf %parallel_loop3A_195, %parallel_loop3A_196 : vector<16xf32>
        %parallel_loop3A_198 = arith.addf %parallel_loop3A_182, %parallel_loop3A_187 : vector<16xf32>
        %parallel_loop3A_199 = arith.addf %parallel_loop3A_192, %parallel_loop3A_197 : vector<16xf32>
        %parallel_loop3A_200 = arith.addf %parallel_loop3A_198, %parallel_loop3A_199 : vector<16xf32>
        %parallel_loop3A_201 = arith.mulf %parallel_loop3A_182, %parallel_loop3A_182 : vector<16xf32>
        %parallel_loop3A_202 = arith.mulf %parallel_loop3A_187, %parallel_loop3A_187 : vector<16xf32>
        %parallel_loop3A_203 = arith.addf %parallel_loop3A_201, %parallel_loop3A_202 : vector<16xf32>
        %parallel_loop3A_204 = arith.mulf %parallel_loop3A_192, %parallel_loop3A_192 : vector<16xf32>
        %parallel_loop3A_205 = arith.mulf %parallel_loop3A_197, %parallel_loop3A_197 : vector<16xf32>
        %parallel_loop3A_206 = arith.addf %parallel_loop3A_204, %parallel_loop3A_205 : vector<16xf32>
        %parallel_loop3A_207 = arith.addf %parallel_loop3A_203, %parallel_loop3A_206 : vector<16xf32>
        %parallel_loop3A_208 = arith.constant true
        %parallel_loop3A_209 = vector.broadcast %parallel_loop3A_208 : i1 to vector<16xi1>
        %parallel_loop3A_210 = tpu.scan <sum>, %parallel_loop3A_200 masked %parallel_loop3A_209 : vector<16xf32>, vector<16xi1> -> vector<16xf32>
        %parallel_loop3A_211 = arith.constant true
        %parallel_loop3A_212 = vector.broadcast %parallel_loop3A_211 : i1 to vector<16xi1>
        %parallel_loop3A_213 = tpu.scan <sum>, %parallel_loop3A_207 masked %parallel_loop3A_212 : vector<16xf32>, vector<16xi1> -> vector<16xf32>
        %parallel_loop3A_214 = arith.constant 32 : i32
        %parallel_loop3A_215 = arith.muli %parallel_loop3A_172, %parallel_loop3A_214 : i32
        %parallel_loop3A_216 = arith.index_cast %parallel_loop3A_215 : i32 to index
        %parallel_loop3A_217 = tpu.vector_load %arg12[%parallel_loop3A_216] {strides = array<i32>} : memref<8192xf32, #tpu.memory_space<vmem>>, vector<16xf32>,
        tpu.vector_store %arg12[%parallel_loop3A_216], %parallel_loop3A_210 {strides = array<i32>} : memref<8192xf32, #tpu.memory_space<vmem>>, vector<16xf32>,
        %parallel_loop3A_218 = arith.constant 16 : i32
        %parallel_loop3A_219 = arith.addi %parallel_loop3A_215, %parallel_loop3A_218 : i32
        %parallel_loop3A_220 = arith.index_cast %parallel_loop3A_219 : i32 to index
        %parallel_loop3A_221 = tpu.vector_load %arg12[%parallel_loop3A_220] {strides = array<i32>} : memref<8192xf32, #tpu.memory_space<vmem>>, vector<16xf32>,
        tpu.vector_store %arg12[%parallel_loop3A_220], %parallel_loop3A_213 {strides = array<i32>} : memref<8192xf32, #tpu.memory_space<vmem>>, vector<16xf32>,
        %parallel_loop3A_222 = arith.constant 15 : i32
        %parallel_loop3A_223 = arith.addi %parallel_loop3A_215, %parallel_loop3A_222 : i32
        %parallel_loop3A_224 = vector.broadcast %parallel_loop3A_223 : i32 to vector<16xi32>
        %parallel_loop3A_225 = tpu.vector_load_idx %arg12[%parallel_loop3A_224] : memref<8192xf32, #tpu.memory_space<vmem>>[vector<16xi32>], vector<16xf32>,
        %parallel_loop3A_226 = arith.constant 16 : i32
        %parallel_loop3A_227 = vector.broadcast %parallel_loop3A_226 : i32 to vector<16xi32>
        %parallel_loop3A_228 = arith.addi %parallel_loop3A_224, %parallel_loop3A_227 : vector<16xi32>
        %parallel_loop3A_229 = tpu.vector_load_idx %arg12[%parallel_loop3A_228] : memref<8192xf32, #tpu.memory_space<vmem>>[vector<16xi32>], vector<16xf32>,
        %parallel_loop3A_230 = arith.constant 1.562500e-02 : f32
        %parallel_loop3A_231 = vector.broadcast %parallel_loop3A_230 : f32 to vector<16xf32>
        %parallel_loop3A_232 = arith.mulf %parallel_loop3A_225, %parallel_loop3A_231 : vector<16xf32>
        %parallel_loop3A_233 = arith.constant 1.562500e-02 : f32
        %parallel_loop3A_234 = vector.broadcast %parallel_loop3A_233 : f32 to vector<16xf32>
        %parallel_loop3A_235 = arith.mulf %parallel_loop3A_229, %parallel_loop3A_234 : vector<16xf32>
        %parallel_loop3A_236 = arith.mulf %parallel_loop3A_232, %parallel_loop3A_232 : vector<16xf32>
        %parallel_loop3A_237 = arith.subf %parallel_loop3A_235, %parallel_loop3A_236 : vector<16xf32>
        %parallel_loop3A_238 = arith.constant 9.99999996E-13 : f32
        %parallel_loop3A_239 = vector.broadcast %parallel_loop3A_238 : f32 to vector<16xf32>
        %parallel_loop3A_240 = arith.addf %parallel_loop3A_237, %parallel_loop3A_239 : vector<16xf32>
        %parallel_loop3A_241 = tpu.bitcast %parallel_loop3A_240 : vector<16xf32> -> vector<16xi32>
        %parallel_loop3A_242 = arith.constant 1 : i32
        %parallel_loop3A_243 = vector.broadcast %parallel_loop3A_242 : i32 to vector<16xi32>
        %parallel_loop3A_244 = arith.shrsi %parallel_loop3A_241, %parallel_loop3A_243 : vector<16xi32>
        %parallel_loop3A_245 = arith.constant 1597463007 : i32
        %parallel_loop3A_246 = vector.broadcast %parallel_loop3A_245 : i32 to vector<16xi32>
        %parallel_loop3A_247 = arith.subi %parallel_loop3A_246, %parallel_loop3A_244 : vector<16xi32>
        %parallel_loop3A_248 = tpu.bitcast %parallel_loop3A_247 : vector<16xi32> -> vector<16xf32>
        %parallel_loop3A_249 = arith.constant 5.000000e-01 : f32
        %parallel_loop3A_250 = vector.broadcast %parallel_loop3A_249 : f32 to vector<16xf32>
        %parallel_loop3A_251 = arith.mulf %parallel_loop3A_240, %parallel_loop3A_250 : vector<16xf32>
        %parallel_loop3A_252 = arith.mulf %parallel_loop3A_251, %parallel_loop3A_248 : vector<16xf32>
        %parallel_loop3A_253 = arith.mulf %parallel_loop3A_252, %parallel_loop3A_248 : vector<16xf32>
        %parallel_loop3A_254 = arith.constant 1.500000e+00 : f32
        %parallel_loop3A_255 = vector.broadcast %parallel_loop3A_254 : f32 to vector<16xf32>
        %parallel_loop3A_256 = arith.subf %parallel_loop3A_255, %parallel_loop3A_253 : vector<16xf32>
        %parallel_loop3A_257 = arith.mulf %parallel_loop3A_248, %parallel_loop3A_256 : vector<16xf32>
        %parallel_loop3A_258 = arith.mulf %parallel_loop3A_251, %parallel_loop3A_257 : vector<16xf32>
        %parallel_loop3A_259 = arith.mulf %parallel_loop3A_258, %parallel_loop3A_257 : vector<16xf32>
        %parallel_loop3A_260 = arith.constant 1.500000e+00 : f32
        %parallel_loop3A_261 = vector.broadcast %parallel_loop3A_260 : f32 to vector<16xf32>
        %parallel_loop3A_262 = arith.subf %parallel_loop3A_261, %parallel_loop3A_259 : vector<16xf32>
        %parallel_loop3A_263 = arith.mulf %parallel_loop3A_257, %parallel_loop3A_262 : vector<16xf32>
        %parallel_loop3A_264 = arith.subf %parallel_loop3A_182, %parallel_loop3A_232 : vector<16xf32>
        %parallel_loop3A_265 = arith.mulf %parallel_loop3A_263, %get3A_3 : vector<16xf32>
        %parallel_loop3A_266 = arith.mulf %parallel_loop3A_264, %parallel_loop3A_265 : vector<16xf32>
        %parallel_loop3A_267 = arith.addf %parallel_loop3A_266, %get3A_11 : vector<16xf32>
        %parallel_loop3A_268 = arith.index_cast %parallel_loop3A_172 : i32 to index
        %parallel_loop3A_269 = arith.constant 0 : index
        %parallel_loop3A_270 = tpu.vector_load %arg16[%parallel_loop3A_268, %parallel_loop3A_269] {strides = array<i32>} : memref<256x64xf32, #tpu.memory_space<vmem>>, vector<16xf32>,
        tpu.vector_store %arg16[%parallel_loop3A_268, %parallel_loop3A_269], %parallel_loop3A_267 {strides = array<i32>} : memref<256x64xf32, #tpu.memory_space<vmem>>, vector<16xf32>,
        %parallel_loop3A_271 = arith.subf %parallel_loop3A_187, %parallel_loop3A_232 : vector<16xf32>
        %parallel_loop3A_272 = arith.mulf %parallel_loop3A_263, %get3A_5 : vector<16xf32>
        %parallel_loop3A_273 = arith.mulf %parallel_loop3A_271, %parallel_loop3A_272 : vector<16xf32>
        %parallel_loop3A_274 = arith.addf %parallel_loop3A_273, %get3A_13 : vector<16xf32>
        %parallel_loop3A_275 = arith.index_cast %parallel_loop3A_172 : i32 to index
        %parallel_loop3A_276 = arith.constant 16 : index
        %parallel_loop3A_277 = tpu.vector_load %arg16[%parallel_loop3A_275, %parallel_loop3A_276] {strides = array<i32>} : memref<256x64xf32, #tpu.memory_space<vmem>>, vector<16xf32>,
        tpu.vector_store %arg16[%parallel_loop3A_275, %parallel_loop3A_276], %parallel_loop3A_274 {strides = array<i32>} : memref<256x64xf32, #tpu.memory_space<vmem>>, vector<16xf32>,
        %parallel_loop3A_278 = arith.subf %parallel_loop3A_192, %parallel_loop3A_232 : vector<16xf32>
        %parallel_loop3A_279 = arith.mulf %parallel_loop3A_263, %get3A_7 : vector<16xf32>
        %parallel_loop3A_280 = arith.mulf %parallel_loop3A_278, %parallel_loop3A_279 : vector<16xf32>
        %parallel_loop3A_281 = arith.addf %parallel_loop3A_280, %get3A_15 : vector<16xf32>
        %parallel_loop3A_282 = arith.index_cast %parallel_loop3A_172 : i32 to index
        %parallel_loop3A_283 = arith.constant 32 : index
        %parallel_loop3A_284 = tpu.vector_load %arg16[%parallel_loop3A_282, %parallel_loop3A_283] {strides = array<i32>} : memref<256x64xf32, #tpu.memory_space<vmem>>, vector<16xf32>,
        tpu.vector_store %arg16[%parallel_loop3A_282, %parallel_loop3A_283], %parallel_loop3A_281 {strides = array<i32>} : memref<256x64xf32, #tpu.memory_space<vmem>>, vector<16xf32>,
        %parallel_loop3A_285 = arith.subf %parallel_loop3A_197, %parallel_loop3A_232 : vector<16xf32>
        %parallel_loop3A_286 = arith.mulf %parallel_loop3A_263, %get3A_9 : vector<16xf32>
        %parallel_loop3A_287 = arith.mulf %parallel_loop3A_285, %parallel_loop3A_286 : vector<16xf32>
        %parallel_loop3A_288 = arith.addf %parallel_loop3A_287, %get3A_17 : vector<16xf32>
        %parallel_loop3A_289 = arith.index_cast %parallel_loop3A_172 : i32 to index
        %parallel_loop3A_290 = arith.constant 48 : index
        %parallel_loop3A_291 = tpu.vector_load %arg16[%parallel_loop3A_289, %parallel_loop3A_290] {strides = array<i32>} : memref<256x64xf32, #tpu.memory_space<vmem>>, vector<16xf32>,
        tpu.vector_store %arg16[%parallel_loop3A_289, %parallel_loop3A_290], %parallel_loop3A_288 {strides = array<i32>} : memref<256x64xf32, #tpu.memory_space<vmem>>, vector<16xf32>,
      } {sc.loop_unroll_factor = 8 : i64, sc.parallel_access}
      %mul3A_158 = arith.constant 256 : i32
      %mul3A_159 = arith.muli %add3A_127, %mul3A_158 : i32
      %add3A_160 = arith.addi %mul3A_2, %mul3A_159 : i32
      %dma_start3A_161 = arith.constant 0 : i32
      %dma_start3A_162 = tpu.memref_slice %arg8[%add3A_160, %dma_start3A_161] : memref<262144x64xf32, #tpu.memory_space<hbm>> -> memref<256x64xf32, #tpu.memory_space<hbm>>
      %dma_start3A_163 = arith.constant 0 : i32
      %dma_start3A_164 = tpu.memref_slice %arg8[%add3A_160, %dma_start3A_163] : memref<262144x64xf32, #tpu.memory_space<hbm>> -> memref<256x64xf32, #tpu.memory_space<hbm>>
      tpu.enqueue_dma source(%arg16 : memref<256x64xf32, #tpu.memory_space<vmem>>) target(%dma_start3A_164 : memref<256x64xf32, #tpu.memory_space<hbm>>) target_semaphore(%arg22 : memref<!tpu.dma_semaphore, #tpu.memory_space<semaphore_mem>>)
      %add3A_165 = arith.constant 2 : i32
      %add3A_166 = arith.addi %add3A_127, %add3A_165 : i32
      %lt3A_167 = arith.constant 32 : i32
      %lt3A_168 = arith.cmpi slt, %add3A_166, %lt3A_167 : i32
      %convert_element_type3A_169 = arith.extui %lt3A_168 : i1 to i32
      %cond3A_170 = arith.constant 0 : i32
      %cond3A_171 = arith.cmpi ne, %convert_element_type3A_169, %cond3A_170 : i32
      scf.if %cond3A_171 {
        %add3A_172 = arith.constant 2 : i32
        %add3A_173 = arith.addi %add3A_127, %add3A_172 : i32
        %mul3A_174 = arith.constant 256 : i32
        %mul3A_175 = arith.muli %add3A_173, %mul3A_174 : i32
        %add3A_176 = arith.constant 0 : i32
        %add3A_177 = arith.addi %mul3A_175, %add3A_176 : i32
        %mul3A_178 = arith.constant 256 : i32
        %mul3A_179 = arith.muli %add3A_173, %mul3A_178 : i32
        %add3A_180 = arith.constant 128 : i32
        %add3A_181 = arith.addi %mul3A_179, %add3A_180 : i32
        %dma_start3A_182 = arith.constant 0 : i32
        %dma_start3A_183 = arith.constant 0 : i32
        %dma_start3A_184 = tpu.memref_slice %arg14[%dma_start3A_182, %dma_start3A_183] : memref<256x64xf32, #tpu.memory_space<vmem>> -> memref<128x64xf32, #tpu.memory_space<vmem>>
        %dma_start3A_185 = tpu.memref_slice %arg9[%add3A_177] : memref<8192xi32, #tpu.memory_space<vmem>> -> memref<128xi32, #tpu.memory_space<vmem>>
        %dma_start3A_186 = arith.constant 0 : i32
        %dma_start3A_187 = arith.constant 0 : i32
        %dma_start3A_188 = tpu.memref_slice %arg4[%dma_start3A_186, %dma_start3A_187] : memref<1000000x64xf32, #tpu.memory_space<hbm>> -> memref<1000000x64xf32, #tpu.memory_space<hbm>>
        tpu.enqueue_indirect_dma source(%dma_start3A_188 : memref<1000000x64xf32, #tpu.memory_space<hbm>>) target(%dma_start3A_184 : memref<128x64xf32, #tpu.memory_space<vmem>>) offsets(%dma_start3A_185 : memref<128xi32, #tpu.memory_space<vmem>>) semaphore(%arg20 : memref<!tpu.dma_semaphore, #tpu.memory_space<semaphore_mem>>)
        %dma_start3A_189 = arith.constant 128 : i32
        %dma_start3A_190 = arith.constant 0 : i32
        %dma_start3A_191 = tpu.memref_slice %arg14[%dma_start3A_189, %dma_start3A_190] : memref<256x64xf32, #tpu.memory_space<vmem>> -> memref<128x64xf32, #tpu.memory_space<vmem>>
        %dma_start3A_192 = tpu.memref_slice %arg9[%add3A_181] : memref<8192xi32, #tpu.memory_space<vmem>> -> memref<128xi32, #tpu.memory_space<vmem>>
        %dma_start3A_193 = arith.constant 0 : i32
        %dma_start3A_194 = arith.constant 0 : i32
        %dma_start3A_195 = tpu.memref_slice %arg4[%dma_start3A_193, %dma_start3A_194] : memref<1000000x64xf32, #tpu.memory_space<hbm>> -> memref<1000000x64xf32, #tpu.memory_space<hbm>>
        tpu.enqueue_indirect_dma source(%dma_start3A_195 : memref<1000000x64xf32, #tpu.memory_space<hbm>>) target(%dma_start3A_191 : memref<128x64xf32, #tpu.memory_space<vmem>>) offsets(%dma_start3A_192 : memref<128xi32, #tpu.memory_space<vmem>>) semaphore(%arg20 : memref<!tpu.dma_semaphore, #tpu.memory_space<semaphore_mem>>)
      } else {
      }
    }
    %scan3A_68 = arith.constant 16 : i32
    %add3A_69 = arith.constant 7680 : i32
    %add3A_70 = arith.addi %mul3A_2, %add3A_69 : i32
    %dma_wait3A = arith.constant 0 : i32
    %dma_wait3A_71 = tpu.memref_slice %arg8[%add3A_70, %dma_wait3A] : memref<262144x64xf32, #tpu.memory_space<hbm>> -> memref<256x64xf32, #tpu.memory_space<hbm>>
    %dma_wait3A_72 = arith.constant 0 : i32
    %dma_wait3A_73 = tpu.memref_slice %arg8[%add3A_70, %dma_wait3A_72] : memref<262144x64xf32, #tpu.memory_space<hbm>> -> memref<256x64xf32, #tpu.memory_space<hbm>>
    tpu.wait_dma2 semaphore(%arg21 : memref<!tpu.dma_semaphore, #tpu.memory_space<semaphore_mem>>) src(%arg15 : memref<256x64xf32, #tpu.memory_space<vmem>>) dst(%dma_wait3A_73 : memref<256x64xf32, #tpu.memory_space<hbm>>)
    %add3A_74 = arith.constant 7936 : i32
    %add3A_75 = arith.addi %mul3A_2, %add3A_74 : i32
    %dma_wait3A_76 = arith.constant 0 : i32
    %dma_wait3A_77 = tpu.memref_slice %arg8[%add3A_75, %dma_wait3A_76] : memref<262144x64xf32, #tpu.memory_space<hbm>> -> memref<256x64xf32, #tpu.memory_space<hbm>>
    %dma_wait3A_78 = arith.constant 0 : i32
    %dma_wait3A_79 = tpu.memref_slice %arg8[%add3A_75, %dma_wait3A_78] : memref<262144x64xf32, #tpu.memory_space<hbm>> -> memref<256x64xf32, #tpu.memory_space<hbm>>
    tpu.wait_dma2 semaphore(%arg22 : memref<!tpu.dma_semaphore, #tpu.memory_space<semaphore_mem>>) src(%arg16 : memref<256x64xf32, #tpu.memory_space<vmem>>) dst(%dma_wait3A_79 : memref<256x64xf32, #tpu.memory_space<hbm>>)
    return
  }
}

</mosaic_0001>

<sc_bundles>
// kernel: kernel.3.cloned.1.call-start
scs
__scs_entry_jumppad:
0x0: {  	(pc) =	sbr.rel $0x88, $3  }
0x1: {  	(tag) =	ssettag $0x0;
	lr =	simm.s32 $0x1  }
0x2: {  	[smem:$0x3F9B] =	sst lr;
	_ =	strace $0xD0000000  }
0x3: {  	_ = 	snop  }
0x4: {  	_ = 	snop  }
0x5: {  	_ = 	snop  }
0x6: {  	_ = 	snop  }
0x7: {  	_ = 	snop  }
__scs_overlays_trampoline_lowered:
0x8: {  	[smem:$0x3FAA] =	sst s0  }
0x9: {  	[smem:$0x3FAB] =	sst s1  }
0xa: {  	[smem:$0x3FAC] =	sst s2  }
0xb: {  	[smem:$0x3FAD] =	sst s3  }
0xc: {  	[smem:$0x3FAE] =	sst s4  }
0xd: {  	[smem:$0x3FAF] =	sst s5  }
0xe: {  	[smem:$0x3FB0] =	sst s6  }
0xf: {  	[smem:$0x3FB1] =	sst s7  }
0x10: {  	[smem:$0x3FB2] =	sst s8  }
0x11: {  	[smem:$0x3FB3] =	sst s9;
	s0 =	simm.s32 @!p0 $0x0  }
0x12: {  	s1 =	sld [smem:$0x3F99];
	s0 =	simm.s32 @p0 $0x1  }
0x13: {  	[smem:$0x3FB4] =	sst s0;
	s0 =	simm.s32 @!p1 $0x0  }
0x14: {  	s2 =	sld [smem:$0x3F98];
	s0 =	simm.s32 @p1 $0x1  }
0x15: {  	[smem:$0x3FB5] =	sst s0;
	s0 =	simm.s32 @!p2 $0x0  }
0x16: {  	s3 =	sld [smem:$0x3FDB];
	s0 =	simm.s32 @p2 $0x1  }
0x17: {  	s4 =	simm.s32 $0x1BF5;
	[smem:$0x3FB7] =	sst s0  }
0x18: {  	s0 =	sld [smem:$0x3F9A];
	_ =	swait.ge [sflag:s4], $0x0  }
0x19: {  	s7 =	sld [smem:$0x3F9B]  }
0x1a: {  	s8 =	sadd.s32 $0xFFFFE003, lr  }
0x1b: {  	s9 =	sadd.s32 $0xFFFFFEF7, lr;
	s5 =	simm.s32 $0xFFFFFFFF;
	p2 =	slt.u32 s8, $0xFFFFF086  }
0x1c: {  	p1 =	slt.u32 s9, $0xF7A;
	s5 =	simm.s32 @!p2 $0x0  }
0x1d: {  	s5 =	simm.s32 @p1 $0x1;
	p0 =	seq.s32 s7, s2  }
0x1e: {  	s7 =	smul.u32 @!p0 $0xF7A, s2;
	p2 =	seq.s32 @!p0 s5, $0x0  }
0x1f: {  	s9 =	smul.u32 $0xF7A, s1;
	s8 =	simm.s32 @!p0 $0x1BF5;
	p2 =	por !p2, p0  }
0x20: {  	[sflag:s8] =	ssyncset.s32 @!p0 $0xFFFFF086;
	s6 =	sadd.s32 @!p0 s3, s7;
	s7 =	simm.s32 @!p0 $0x108  }
0x21: {  	s3 =	sadd.s32 s3, s9;
	s6 =	sadd.s32 @!p0 $0x88, s6;
	s7 =	simm.s32 @p2 $0x1082  }
0x22: {  	[simem:s7], [sflag:s8] =	dma.local @!p0 [hbm:s6], $0xF7A  }
0x23: {  	s9 =	sor.u32 $0xD0000000, s2;
	s6 =	simm.s32 $0x108;
	_ =	swait.ge @!p0 [sflag:s8], $0x0  }
0x24: {  	s3 =	sadd.s32 $0x88, s3;
	s6 =	simm.s32 @!p1 $0x1082;
	[sflag:s4] =	ssyncset.s32 $0xFFFFF086  }
0x25: {  	[simem:s6], [sflag:s4] =	dma.local [hbm:s3], $0xF7A  }
0x26: {  	[smem:$0x3F9B] =	sst s1;
	(tag) =	ssettag s2;
	_ =	strace s9  }
0x27: {  	s1 =	sld [smem:$0x3FAB]  }
0x28: {  	s2 =	sld [smem:$0x3FAC]  }
0x29: {  	s4 =	sld [smem:$0x3FAE]  }
0x2a: {  	p0 =	seq.s32 s5, $0x0;
	s5 =	sld [smem:$0x3FAF]  }
0x2b: {  	s6 =	sld [smem:$0x3FB0]  }
0x2c: {  	s7 =	sld [smem:$0x3FB1]  }
0x2d: {  	s3 =	simm.s32 $0x108;
	s8 =	sld [smem:$0x3FB2]  }
0x2e: {  	s3 =	simm.s32 @!p0 $0x1082;
	s9 =	sld [smem:$0x3FB3]  }
0x2f: {  	lr =	sadd.s32 s0, s3;
	s0 =	sld [smem:$0x3FAA]  }
0x30: {  	s3 =	sld [smem:$0x3FAD]  }
0x31: {  	[smem:$0x3FB6] =	sst s10  }
0x32: {  	s10 =	sld [smem:$0x3FB4];
	_ =	sdelay $0x3  }
0x33: {  	p0 =	seq.s32 s10, $0x1;
	s10 =	sld [smem:$0x3FB6];
	_ =	sdelay $0x3  }
0x34: {  	[smem:$0x3FB6] =	sst s10  }
0x35: {  	s10 =	sld [smem:$0x3FB5];
	_ =	sdelay $0x3  }
0x36: {  	p1 =	seq.s32 s10, $0x1;
	s10 =	sld [smem:$0x3FB6];
	_ =	sdelay $0x3  }
0x37: {  	[smem:$0x3FB6] =	sst s10  }
0x38: {  	s10 =	sld [smem:$0x3FB7]  }
0x39: {  	_ = 	snop;
	(pc) =	sbr.ind lr, $3  }
0x3a: {  	_ = 	snop  }
0x3b: {  	_ = 	snop  }
0x3c: {  	p2 =	seq.s32 s10, $0x1;
	s10 =	sld [smem:$0x3FB6]  }
0x3d: {  	_ =	shalt  }
0x3e: {  	_ =	shalt  }
0x3f: {  	_ =	shalt  }
0x40: {  	_ =	shalt  }
0x41: {  	_ =	shalt  }
0x42: {  	_ =	shalt  }
0x43: {  	_ =	shalt  }
0x44: {  	_ =	shalt  }
0x45: {  	_ =	shalt  }
0x46: {  	_ =	shalt  }
0x47: {  	_ =	shalt  }
0x48: {  	_ =	shalt  }
0x49: {  	_ =	shalt  }
0x4a: {  	_ =	shalt  }
0x4b: {  	_ =	shalt  }
0x4c: {  	_ =	shalt  }
0x4d: {  	_ =	shalt  }
0x4e: {  	_ =	shalt  }
0x4f: {  	_ =	shalt  }
0x50: {  	_ =	shalt  }
0x51: {  	_ =	shalt  }
0x52: {  	_ =	shalt  }
0x53: {  	_ =	shalt  }
0x54: {  	_ =	shalt  }
0x55: {  	_ =	shalt  }
0x56: {  	_ =	shalt  }
0x57: {  	_ =	shalt  }
0x58: {  	_ =	shalt  }
0x59: {  	_ =	shalt  }
0x5a: {  	_ =	shalt  }
0x5b: {  	_ =	shalt  }
0x5c: {  	_ =	shalt  }
0x5d: {  	_ =	shalt  }
0x5e: {  	_ =	shalt  }
0x5f: {  	_ =	shalt  }
0x60: {  	_ =	shalt  }
0x61: {  	_ =	shalt  }
0x62: {  	_ =	shalt  }
0x63: {  	_ =	shalt  }
0x64: {  	_ =	shalt  }
0x65: {  	_ =	shalt  }
0x66: {  	_ =	shalt  }
0x67: {  	_ =	shalt  }
0x68: {  	_ =	shalt  }
0x69: {  	_ =	shalt  }
0x6a: {  	_ =	shalt  }
0x6b: {  	_ =	shalt  }
0x6c: {  	_ =	shalt  }
0x6d: {  	_ =	shalt  }
0x6e: {  	_ =	shalt  }
0x6f: {  	_ =	shalt  }
0x70: {  	_ =	shalt  }
0x71: {  	_ =	shalt  }
0x72: {  	_ =	shalt  }
0x73: {  	_ =	shalt  }
0x74: {  	_ =	shalt  }
0x75: {  	_ =	shalt  }
0x76: {  	_ =	shalt  }
0x77: {  	_ =	shalt  }
0x78: {  	_ =	shalt  }
0x79: {  	_ =	shalt  }
0x7a: {  	_ =	shalt  }
0x7b: {  	_ =	shalt  }
0x7c: {  	_ =	shalt  }
0x7d: {  	_ =	shalt  }
0x7e: {  	_ =	shalt  }
0x7f: {  	_ =	shalt  }
0x80: {  	_ =	shalt  }
0x81: {  	_ =	shalt  }
0x82: {  	_ =	shalt  }
0x83: {  	_ =	shalt  }
0x84: {  	_ =	shalt  }
0x85: {  	_ =	shalt  }
0x86: {  	_ =	shalt  }
0x87: {  	_ =	shalt  }
.Lfunc_end0:
.L_simem_size_0:
called_computation_lowered:
.L_overlay_start_0:
0x88: {  	s2 =	sld [smem:$0x3FD9]  }
0x89: {  	s3 =	sld [smem:$0x3FFE];
	_ =	sdelay $0x1  }
0x8a: {  	s1 =	srdreg.scid  }
0x8b: {  	s0 =	sand.u32 $0x1, s1  }
0x8c: {  	s17 =	sshll.u32 s0, $0xA;
	s2 =	sadd.s32 s3, s2  }
0x8d: {  	s2 =	sadd.s32 s2, s17  }
0x8e: {  	[smem:$0x3FC2] =	sst s2  }
0x8f: {  	_ = 	snop  }
0x90: {  	s2 =	sld [smem:$0x3FC5]  }
0x91: {  	s18 =	sld [smem:$0x3FC4]  }
0x92: {  	s4 =	sld [smem:$0x3FD0];
	(tm) =	ssettm $0x1  }
0x93: {  	s5 =	sld [smem:$0x3FFB];
	_ =	sdelay $0x3  }
0x94: {  	_ =	strace s5  }
0x95: {  	s5 =	sld [smem:$0x3FFC];
	_ =	sdelay $0x3  }
0x96: {  	_ =	strace s5  }
0x97: {  	s5 =	sld [smem:$0x3FFD];
	_ =	sdelay $0x3  }
0x98: {  	_ =	strace s5  }
0x99: {  	_ =	strace $0x8FFFFFFF  }
0x9a: {  	s19 =	sld [smem:$0x3FDB];
	_ =	sdelay $0x1  }
0x9b: {  	s6 =	simm.s32 $_scs_section_size  }
0x9c: {  	s7 =	simm.s32 $_size__tile_overlayer_lowered;
	s8 =	simm.s32 $_tile_overlayer_lowered  }
0x9d: {  	s22 =	simm.s32 $0x1BFF;
	s21 =	sshll.u32 s8, $0x1;
	s5 =	sadd.s32 s6, s19  }
0x9e: {  	s9 =	simm.s32 $0x0;
	s20 =	sshll.u32 s7, $0x1;
	s7 =	sadd.s32 s21, s5  }
0x9f: {  	[timem:s9], [sflag:s22] =	dma.local [hbm:s7], s20  }
0xa0: {  	_ =	swait.ge [sflag:s22], s20  }
0xa1: {  	s6 =	ssub.s32 $0x0, s20;
	[sflag:s22] =	ssyncset.done $0x0  }
0xa2: {  	[sflag:s22] =	ssyncadd.s32 s6;
	_ =	sdelay $0x1  }
0xa3: {  	s23 =	simm.s32 $0x1B8B  }
0xa4: {  	_ =	swait.ge [sflag:s23], $0x1  }
0xa5: {  	[sflag:s23] =	ssyncset.done $0x0  }
0xa6: {  	s25 =	simm.s32 $0x1B8E;
	s24 =	sld [smem:$0x3FFE];
	[sflag:s23] =	ssyncadd.s32 $0xFFFFFFFF  }
0xa7: {  	s26 =	simm.s32 $execute0_lowered;
	[smem:$0x3FD2] =	sst s25  }
0xa8: {  	s7 =	sshll.u32 s26, $0x1;
	_ =	strace $0x80000046;
	[dreg:$0x1] =	wrdreg $0xFFFFFFFF  }
0xa9: {  	s28 =	simm.s32 $_size_execute0_lowered;
	s5 =	sadd.s32 s5, s7;
	[dreg:$0x0] =	wrdreg $0x0  }
0xaa: {  	s7 =	sshll.u32 s28, $0x1;
	[dreg:$0x2] =	wrdreg s5  }
0xab: {  	[dreg:$0x3] =	wrdreg s7  }
0xac: {  	[dreg:$0x4] =	wrdreg $0xC0  }
0xad: {  	_ =	task [dreg:s9], $0x5FFFF  }
0xae: {  	[dreg:$0x1] =	wrdreg $0xFFFFFFFF  }
0xaf: {  	[dreg:$0x0] =	wrdreg $0x60  }
0xb0: {  	[dreg:$0x2] =	wrdreg s4  }
0xb1: {  	[dreg:$0x3] =	wrdreg s24  }
0xb2: {  	[dreg:$0x4] =	wrdreg s2  }
0xb3: {  	[dreg:$0x5] =	wrdreg s18  }
0xb4: {  	[dreg:$0x6] =	wrdreg $0x9  }
0xb5: {  	_ =	task.clear_ibuf [dreg:s9], $0x7FFFF;
	_ =	strace $0x90000046  }
0xb6: {  	s29 =	simm.s32 $0x9;
	_ =	strace $0x80000048  }
0xb7: {  	_ =	swait.ge [sflag:s29], $0x1  }
0xb8: {  	[sflag:s29] =	ssyncadd.s32 $0xFFFFFFFF  }
0xb9: {  	_ =	strace $0x90000048  }
0xba: {  	_ =	sfence  }
0xbb: {  	s30 =	sld [smem:$0x0];
	_ =	sdelay $0x2  }
0xbc: {  	s31 =	sshll.u32 s1, $0xD;
	s1 =	sshrl.u32 s1, $0x2  }
0xbd: {  	s3 =	sand.u32 $0x4000, s31;
	s1 =	sadd.s32 s1, s30  }
0xbe: {  	s0 =	sor.u32 s3, s0;
	s1 =	sshll.u32 s1, $0x11  }
0xbf: {  	s0 =	sor.u32 s1, s0  }
0xc0: {  	s0 =	sadd.s32 $0x8F2B, s0  }
0xc1: {  	[sflag:s0] =	ssyncadd.remote.s32 $0x1  }
0xc2: {  	_ =	sfence.sel $0xFFFF  }
0xc3: {  	[dreg:$0x0] =	wrdreg $0xFFFFFFFF;
	(pc) =	sbr.abs _section_cstart, $3  }
0xc4: {  	[dreg:$0x1] =	wrdreg $0xFFFFFFFF  }
0xc5: {  	_ =	task.clear_ibuf [dreg:s9], $0x2FFFF;
	_ =	strace $0x9FFFFFFF  }
0xc6: {  	(tm) =	ssettm $0x7FFFFFFF  }
0xc7: {  	_ =	shalt  }
tec
execute0_lowered:
.L_overlay_start_1:
0x0: {  	(tag) =	ssettag $0x1  }
0x1: {  	s0 =	rddreg [dreg:$0x0]  }
0x2: {  	s1 =	rddreg [dreg:$0x1]  }
0x3: {  	s2 =	srdreg.scid;
	s3 =	stileid.u32  }
0x4: {  	s4 =	simm.s32 $0x0;
	s12 =	simm.s32 $0x5;
	s14 =	simm.s32 $0x4000  }
0x5: {  	s15 =	simm.s32 $0x2000;
	s16 =	simm.s32 $0x80;
	s20 =	simm.s32 $0x12000  }
0x6: {  	s22 =	simm.s32 $0x14000;
	s23 =	simm.s32 $0x1;
	s24 =	simm.s32 $0xC000  }
0x7: {  	s28 =	simm.s32 $0x1A000;
	s29 =	simm.s32 $0x3;
	s30 =	simm.s32 $0x4  }
0x8: {  	s31 =	simm.s32 $0x0;
	s2 =	sand.u32 $0x1, s2;
	s3 =	sshll.u32 s3, $0xE  }
0x9: {  	[smem:$0x7FF] =	sst s4;
	s6 =	sadd.s32 $0x8A00, s1;
	s5 =	sshll.u32 s2, $0xD  }
0xa: {  	_ =	strace $0x80000047;
	s2 =	ssub.s32 $0x2, s2;
	[dreg:$0x5] =	wrdreg s6  }
0xb: {  	v63 =	vlaneseq.u32;
	s3 =	sor.u32 s5, s3;
	s5 =	sadd.s32 $0xF42E00, s1;
	s9 =	sshrl.u32 s2, $0x1  }
.Ltmp0:
0xc: {  	v48 =	vor.u32 $0x10, v63;
	s7 =	sshrl.u32 s3, $0x3;
	s3 =	sshll.u32 s3, $0x3;
	(pc) =	sbr.rel .LBB2_1-.Ltmp0, $4  }
0xd: {  	v47 =	vor.u32 $0x20, v63;
	[tilespmem:$0x1FFC0] =	vst v48;
	s2 =	ssub.s32 s2, s9;
	s8 =	sadd.s32 s7, s1;
	s0 =	sadd.s32 s0, s7  }
0xe: {  	v0 =	vimm.s32 $0x0;
	vm0 =	vcmask $0x300;
	v50 =	vor.u32 $0x30, v63;
	[tilespmem:$0x1FFD0] =	vst v47;
	s1 =	sadd.s32 s3, s1;
	s26 =	smax.u32 s2, $0x1;
	[dreg:$0x6] =	wrdreg s0  }
0xf: {  	v46 =	vsel vm0, $0x3, v0;
	[tilespmem:$0x1FFE0] =	vst v50;
	s25 =	sadd.s32 $0xA00, s8;
	s9 =	sadd.s32 $0x9A00, s1;
	[dreg:$0x8] =	wrdreg s26  }
0x10: {  	[tilespmem:$0x1FFF0] =	vst v46;
	s26 =	simm.s32 $0x2;
	[dreg:$0x7] =	wrdreg s25;
	s25 =	simm.s32 $0x16000  }
.LBB2_8:
0x11: {  	_ =	swait.ge [sflag:s29], $0x4000  }
0x12: {  	[sflag:s29] =	ssyncset.done $0x0  }
0x13: {  	[sflag:s29] =	ssyncadd.s32 $0xFFFFC000  }
0x14: {  	_ =	swait.ge [sflag:s30], $0x4000  }
0x15: {  	s31 =	sadd.s32 $0x1, s31;
	s0 =	rddreg [dreg:$0x8]  }
0x16: {  	p0 =	sne.s32 s31, s0  }
.Ltmp1:
0x17: {  	_ = 	snop;
	(pc) =	sbr.rel @!p0 .LBB2_9-.Ltmp1, $3  }
0x18: {  	_ =	sdelay $0x1  }
0x19: {  	[sflag:s30] =	ssyncset.done $0x0  }
0x1a: {  	v48 =	vmov v32;
	v47 =	vmov v33;
	v50 =	vmov v34;
	[sflag:s30] =	ssyncadd.s32 $0xFFFFC000  }
.LBB2_1:
0x1b: {  	s0 =	rddreg [dreg:$0x2];
	s1 =	simm.s32 $0x1E000  }
0x1c: {  	[tilespmem:s1], [sflag:$0x5] =	stream.linear.gather [hbm4b:s0+s4], $0x40, $0x38;
	[tilespmem:$0x1E080] =	vst v63  }
0x1d: {  	_ =	swait.ge [sflag:s12], $0x40  }
0x1e: {  	[sflag:s12] =	ssyncset.done $0x0  }
0x1f: {  	[sflag:s12] =	ssyncadd.s32 $0xFFFFFFC0  }
0x20: {  	s8 =	simm.s32 $0x1E040;
	s7 =	rddreg [dreg:$0x3]  }
0x21: {  	[tilespmem:s8], [sflag:$0x5] =	stream.linear.gather [hbm4b:s7+s4], $0x40, $0x38;
	[tilespmem:$0x1E080] =	vst v63  }
0x22: {  	_ =	swait.ge [sflag:s12], $0x40  }
0x23: {  	[sflag:s12] =	ssyncset.done $0x0  }
0x24: {  	s10 =	rddreg [dreg:$0x5];
	[sflag:s12] =	ssyncadd.s32 $0xFFFFFFC0  }
0x25: {  	[tilespmem:s14], [sflag:$0x5] =	stream.linear.gather [hbm4b:s10+s4], $0x8000, $0x38;
	[tilespmem:$0x1E080] =	vst v63  }
0x26: {  	_ =	swait.ge [sflag:s12], $0x8000  }
0x27: {  	[sflag:s12] =	ssyncset.done $0x0  }
0x28: {  	s11 =	rddreg [dreg:$0x6];
	[sflag:s12] =	ssyncadd.s32 $0xFFFF8000  }
0x29: {  	[tilespmem:s4], [sflag:$0x5] =	stream.linear.gather [hbm4b:s11+s4], $0x2000, $0x38;
	[tilespmem:$0x1E080] =	vst v63  }
0x2a: {  	_ =	swait.ge [sflag:s12], $0x2000  }
0x2b: {  	[sflag:s12] =	ssyncset.done $0x0  }
0x2c: {  	s13 =	rddreg [dreg:$0x7];
	[sflag:s12] =	ssyncadd.s32 $0xFFFFE000  }
0x2d: {  	[tilespmem:s15], [sflag:$0x5] =	stream.linear.gather [hbm4b:s13+s4], $0x2000, $0x38;
	[tilespmem:$0x1E080] =	vst v63  }
0x2e: {  	_ =	swait.ge [sflag:s12], $0x2000  }
0x2f: {  	[sflag:s12] =	ssyncset.done $0x0  }
0x30: {  	[sflag:s12] =	ssyncadd.s32 $0xFFFFE000  }
0x31: {  	v0 =	vld [tilespmem:$0x1E000]  }
0x32: {  	v58 =	vld [tilespmem:$0x1E010]  }
0x33: {  	v59 =	vld [tilespmem:$0x1E020]  }
0x34: {  	v55 =	vld [tilespmem:$0x1E030]  }
0x35: {  	v60 =	vld [tilespmem:$0x1E040]  }
0x36: {  	v61 =	vld [tilespmem:$0x1E050]  }
0x37: {  	s17 =	simm.s32 $0xE000;
	v62 =	vld [tilespmem:$0x1E060]  }
0x38: {  	v63 =	vld [tilespmem:$0x1E070];
	[tilespmem:s17], [sflag:$0x1] =	stream.indirect.gather [hbm4b:s5+s16], $0x40, s4, s16, $0xb8  }
0x39: {  	s18 =	simm.s32 $0x10000  }
0x3a: {  	[tilespmem:s18], [sflag:$0x1] =	stream.indirect.gather [hbm4b:s5+s16], $0x40, s16, s16, $0xb8;
	[tilespmem:$0x1E080] =	vst v63  }
0x3b: {  	s19 =	simm.s32 $0x100  }
0x3c: {  	[tilespmem:s20], [sflag:$0x2] =	stream.indirect.gather [hbm4b:s5+s16], $0x40, s19, s16, $0xb8;
	[tilespmem:$0x1E080] =	vst v63  }
0x3d: {  	[tilespmem:$0x1FF40] =	vst v0  }
0x3e: {  	[tilespmem:$0x1FF50] =	vst v58  }
0x3f: {  	[tilespmem:$0x1FF60] =	vst v59  }
0x40: {  	[tilespmem:$0x1FF70] =	vst v60  }
0x41: {  	[tilespmem:$0x1FF80] =	vst v61  }
0x42: {  	[tilespmem:$0x1FF90] =	vst v62  }
0x43: {  	[tilespmem:$0x1FFA0] =	vst v63  }
0x44: {  	s21 =	simm.s32 $0x180;
	s1 =	simm.s32 $0x0;
	s0 =	simm.s32 $0x0;
	[tilespmem:$0x1FFB0] =	vst v55  }
0x45: {  	[tilespmem:s22], [sflag:$0x2] =	stream.indirect.gather [hbm4b:s5+s16], $0x40, s21, s16, $0xb8;
	[tilespmem:$0x1E080] =	vst v63  }
.LBB2_2:
0x46: {  	_ =	swait.ge [sflag:s23], $0x2000  }
0x47: {  	[sflag:s23] =	ssyncset.done $0x0  }
0x48: {  	s2 =	sadd.s32 $0xFFFFFFF8, s1;
	[sflag:s23] =	ssyncadd.s32 $0xFFFFE000  }
0x49: {  	s3 =	sadd.s32 $0xF, s2;
	_ =	swait.ge [sflag:s23], $0x2000  }
0x4a: {  	p0 =	seq.s32 s0, $0x0;
	v0 =	vmov s3;
	[sflag:s23] =	ssyncset.done $0x0  }
0x4b: {  	s3 =	simm.s32 @!p0 $0x3;
	v0 =	vshrl.u32 v0, $0x3;
	[sflag:s23] =	ssyncadd.s32 $0xFFFFE000  }
0x4c: {  	s10 =	simm.s32 $0xE100;
	s19 =	sadd.s32 $0x9, s2;
	v0 =	vshll.u32 v0, v46;
	_ =	swait.ge @!p0 [sflag:s3], $0x4000  }
0x4d: {  	s11 =	sadd.s32 $0xA, s2;
	s21 =	sadd.s32 $0xB, s2;
	v0 =	vadd.s32 $0x7, v0;
	[sflag:s3] =	ssyncset.done @!p0 $0x0  }
0x4e: {  	s6 =	sadd.s32 $0xC, s2;
	s7 =	sadd.s32 $0xD, s2;
	v1 =	vmov s19;
	v2 =	vmov s11;
	v0 =	vbroadcast v0, $0x0;
	[sflag:s3] =	ssyncadd.s32 @!p0 $0xFFFFC000  }
0x4f: {  	s8 =	sadd.s32 $0xE, s2;
	s2 =	sadd.s32 $0x8, s2;
	v3 =	vmov s21;
	v4 =	vmov s6;
	v5 =	vmov s7;
	v10 =	vld [tilespmem:s10+$0xC0]  }
0x50: {  	v8 =	vmov s2;
	v1 =	vshrl.u32 v1, $0x3;
	v2 =	vshrl.u32 v2, $0x3;
	v12 =	vld [tilespmem:s10+$0xD0]  }
0x51: {  	v3 =	vshrl.u32 v3, $0x3;
	v4 =	vshrl.u32 v4, $0x3;
	v8 =	vshrl.u32 v8, $0x3;
	v13 =	vld [tilespmem:s10+$0xE0]  }
0x52: {  	v5 =	vshrl.u32 v5, $0x3;
	v2 =	vshll.u32 v2, v46;
	v8 =	vshll.u32 v8, v46;
	v15 =	vld [tilespmem:s10+$0xF0]  }
0x53: {  	v3 =	vshll.u32 v3, v46;
	v2 =	vadd.s32 $0x2, v2;
	v8 =	vbroadcast v8, $0x0;
	v54 =	vld [tilespmem:s10+$0xFFFFFF20]  }
0x54: {  	v1 =	vshll.u32 v1, v46;
	v3 =	vadd.s32 $0x3, v3;
	v2 =	vbroadcast v2, $0x0;
	v0 =	vld.idx.msk [tilespmem:v0+s15+$0x0], $0xffff  }
0x55: {  	v4 =	vshll.u32 v4, v46;
	v1 =	vadd.s32 $0x1, v1;
	v3 =	vbroadcast v3, $0x0;
	v35 =	vld [tilespmem:s10+$0xFFFFFF30]  }
0x56: {  	v5 =	vshll.u32 v5, v46;
	v4 =	vadd.s32 $0x4, v4;
	v1 =	vbroadcast v1, $0x0;
	v36 =	vld [tilespmem:s10+$0xFFFFFF40]  }
0x57: {  	v5 =	vadd.s32 $0x5, v5;
	v4 =	vbroadcast v4, $0x0;
	v40 =	vld [tilespmem:s10+$0xFFFFFF50]  }
0x58: {  	v5 =	vbroadcast v5, $0x0;
	v41 =	vld [tilespmem:s10+$0xFFFFFF70]  }
0x59: {  	v51 =	vlaneseq.u32;
	v8 =	vld.idx.msk [tilespmem:v8+s15+$0x0], $0xffff;
	v0 =	vshll.u32 v0, $0x6  }
0x5a: {  	v6 =	vmov s8;
	v2 =	vld.idx.msk [tilespmem:v2+s15+$0x0], $0xffff;
	v7 =	vor.u32 v51, v0  }
0x5b: {  	v6 =	vshrl.u32 v6, $0x3;
	v9 =	vld.idx.msk [tilespmem:v3+s15+$0x0], $0xffff;
	v3 =	vor.u32 v48, v0  }
0x5c: {  	v6 =	vshll.u32 v6, v46;
	v1 =	vld.idx.msk [tilespmem:v1+s15+$0x0], $0xffff;
	v11 =	vor.u32 v47, v0  }
0x5d: {  	v6 =	vadd.s32 $0x6, v6;
	v4 =	vld.idx.msk [tilespmem:v4+s15+$0x0], $0xffff;
	v0 =	vor.u32 v50, v0  }
0x5e: {  	v6 =	vbroadcast v6, $0x0;
	v5 =	vld.idx.msk [tilespmem:v5+s15+$0x0], $0xffff  }
0x5f: {  	v8 =	vshll.u32 v8, $0x6;
	v7 =	vld.idx.msk [tilespmem:v7+s14+$0x0], $0xffff  }
0x60: {  	v18 =	vshll.u32 v2, $0x6;
	v34 =	vor.u32 v47, v8;
	v3 =	vld.idx.msk [tilespmem:v3+s14+$0x0], $0xffff  }
0x61: {  	v1 =	vshll.u32 v1, $0x6;
	v20 =	vor.u32 v51, v18;
	v11 =	vld.idx.msk [tilespmem:v11+s14+$0x0], $0xffff  }
0x62: {  	v14 =	vld.idx.msk [tilespmem:v0+s14+$0x0], $0xffff;
	v0 =	vor.u32 v51, v1  }
0x63: {  	v43 =	vld [tilespmem:s10+$0xFFFFFF80];
	v9 =	vshll.u32 v9, $0x6;
	v16 =	vor.u32 v48, v1  }
0x64: {  	v6 =	vld.idx.msk [tilespmem:v6+s15+$0x0], $0xffff;
	v4 =	vshll.u32 v4, $0x6;
	v5 =	vshll.u32 v5, $0x6;
	v17 =	vor.u32 v47, v1  }
0x65: {  	v19 =	vor.u32 v50, v1;
	v21 =	vor.u32 v48, v18;
	v23 =	vor.u32 v51, v9;
	v53 =	vld.idx.msk [tilespmem:v34+s14+$0x0], $0xffff  }
0x66: {  	v24 =	vor.u32 v47, v4;
	v20 =	vld.idx.msk [tilespmem:v20+s14+$0x0], $0xffff;
	v2 =	vadd.f32 v7, v10;
	v1 =	vadd.f32 v3, v12  }
0x67: {  	v25 =	vor.u32 v51, v5;
	v7 =	vld.idx.msk [tilespmem:v0+s14+$0x0], $0xffff;
	v0 =	vadd.f32 v11, v13;
	v3 =	vadd.f32 v14, v15  }
0x68: {  	v10 =	vld.idx.msk [tilespmem:v16+s14+$0x0], $0xffff;
	v11 =	vor.u32 v47, v18;
	v13 =	vmul.f32 v2, v2;
	v14 =	vmul.f32 v1, v1  }
0x69: {  	v12 =	vld.idx.msk [tilespmem:v17+s14+$0x0], $0xffff;
	v15 =	vor.u32 v50, v18;
	v17 =	vmul.f32 v0, v0;
	v18 =	vmul.f32 v3, v3  }
0x6a: {  	v26 =	vor.u32 v48, v5;
	v16 =	vld.idx.msk [tilespmem:v19+s14+$0x0], $0xffff;
	v19 =	vadd.f32 v1, v2;
	v22 =	vadd.f32 v3, v0  }
0x6b: {  	v21 =	vld.idx.msk [tilespmem:v21+s14+$0x0], $0xffff;
	v13 =	vadd.f32 v14, v13;
	v14 =	vadd.f32 v18, v17  }
0x6c: {  	v23 =	vld.idx.msk [tilespmem:v23+s14+$0x0], $0xffff;
	v18 =	vadd.f32 v22, v19  }
0x6d: {  	v24 =	vld.idx.msk [tilespmem:v24+s14+$0x0], $0xffff;
	v13 =	vadd.f32 v14, v13  }
0x6e: {  	v25 =	vld.idx.msk [tilespmem:v25+s14+$0x0], $0xffff;
	(xrf2) =	vadd.scan.msk.f32 $0xffff, v18  }
0x6f: {  	v26 =	vld.idx.msk [tilespmem:v26+s14+$0x0], $0xffff;
	v17 =	vor.u32 v48, v9;
	(xrf2) =	vadd.scan.msk.f32 $0xffff, v13  }
0x70: {  	v14 =	vld.idx.msk [tilespmem:v15+s14+$0x0], $0xffff;
	v15 =	vor.u32 v51, v4  }
0x71: {  	v19 =	vld [tilespmem:s10+$0xFFFFFF00];
	v22 =	vor.u32 v47, v9  }
0x72: {  	v11 =	vld.idx.msk [tilespmem:v11+s14+$0x0], $0xffff;
	v13 =	vor.u32 v48, v4;
	v4 =	vor.u32 v50, v4  }
0x73: {  	v9 =	vor.u32 v50, v9;
	v18 =	vld [tilespmem:s10+$0xFFFFFF10]  }
0x74: {  	v17 =	vld.idx.msk [tilespmem:v17+s14+$0x0], $0xffff  }
0x75: {  	s11 =	simm.s32 $0xEF;
	v27 =	vld.idx.msk [tilespmem:v15+s14+$0x0], $0xffff;
	v15 =	vor.u32 v47, v5  }
0x76: {  	v28 =	vmov s11;
	v22 =	vld.idx.msk [tilespmem:v22+s14+$0x0], $0xffff  }
0x77: {  	v5 =	vor.u32 v50, v5;
	v29 =	vld.idx.msk [tilespmem:v4+s14+$0x0], $0xffff;
	v4 =	vshll.u32 v6, $0x6  }
0x78: {  	s2 =	simm.s32 $0xC080;
	v9 =	vld.idx.msk [tilespmem:v9+s14+$0x0], $0xffff;
	v31 =	vor.u32 v51, v4;
	v6, _, _ =	vpop (xrf2)  }
0x79: {  	v13 =	vld.idx.msk [tilespmem:v13+s14+$0x0], $0xffff;
	v32 =	vor.u32 v48, v4;
	[tilespmem:s2+$0x60] =	vst v6;
	v6, _, _ =	vpop (xrf2)  }
0x7a: {  	v37 =	vld.idx.msk [tilespmem:v15+s14+$0x0], $0xffff;
	[tilespmem:s2+$0x70] =	vst v6;
	v6 =	vor.u32 v47, v4  }
0x7b: {  	v33 =	vor.u32 v48, v8;
	v15 =	vld.idx.msk [tilespmem:v28+s24+$0x0], $0xffff  }
0x7c: {  	v30 =	vor.u32 $0x17, v28;
	v28 =	vld.idx.msk [tilespmem:v5+s14+$0x0], $0xffff;
	v5 =	vor.u32 v51, v8  }
0x7d: {  	v31 =	vld.idx.msk [tilespmem:v31+s14+$0x0], $0xffff  }
0x7e: {  	v32 =	vld.idx.msk [tilespmem:v32+s14+$0x0], $0xffff;
	v8 =	vor.u32 v50, v8  }
0x7f: {  	v4 =	vor.u32 v50, v4;
	v38 =	vld.idx.msk [tilespmem:v6+s14+$0x0], $0xffff  }
0x80: {  	v6 =	vld.idx.msk [tilespmem:v33+s14+$0x0], $0xffff  }
0x81: {  	v5 =	vld.idx.msk [tilespmem:v5+s14+$0x0], $0xffff  }
0x82: {  	v30 =	vld.idx.msk [tilespmem:v30+s24+$0x0], $0xffff  }
0x83: {  	v8 =	vld.idx.msk [tilespmem:v8+s14+$0x0], $0xffff  }
0x84: {  	v39 =	vld.idx.msk [tilespmem:v4+s14+$0x0], $0xffff  }
0x85: {  	v4 =	vmul.f32 $1.562500000e-02, v15;
	v15 =	vld [tilespmem:s10+$0xFFFFFF60];
	v57 =	vadd.f32 v6, v18  }
0x86: {  	v18 =	vld [tilespmem:s10+$0xFFFFFF90];
	v62 =	vadd.f32 v5, v19  }
0x87: {  	v56 =	vadd.f32 v53, v54;
	v30 =	vmul.f32 $1.562500000e-02, v30;
	v42 =	vmul.f32 v4, v4;
	v19 =	vld [tilespmem:s10+$0xFFFFFFA0];
	[tilespmem:$0x1FE90] =	vst v57  }
0x88: {  	v58 =	vadd.f32 v8, v35;
	[tilespmem:$0x1FE70] =	vst v62  }
0x89: {  	v5 =	vsub.f32 v30, v42;
	v59 =	vld [tilespmem:s10+$0xFFFFFFB0];
	[tilespmem:$0x1FEA0] =	vst v56  }
0x8a: {  	v34 =	vld [tilespmem:s10+$0xFFFFFFC0];
	[tilespmem:$0x1FEB0] =	vst v58  }
0x8b: {  	v44 =	vadd.f32 $9.999999960e-13, v5;
	v5 =	vmul.f32 v56, v56;
	v35 =	vmul.f32 v58, v58;
	v42 =	vld [tilespmem:s10+$0xFFFFFFD0]  }
0x8c: {  	v8 =	vadd.f32 v7, v36;
	v7 =	vadd.f32 v10, v40;
	v30 =	vmul.f32 v57, v57;
	v10 =	vld [tilespmem:s10+$0xFFFFFFE0]  }
0x8d: {  	v6 =	vmul.f32 v62, v62;
	v53 =	vadd.f32 v35, v5;
	v5 =	vadd.f32 v16, v41;
	v16 =	vld [tilespmem:s10+$0xFFFFFFF0]  }
0x8e: {  	v45 =	vadd.f32 v20, v43;
	v41 =	vld [tilespmem:s10+$0x0]  }
0x8f: {  	v30 =	vadd.f32 v30, v6;
	v61 =	vadd.f32 v11, v19;
	v11 =	vld [tilespmem:s10+$0x10]  }
0x90: {  	v49 =	vmul.f32 v7, v7;
	v6 =	vadd.f32 v12, v15;
	v20 =	vadd.f32 v21, v18;
	v43 =	vld [tilespmem:s10+$0x30]  }
0x91: {  	v36 =	vmovc v58;
	v15 =	vmul.f32 v8, v8;
	v58 =	vadd.f32 v14, v59;
	v14 =	vld [tilespmem:s10+$0x20];
	v63 =	vadd.f32 v23, v34  }
0x92: {  	v52 =	vmul.f32 v6, v6;
	v54 =	vmul.f32 v5, v5;
	v59 =	vadd.f32 v17, v42;
	v17 =	vld [tilespmem:s10+$0x40]  }
0x93: {  	v19 =	vadd.f32 v49, v15;
	v15 =	vmul.f32 v45, v45;
	v60 =	vadd.f32 v22, v10;
	v10 =	vld [tilespmem:s10+$0x50];
	[tilespmem:$0x1FAD0] =	vst v63  }
0x94: {  	v35 =	vmul.f32 v61, v61;
	v21 =	vadd.f32 v54, v52;
	v23 =	vmul.f32 v58, v58;
	[tilespmem:$0x1FAE0] =	vst v59  }
0x95: {  	v52 =	vadd.f32 v9, v16;
	v22 =	vmul.f32 v63, v63;
	v40 =	vmul.f32 v59, v59;
	v49 =	vld [tilespmem:s10+$0x60]  }
0x96: {  	v18 =	vmul.f32 v20, v20;
	v23 =	vadd.f32 v23, v35;
	v35 =	vadd.f32 v27, v41;
	v9 =	vld [tilespmem:s10+$0x70]  }
0x97: {  	v22 =	vadd.f32 v40, v22;
	v40 =	vadd.f32 v13, v11;
	v11 =	vld [tilespmem:s10+$0x80];
	[tilespmem:$0x1FAF0] =	vst v52  }
0x98: {  	v54 =	vadd.f32 v18, v15;
	v16 =	vmul.f32 v60, v60;
	v41 =	vadd.f32 v24, v14;
	v14 =	vld [tilespmem:s10+$0x90];
	[tilespmem:$0x1FC80] =	vst v35  }
0x99: {  	v42 =	vadd.f32 v29, v43;
	v13 =	vmul.f32 v52, v52;
	v24 =	vmul.f32 v35, v35;
	[tilespmem:$0x1FCA0] =	vst v40  }
0x9a: {  	v23 =	vadd.f32 v23, v54;
	v29 =	vadd.f32 v25, v17;
	v25 =	vmul.f32 v41, v41;
	v17 =	vld [tilespmem:s10+$0xA0];
	[tilespmem:$0x1FCB0] =	vst v41  }
0x9b: {  	v15 =	vadd.f32 v26, v10;
	v27 =	vmul.f32 v40, v40;
	v13 =	vadd.f32 v13, v16;
	v10 =	vld [tilespmem:s10+$0xB0]  }
0x9c: {  	v16 =	vmul.f32 v42, v42;
	v26 =	vmul.f32 v29, v29;
	v37 =	vadd.f32 v37, v49  }
0x9d: {  	v24 =	vadd.f32 v27, v24;
	v43 =	vadd.f32 v28, v9;
	v9 =	vmul.f32 v15, v15  }
0x9e: {  	v16 =	vadd.f32 v16, v25;
	v31 =	vadd.f32 v31, v11;
	v25 =	vmul.f32 v37, v37  }
0x9f: {  	v9 =	vadd.f32 v9, v26;
	v11 =	vmul.f32 v43, v43;
	v18 =	vadd.f32 v32, v14  }
0xa0: {  	v28 =	vmov v15;
	[tilespmem:$0x1FD50] =	vst v15;
	v15 =	vadd.f32 v38, v17;
	v12 =	vadd.f32 v39, v10  }
0xa1: {  	v14 =	vmul.f32 v31, v31;
	v10 =	vadd.f32 v11, v25;
	v11 =	vmul.f32 v18, v18  }
0xa2: {  	v17 =	vadd.f32 v21, v19;
	v19 =	vmul.f32 v15, v15;
	v21 =	vmul.f32 v12, v12  }
0xa3: {  	v25 =	vshra.s32 v44, $0x1;
	v11 =	vadd.f32 v11, v14;
	v14 =	vmul.f32 $5.000000000e-01, v44  }
0xa4: {  	v13 =	vadd.f32 v13, v22;
	(xrf2) =	vadd.scan.msk.f32 $0xffff, v17;
	v17 =	vadd.f32 v21, v19;
	v19 =	vsub.s32 $0x5F3759DF, v25  }
0xa5: {  	v16 =	vadd.f32 v16, v24;
	(xrf2) =	vadd.scan.msk.f32 $0xffff, v23;
	v9 =	vadd.f32 v10, v9;
	v10 =	vmul.f32 v19, v14  }
0xa6: {  	(xrf2) =	vadd.scan.msk.f32 $0xffff, v13;
	v13 =	vadd.f32 v5, v6;
	v21 =	vadd.f32 v7, v8  }
0xa7: {  	(xrf2) =	vadd.scan.msk.f32 $0xffff, v16;
	v16 =	vadd.f32 v53, v30;
	v11 =	vadd.f32 v17, v11;
	v10 =	vmul.f32 v19, v10  }
0xa8: {  	(xrf2) =	vadd.scan.msk.f32 $0xffff, v9;
	v13 =	vadd.f32 v13, v21;
	v17 =	vadd.f32 v58, v61  }
0xa9: {  	(xrf2) =	vadd.scan.msk.f32 $0xffff, v11;
	v11 =	vadd.f32 v20, v45;
	v10 =	vsub.f32 $1.500000000e+00, v10  }
0xaa: {  	v22 =	vadd.f32 v52, v60;
	(xrf2) =	vadd.scan.msk.f32 $0xffff, v16  }
0xab: {  	v21 =	vadd.f32 v59, v63;
	(xrf2) =	vadd.scan.msk.f32 $0xffff, v13;
	v11 =	vadd.f32 v17, v11;
	v10 =	vmul.f32 v19, v10  }
0xac: {  	v24 =	vadd.f32 v42, v41  }
0xad: {  	v26 =	vadd.f32 v28, v29;
	v21 =	vadd.f32 v22, v21;
	v14 =	vmul.f32 v10, v14  }
0xae: {  	[tilespmem:$0x1FCC0] =	vst v42;
	v28 =	vadd.f32 v43, v37;
	v19 =	vadd.f32 v40, v35;
	v22, _, _ =	vpop (xrf2)  }
0xaf: {  	[tilespmem:$0x1FD30] =	vst v29;
	(xrf2) =	vadd.scan.msk.f32 $0xffff, v11;
	v11, _, _ =	vpop (xrf2);
	v14 =	vmul.f32 v14, v10  }
0xb0: {  	[tilespmem:$0x1FD60] =	vst v37;
	v19 =	vadd.f32 v24, v19;
	v24, _, _ =	vpop (xrf2)  }
0xb1: {  	[tilespmem:$0x1FD70] =	vst v43;
	(xrf2) =	vadd.scan.msk.f32 $0xffff, v21;
	v21, _, _ =	vpop (xrf2);
	v14 =	vsub.f32 $1.500000000e+00, v14  }
0xb2: {  	s17 =	simm.s32 $0x2F;
	[tilespmem:$0x1FDA0] =	vst v31;
	v26 =	vadd.f32 v28, v26;
	v28, _, _ =	vpop (xrf2)  }
0xb3: {  	s19 =	simm.s32 $0x6F;
	[tilespmem:$0x1FDC0] =	vst v18;
	v16 =	vmov s17;
	v37, _, _ =	vpop (xrf2)  }
0xb4: {  	[tilespmem:$0x1FDE0] =	vst v15;
	v17 =	vmov s19;
	v25 =	vand.u32 $0x1F28, v16;
	v44, _, _ =	vpop (xrf2);
	v10 =	vmul.f32 v14, v10  }
0xb5: {  	[tilespmem:$0x1FDF0] =	vst v12;
	v25 =	vor.u32 $0x17, v25;
	(xrf2) =	vadd.scan.msk.f32 $0xffff, v19;
	v19 =	vand.u32 $0x1F68, v17;
	v14, _, _ =	vpop (xrf2)  }
0xb6: {  	v3 =	vsub.f32 v3, v4;
	[tilespmem:s2+$0xFFFFFFA0] =	vst v14;
	v14 =	vor.u32 $0x17, v19;
	v19 =	vmul.f32 v10, v55  }
0xb7: {  	[tilespmem:s2+$0xFFFFFFB0] =	vst v22  }
0xb8: {  	[tilespmem:s2+$0xFFFFFFD0] =	vst v11;
	v3 =	vmul.f32 v19, v3  }
0xb9: {  	[tilespmem:s2+$0xFFFFFFF0] =	vst v24;
	v11 =	vld.idx.msk [tilespmem:v16+s24+$0x0], $0xffff  }
0xba: {  	s18 =	simm.s32 $0x4F;
	v30 =	vadd.f32 v18, v31;
	v63 =	vadd.f32 v12, v15;
	v24 =	vld.idx.msk [tilespmem:v25+s24+$0x0], $0xffff;
	v25, _, _ =	vpop (xrf2);
	[tilespmem:$0x1FD10] =	vst v3  }
0xbb: {  	v13 =	vmov s18;
	[tilespmem:s2+$0xFFFFFFC0] =	vst v25  }
0xbc: {  	v30 =	vadd.f32 v63, v30;
	v31 =	vand.u32 $0x1F48, v13;
	v59 =	vld [tilespmem:$0x1FF40]  }
0xbd: {  	s8 =	sadd.s32 $0x0, s1;
	v2 =	vsub.f32 v2, v4;
	v31 =	vor.u32 $0x17, v31;
	(xrf2) =	vadd.scan.msk.f32 $0xffff, v26  }
0xbe: {  	s10 =	sadd.s32 $0xF, s8;
	v22 =	vadd.f32 v57, v62;
	(xrf2) =	vadd.scan.msk.f32 $0xffff, v30;
	v30 =	vadd.f32 v36, v56  }
0xbf: {  	s21 =	simm.s32 $0x8F;
	v0 =	vsub.f32 v0, v4;
	v49 =	vmov v61;
	v25 =	vmov s10;
	v61 =	vld [tilespmem:$0x1FF50];
	[tilespmem:s2+$0x10] =	vst v21;
	v21, _, _ =	vpop (xrf2)  }
0xc0: {  	v23 =	vmov s21;
	v3 =	vadd.f32 v30, v22;
	v52 =	vld [tilespmem:$0x1FF60];
	[tilespmem:s2+$0xFFFFFFE0] =	vst v21;
	v21 =	vshrl.u32 v25, $0x3  }
0xc1: {  	v13 =	vld.idx.msk [tilespmem:v13+s24+$0x0], $0xffff;
	v25 =	vsub.f32 v1, v4;
	v1, _, _ =	vpop (xrf2);
	v21 =	vshll.u32 v21, v46;
	v19 =	vmul.f32 v10, v59  }
0xc2: {  	v30 =	vld.idx.msk [tilespmem:v31+s24+$0x0], $0xffff;
	v11 =	vmul.f32 $1.562500000e-02, v11;
	v4 =	vmul.f32 $1.562500000e-02, v24;
	[tilespmem:s2+$0x0] =	vst v1;
	v1 =	vadd.s32 $0x7, v21  }
0xc3: {  	v42 =	vand.u32 $0x1F88, v23;
	[tilespmem:s2+$0x30] =	vst v28;
	v17 =	vld.idx.msk [tilespmem:v17+s24+$0x0], $0xffff;
	v24 =	vbroadcast v1, $0x0;
	v1 =	vmul.f32 v19, v2  }
0xc4: {  	v16 =	vor.u32 $0x17, v42;
	[tilespmem:s2+$0x50] =	vst v37;
	v14 =	vld.idx.msk [tilespmem:v14+s24+$0x0], $0xffff  }
0xc5: {  	v21 =	vld.idx.msk [tilespmem:v23+s24+$0x0], $0xffff;
	v22 =	vmul.f32 v10, v61;
	[tilespmem:$0x1FD20] =	vst v1;
	v1 =	vsub.f32 v8, v11;
	_ =	sdelay $0x1  }
0xc6: {  	s6 =	simm.s32 $0xAF;
	v23, _, _ =	vpop (xrf2);
	[tilespmem:$0x1FB30] =	vst v1;
	v1 =	vmul.f32 v22, v25  }
0xc7: {  	v27 =	vmov s6;
	[tilespmem:s2+$0x20] =	vst v23  }
0xc8: {  	v43 =	vand.u32 $0x1FA8, v27;
	v2 =	vld.idx.msk [tilespmem:v16+s24+$0x0], $0xffff;
	[tilespmem:$0x1FD80] =	vst v1;
	v1 =	vsub.f32 v7, v11  }
0xc9: {  	v39 =	vor.u32 $0x17, v43;
	(xrf2) =	vadd.scan.msk.f32 $0xffff, v3  }
0xca: {  	v3 =	vmul.f32 v11, v11;
	v10 =	vmul.f32 v10, v52;
	[tilespmem:$0x1FB50] =	vst v1;
	v1 =	vsub.f32 v6, v11  }
0xcb: {  	s7 =	simm.s32 $0xCF  }
0xcc: {  	v29 =	vmov s7;
	v3 =	vsub.f32 v4, v3;
	v0 =	vmul.f32 v10, v0;
	v7, _, _ =	vpop (xrf2);
	v4 =	vld.idx.msk [tilespmem:v27+s24+$0x0], $0xffff;
	[tilespmem:$0x1FB60] =	vst v1  }
0xcd: {  	v26 =	vand.u32 $0x1FC8, v29;
	[tilespmem:s2+$0x40] =	vst v7  }
0xce: {  	v26 =	vor.u32 $0x17, v26;
	v18 =	vmul.f32 $1.562500000e-02, v13;
	v16 =	vld.idx.msk [tilespmem:v39+s24+$0x0], $0xffff;
	[tilespmem:$0x1FD90] =	vst v0;
	v0 =	vsub.f32 v5, v11;
	_ =	sdelay $0x1  }
0xcf: {  	v8 =	vmul.f32 v18, v18;
	[tilespmem:$0x1FB70] =	vst v0  }
0xd0: {  	s13 =	simm.s32 $0xF;
	v6 =	vmul.f32 $1.562500000e-02, v30;
	v0 =	vadd.f32 $9.999999960e-13, v3;
	v3 =	vmul.f32 $1.562500000e-02, v21;
	v5 =	vld.idx.msk [tilespmem:v29+s24+$0x0], $0xffff  }
0xd1: {  	v9 =	vmov s13;
	s19 =	sadd.s32 $0xC, s8  }
0xd2: {  	v13 =	vmul.f32 $1.562500000e-02, v17;
	v19 =	vmov s19;
	v6 =	vsub.f32 v6, v8;
	v8 =	vld.idx.msk [tilespmem:v26+s24+$0x0], $0xffff;
	[tilespmem:$0x1FC90] =	vst v3  }
0xd3: {  	v35 =	vor.u32 $0x17, v9;
	v19 =	vshrl.u32 v19, $0x3;
	v1 =	vmul.f32 $1.562500000e-02, v4;
	v11 =	vld.idx.msk [tilespmem:v24+s15+$0x0], $0xffff  }
0xd4: {  	v19 =	vshll.u32 v19, v46;
	v7 =	vmul.f32 $1.562500000e-02, v14;
	v14 =	vmul.f32 v13, v13  }
0xd5: {  	v19 =	vadd.s32 $0x4, v19;
	v4 =	vmul.f32 v3, v3;
	[tilespmem:$0x1FD40] =	vst v1;
	v3 =	vmul.f32 $1.562500000e-02, v5  }
0xd6: {  	v2 =	vmul.f32 $1.562500000e-02, v2;
	v10 =	vshra.s32 v0, $0x1;
	v40 =	vmul.f32 $5.000000000e-01, v0;
	[tilespmem:s2+$0xFFFFFF90] =	vst v44  }
0xd7: {  	s3 =	simm.s32 $0xE300;
	v0 =	vsub.s32 $0x5F3759DF, v10;
	v10 =	vsub.f32 v7, v14;
	v7 =	vmul.f32 $1.562500000e-02, v16;
	[tilespmem:$0x1FDB0] =	vst v3  }
0xd8: {  	s13 =	sadd.s32 $0x9, s8;
	v14 =	vmul.f32 v1, v1;
	v57 =	vsub.f32 v2, v4;
	v5 =	vshll.u32 v11, $0x6;
	v24 =	vld [tilespmem:s3+$0xC0]  }
0xd9: {  	v16, _, _ =	vpop (xrf2);
	v2 =	vmul.f32 $1.562500000e-02, v8;
	v8 =	vmov s13;
	v11 =	vor.u32 v51, v5;
	v27 =	vld [tilespmem:s3+$0xD0]  }
0xda: {  	v19 =	vbroadcast v19, $0x0;
	v8 =	vshrl.u32 v8, $0x3;
	[tilespmem:s2+$0xFFFFFF80] =	vst v16;
	v22 =	vor.u32 v48, v5;
	v28 =	vld [tilespmem:s3+$0xE0]  }
0xdb: {  	v4 =	vsub.f32 v7, v14;
	v8 =	vshll.u32 v8, v46;
	v25 =	vor.u32 v47, v5;
	v7 =	vld.idx.msk [tilespmem:v9+s24+$0x0], $0xffff  }
0xdc: {  	s6 =	sadd.s32 $0x8, s8;
	s21 =	sadd.s32 $0xE, s8;
	v6 =	vadd.f32 $9.999999960e-13, v6;
	v5 =	vor.u32 v50, v5;
	v8 =	vadd.s32 $0x1, v8;
	v30 =	vld [tilespmem:s3+$0xF0]  }
0xdd: {  	s17 =	sadd.s32 $0xA, s8;
	v26 =	vmov s21;
	v29 =	vmov s6;
	v14 =	vld.idx.msk [tilespmem:v35+s24+$0x0], $0xffff;
	v8 =	vbroadcast v8, $0x0  }
0xde: {  	s18 =	sadd.s32 $0xB, s8;
	v26 =	vshrl.u32 v26, $0x3;
	v29 =	vshrl.u32 v29, $0x3;
	v9 =	vmov s17;
	v11 =	vld.idx.msk [tilespmem:v11+s14+$0x0], $0xffff  }
0xdf: {  	v26 =	vshll.u32 v26, v46;
	v16 =	vmov s18;
	v9 =	vshrl.u32 v9, $0x3;
	v22 =	vld.idx.msk [tilespmem:v22+s14+$0x0], $0xffff  }
0xe0: {  	v16 =	vshrl.u32 v16, $0x3;
	v9 =	vshll.u32 v9, v46;
	v25 =	vld.idx.msk [tilespmem:v25+s14+$0x0], $0xffff;
	v7 =	vmul.f32 $1.562500000e-02, v7  }
0xe1: {  	v29 =	vshll.u32 v29, v46;
	s13 =	sadd.s32 $0xD, s8;
	v16 =	vshll.u32 v16, v46;
	v9 =	vadd.s32 $0x2, v9;
	v5 =	vld.idx.msk [tilespmem:v5+s14+$0x0], $0xffff  }
0xe2: {  	v23 =	vmov s13;
	v16 =	vadd.s32 $0x3, v16;
	v9 =	vbroadcast v9, $0x0;
	[tilespmem:$0x1FE80] =	vst v7  }
0xe3: {  	v16 =	vbroadcast v16, $0x0;
	v62 =	vmul.f32 v7, v7;
	v8 =	vld.idx.msk [tilespmem:v8+s15+$0x0], $0xffff;
	v7 =	vadd.f32 v11, v24  }
0xe4: {  	v26 =	vadd.s32 $0x6, v26;
	v23 =	vshrl.u32 v23, $0x3;
	v12 =	vadd.f32 v22, v27  }
0xe5: {  	v31 =	vmul.f32 v3, v3;
	v14 =	vmul.f32 $1.562500000e-02, v14;
	v3 =	vadd.f32 v25, v28;
	[tilespmem:$0x1FE00] =	vst v7  }
0xe6: {  	v11 =	vbroadcast v29, $0x0;
	v54 =	vadd.f32 v5, v30;
	v5 =	vbroadcast v26, $0x0;
	[tilespmem:$0x1FE10] =	vst v12  }
0xe7: {  	v23 =	vshll.u32 v23, v46;
	[tilespmem:$0x1FE60] =	vst v3;
	v27 =	vmul.f32 v7, v7;
	v28 =	vmul.f32 v12, v12  }
0xe8: {  	v26 =	vsub.f32 v2, v31;
	v30 =	vmul.f32 v54, v54;
	v2 =	vld.idx.msk [tilespmem:v9+s15+$0x0], $0xffff;
	v9 =	vshll.u32 v8, $0x6  }
0xe9: {  	v29 =	vld.idx.msk [tilespmem:v16+s15+$0x0], $0xffff;
	v16 =	vmul.f32 v3, v3;
	v27 =	vadd.f32 v28, v27;
	v28 =	vor.u32 v48, v9  }
0xea: {  	v24 =	vsub.f32 v14, v62;
	v14 =	vadd.f32 v54, v3;
	v63 =	vor.u32 v50, v9  }
0xeb: {  	v31 =	vld.idx.msk [tilespmem:v19+s15+$0x0], $0xffff;
	v8 =	vadd.f32 v12, v7;
	v25 =	vor.u32 v51, v9;
	v16 =	vadd.f32 v30, v16  }
0xec: {  	v1 =	vshra.s32 v6, $0x1;
	v23 =	vadd.s32 $0x5, v23;
	v33 =	vld.idx.msk [tilespmem:v5+s15+$0x0], $0xffff  }
0xed: {  	v23 =	vbroadcast v23, $0x0;
	v14 =	vadd.f32 v14, v8;
	v5 =	vadd.f32 v16, v27;
	v27 =	vld.idx.msk [tilespmem:v11+s15+$0x0], $0xffff  }
0xee: {  	v19 =	vor.u32 v47, v9;
	v30 =	vsub.s32 $0x5F3759DF, v1;
	v2 =	vshll.u32 v2, $0x6;
	v36 =	vld.idx.msk [tilespmem:v28+s14+$0x0], $0xffff  }
0xef: {  	(xrf2) =	vadd.scan.msk.f32 $0xffff, v14;
	v14 =	vshll.u32 v29, $0x6;
	v11 =	vor.u32 v51, v2;
	v28 =	vmul.f32 v0, v40;
	v1 =	vld.idx.msk [tilespmem:v63+s14+$0x0], $0xffff  }
0xf0: {  	v29 =	vor.u32 v47, v2;
	v35 =	vld.idx.msk [tilespmem:v25+s14+$0x0], $0xffff;
	v25 =	vor.u32 v48, v2;
	v2 =	vor.u32 v50, v2  }
0xf1: {  	(xrf2) =	vadd.scan.msk.f32 $0xffff, v5;
	v5 =	vmul.f32 v0, v28;
	_ =	sdelay $0x1  }
0xf2: {  	v23 =	vld.idx.msk [tilespmem:v23+s15+$0x0], $0xffff;
	v5 =	vsub.f32 $1.500000000e+00, v5  }
0xf3: {  	v42 =	vld.idx.msk [tilespmem:v19+s14+$0x0], $0xffff;
	[tilespmem:$0x1FB00] =	vst v1  }
0xf4: {  	v34 =	vmul.f32 $5.000000000e-01, v6;
	v10 =	vadd.f32 $9.999999960e-13, v10;
	v12 =	vmul.f32 v0, v5;
	v0 =	vld.idx.msk [tilespmem:v2+s14+$0x0], $0xffff  }
0xf5: {  	v21 =	vor.u32 v50, v14  }
0xf6: {  	v17 =	vmul.f32 $5.000000000e-01, v10;
	v9 =	vshra.s32 v10, $0x1;
	v19 =	vmul.f32 v30, v34  }
0xf7: {  	v37 =	vsub.s32 $0x5F3759DF, v9;
	v46 =	vld.idx.msk [tilespmem:v11+s14+$0x0], $0xffff  }
0xf8: {  	v41 =	vmul.f32 v37, v17;
	v28 =	vor.u32 v51, v14;
	v43 =	vmul.f32 v30, v19;
	v19 =	vld.idx.msk [tilespmem:v25+s14+$0x0], $0xffff  }
0xf9: {  	v31 =	vshll.u32 v31, $0x6;
	v39 =	vor.u32 v48, v14;
	v29 =	vld.idx.msk [tilespmem:v29+s14+$0x0], $0xffff;
	[tilespmem:$0x1FB10] =	vst v0  }
0xfa: {  	v38 =	vmul.f32 v37, v41;
	v53 =	vor.u32 v47, v14;
	v25 =	vsub.f32 $1.500000000e+00, v43;
	v0 =	vld.idx.msk [tilespmem:v21+s14+$0x0], $0xffff  }
0xfb: {  	v4 =	vadd.f32 $9.999999960e-13, v4;
	v5 =	vadd.f32 $9.999999960e-13, v57;
	v57 =	vor.u32 v51, v31  }
0xfc: {  	v56 =	vsub.f32 $1.500000000e+00, v38;
	v15 =	vmul.f32 v30, v25;
	v25 =	vor.u32 v48, v31  }
0xfd: {  	v6 =	vshll.u32 v23, $0x6;
	v63 =	vor.u32 v47, v31;
	v44 =	vld.idx.msk [tilespmem:v28+s14+$0x0], $0xffff;
	v28 =	vshra.s32 v5, $0x1  }
0xfe: {  	v16 =	vmul.f32 v37, v56;
	v30 =	vld.idx.msk [tilespmem:v39+s14+$0x0], $0xffff;
	v37 =	vsub.s32 $0x5F3759DF, v28;
	v28 =	vor.u32 v50, v31  }
0xff: {  	v3 =	vsub.f32 v45, v18;
	v21 =	vshra.s32 v4, $0x1;
	v31 =	vld.idx.msk [tilespmem:v53+s14+$0x0], $0xffff;
	v53 =	vor.u32 v51, v6;
	[tilespmem:$0x1FB20] =	vst v0  }
0x100: {  	s11 =	simm.s32 $0x1EF;
	v22 =	vmul.f32 $5.000000000e-01, v5;
	v5 =	vsub.s32 $0x5F3759DF, v21;
	v21 =	vadd.f32 $9.999999960e-13, v24;
	v24 =	vld.idx.msk [tilespmem:v57+s14+$0x0], $0xffff  }
0x101: {  	s13 =	simm.s32 $0xC180;
	v23 =	vmul.f32 $5.000000000e-01, v4;
	v56 =	vmov s11;
	v4 =	vshll.u32 v27, $0x6;
	v27, _, _ =	vpop (xrf2);
	v25 =	vld.idx.msk [tilespmem:v25+s14+$0x0], $0xffff  }
0x102: {  	v9 =	vor.u32 $0x17, v56;
	[tilespmem:s13+$0x60] =	vst v27;
	v57 =	vadd.f32 $9.999999960e-13, v26;
	v26 =	vld.idx.msk [tilespmem:v63+s14+$0x0], $0xffff;
	v27 =	vshra.s32 v21, $0x1;
	v63, _, _ =	vpop (xrf2)  }
0x103: {  	v10 =	vor.u32 v51, v4;
	v43 =	vmul.f32 $5.000000000e-01, v21;
	[tilespmem:s13+$0x70] =	vst v63;
	v0 =	vsub.s32 $0x5F3759DF, v27;
	v27 =	vld.idx.msk [tilespmem:v28+s14+$0x0], $0xffff  }
0x104: {  	v2 =	vmul.f32 v5, v23;
	v28 =	vld.idx.msk [tilespmem:v53+s14+$0x0], $0xffff;
	[tilespmem:$0x1FB80] =	vst v3;
	v3 =	vsub.f32 v20, v18  }
0x105: {  	v8 =	vor.u32 v48, v4;
	v20 =	vmul.f32 v0, v43  }
0x106: {  	v7 =	vor.u32 v47, v4;
	v1 =	vmul.f32 v37, v22;
	v2 =	vmul.f32 v5, v2;
	[tilespmem:$0x1FB90] =	vst v3  }
0x107: {  	v62 =	vshra.s32 v57, $0x1;
	v32 =	vmul.f32 $5.000000000e-01, v57;
	v20 =	vmul.f32 v0, v20;
	v53 =	vld.idx.msk [tilespmem:v56+s24+$0x0], $0xffff  }
0x108: {  	v11 =	vld.idx.msk [tilespmem:v9+s24+$0x0], $0xffff;
	v9 =	vor.u32 v50, v4;
	v4 =	vsub.f32 $1.500000000e+00, v2;
	v2 =	vsub.f32 v49, v18  }
0x109: {  	v3 =	vmul.f32 v37, v1;
	v1 =	vsub.s32 $0x5F3759DF, v62;
	v10 =	vld.idx.msk [tilespmem:v10+s14+$0x0], $0xffff  }
0x10a: {  	v8 =	vld.idx.msk [tilespmem:v8+s14+$0x0], $0xffff;
	v20 =	vsub.f32 $1.500000000e+00, v20;
	[tilespmem:$0x1FBA0] =	vst v2;
	v2 =	vmul.f32 v1, v32;
	_ =	sdelay $0x1  }
0x10b: {  	v38 =	vmul.f32 v0, v20;
	v0 =	vmul.f32 v1, v2;
	v2 =	vld [tilespmem:$0x1FAD0];
	_ =	sdelay $0x1  }
0x10c: {  	v14 =	vsub.f32 v58, v18;
	_ =	sdelay $0x1  }
0x10d: {  	v3 =	vsub.f32 $1.500000000e+00, v3;
	v7 =	vld.idx.msk [tilespmem:v7+s14+$0x0], $0xffff;
	[tilespmem:$0x1FBD0] =	vst v14  }
0x10e: {  	v18 =	vld [tilespmem:s3+$0xFFFFFF00];
	v2 =	vsub.f32 v2, v13  }
0x10f: {  	v14 =	vmul.f32 v37, v3;
	v37 =	vld [tilespmem:s3+$0xFFFFFF10]  }
0x110: {  	[tilespmem:$0x1FC40] =	vst v2;
	v2 =	vld [tilespmem:$0x1FAE0];
	_ =	sdelay $0x4  }
0x111: {  	v2 =	vsub.f32 v2, v13;
	_ =	sdelay $0x1  }
0x112: {  	[tilespmem:$0x1FC50] =	vst v2;
	v2 =	vsub.f32 v60, v13  }
0x113: {  	v9 =	vld.idx.msk [tilespmem:v9+s14+$0x0], $0xffff  }
0x114: {  	[tilespmem:$0x1FC60] =	vst v2;
	v2 =	vld [tilespmem:$0x1FAF0];
	_ =	sdelay $0x4  }
0x115: {  	v3 =	vor.u32 v48, v6;
	v2 =	vsub.f32 v2, v13  }
0x116: {  	v63 =	vmul.f32 v12, v40;
	v49 =	vmul.f32 $1.562500000e-02, v53  }
0x117: {  	v40 =	vor.u32 v47, v6;
	v11 =	vmul.f32 $1.562500000e-02, v11;
	v62 =	vadd.f32 v10, v18;
	v41 =	vld [tilespmem:s3+$0xFFFFFF20];
	[tilespmem:$0x1FC70] =	vst v2  }
0x118: {  	v56 =	vadd.f32 v8, v37;
	v2 =	vsub.f32 $1.500000000e+00, v0;
	v0 =	vmul.f32 v49, v49;
	v53 =	vld [tilespmem:s3+$0xFFFFFF30]  }
0x119: {  	v6 =	vor.u32 v50, v6;
	v13 =	vmul.f32 v63, v12;
	v39 =	vld [tilespmem:s3+$0xFFFFFF40]  }
0x11a: {  	v18 =	vmul.f32 v56, v56;
	v21 =	vld.idx.msk [tilespmem:v3+s14+$0x0], $0xffff;
	v0 =	vsub.f32 v11, v0;
	v11 =	vmul.f32 v62, v62  }
0x11b: {  	v5 =	vmul.f32 v5, v4;
	v8 =	vld [tilespmem:s3+$0xFFFFFF50];
	v4 =	vmul.f32 v1, v2;
	v2 =	vsub.f32 $1.500000000e+00, v13  }
0x11c: {  	v33 =	vshll.u32 v33, $0x6;
	v3 =	vld.idx.msk [tilespmem:v40+s14+$0x0], $0xffff;
	v1 =	vadd.f32 v18, v11  }
0x11d: {  	v10 =	vor.u32 v51, v33;
	v13 =	vmul.f32 v2, v12;
	v2 =	vld [tilespmem:$0x1FB00]  }
0x11e: {  	v53 =	vadd.f32 v9, v53;
	v9 =	vld [tilespmem:s3+$0xFFFFFF60];
	[tilespmem:$0x1FB40] =	vst v1  }
0x11f: {  	v12 =	vld.idx.msk [tilespmem:v6+s14+$0x0], $0xffff  }
0x120: {  	v6 =	vmul.f32 v16, v17;
	v17 =	vld [tilespmem:s3+$0xFFFFFF70]  }
0x121: {  	v57 =	vadd.f32 v7, v41;
	v7 =	vmul.f32 v15, v34;
	v11 =	vadd.f32 v36, v8;
	v8 =	vld [tilespmem:s3+$0xFFFFFF80]  }
0x122: {  	v45 =	vor.u32 v48, v33;
	v0 =	vadd.f32 $9.999999960e-13, v0;
	v37 =	vadd.f32 v35, v39;
	v18 =	vld.idx.msk [tilespmem:v10+s14+$0x0], $0xffff  }
0x123: {  	v7 =	vmul.f32 v7, v15;
	v48 =	vadd.f32 v42, v9;
	v9 =	vld [tilespmem:s3+$0xFFFFFF90]  }
0x124: {  	v58 =	vor.u32 v47, v33;
	v1 =	vmul.f32 $5.000000000e-01, v0;
	v10 =	vshra.s32 v0, $0x1;
	v42 =	vld [tilespmem:s3+$0xFFFFFFA0];
	[tilespmem:$0x1FEE0] =	vst v37  }
0x125: {  	v36 =	vsub.s32 $0x5F3759DF, v10;
	v10 =	vmul.f32 v6, v16;
	v6 =	vsub.f32 $1.500000000e+00, v7;
	v0 =	vld [tilespmem:s3+$0xFFFFFFB0];
	[tilespmem:$0x1FEF0] =	vst v11  }
0x126: {  	v40 =	vmul.f32 v57, v57;
	v41 =	vmul.f32 v53, v53;
	v20 =	vadd.f32 v2, v17;
	v17 =	vld [tilespmem:s3+$0xFFFFFFC0]  }
0x127: {  	v7 =	vmul.f32 v36, v1;
	v6 =	vmul.f32 v6, v15;
	v15 =	vld.idx.msk [tilespmem:v45+s14+$0x0], $0xffff;
	[tilespmem:$0x1FF00] =	vst v48  }
0x128: {  	v51 =	vmul.f32 v11, v11;
	v35 =	vmovc v11;
	v2 =	vadd.f32 v46, v8;
	v8 =	vsub.f32 $1.500000000e+00, v10;
	v47 =	vld [tilespmem:s3+$0xFFFFFFD0]  }
0x129: {  	v63 =	vadd.f32 v41, v40;
	v7 =	vmul.f32 v36, v7;
	v39 =	vmul.f32 v48, v48;
	v11 =	vld.idx.msk [tilespmem:v58+s14+$0x0], $0xffff  }
0x12a: {  	v40 =	vadd.f32 v19, v9;
	v9 =	vmul.f32 v8, v16;
	v16 =	vadd.f32 v29, v42;
	v29 =	vld [tilespmem:s3+$0xFFFFFFE0]  }
0x12b: {  	v34 =	vmovc v48;
	v7 =	vsub.f32 $1.500000000e+00, v7;
	v48 =	vmul.f32 v2, v2;
	v19 =	vmov v2;
	[tilespmem:$0x1FF10] =	vst v2;
	v2 =	vld [tilespmem:$0x1FB10];
	_ =	sdelay $0x1  }
0x12c: {  	v7 =	vmul.f32 v36, v7  }
0x12d: {  	v22 =	vmul.f32 v14, v22;
	v60 =	vmul.f32 v37, v37;
	[tilespmem:$0x1FF20] =	vst v40  }
0x12e: {  	v45 =	vmul.f32 v20, v20;
	v1 =	vmul.f32 v7, v1;
	v10 =	vadd.f32 v44, v17;
	v44 =	vld [tilespmem:s3+$0x0]  }
0x12f: {  	v41 =	vadd.f32 v51, v60;
	v51 =	vmul.f32 v40, v40;
	v2 =	vadd.f32 v2, v0;
	v0 =	vld [tilespmem:s3+$0xFFFFFFF0];
	[tilespmem:$0x1FF30] =	vst v16  }
0x130: {  	v42 =	vadd.f32 v45, v39;
	v8 =	vadd.f32 v30, v47;
	v1 =	vmul.f32 v1, v7;
	v47 =	vld [tilespmem:s3+$0x10]  }
0x131: {  	v39 =	vadd.f32 v51, v48;
	v51 =	vadd.f32 v31, v29;
	v31 =	vld [tilespmem:s3+$0x20]  }
0x132: {  	v22 =	vmul.f32 v22, v14;
	v1 =	vsub.f32 $1.500000000e+00, v1;
	v36 =	vld [tilespmem:s3+$0x30]  }
0x133: {  	v17 =	vmovc v16;
	v30 =	vmul.f32 v16, v16;
	v60 =	vmul.f32 v2, v2;
	v16 =	vmov v2;
	v2 =	vld [tilespmem:$0x1FB20]  }
0x134: {  	v58 =	vmul.f32 v5, v23;
	v23 =	vmul.f32 v1, v7;
	v1 =	vld [tilespmem:s3+$0x80]  }
0x135: {  	v29 =	vor.u32 v50, v33;
	v50 =	vadd.f32 v24, v44;
	v24 =	vld [tilespmem:s3+$0x60]  }
0x136: {  	v22 =	vsub.f32 $1.500000000e+00, v22;
	v30 =	vadd.f32 v60, v30;
	v60 =	vld [tilespmem:s3+$0x40]  }
0x137: {  	v33 =	vmul.f32 v58, v5;
	v58 =	vadd.f32 v25, v47;
	v47 =	vadd.f32 v26, v31;
	v26 =	vld [tilespmem:s3+$0x70]  }
0x138: {  	v45 =	vmul.f32 v10, v10;
	v46 =	vmul.f32 v8, v8;
	v36 =	vadd.f32 v27, v36;
	v27 =	vld [tilespmem:s3+$0x90]  }
0x139: {  	v2 =	vadd.f32 v2, v0;
	v0 =	vsub.f32 $1.500000000e+00, v33;
	v33 =	vld [tilespmem:s3+$0x50]  }
0x13a: {  	v14 =	vmul.f32 v22, v14;
	v22 =	vadd.f32 v46, v45;
	v46 =	vadd.f32 v3, v24;
	v24 =	vld [tilespmem:s3+$0xA0]  }
0x13b: {  	v44 =	vmul.f32 v0, v5;
	v0 =	vld.idx.msk [tilespmem:v29+s14+$0x0], $0xffff  }
0x13c: {  	v3 =	vmul.f32 v4, v32;
	v29 =	vld [tilespmem:s3+$0xB0]  }
0x13d: {  	v48 =	vadd.f32 v28, v60;
	v60 =	vadd.f32 v18, v1  }
0x13e: {  	v1 =	vmul.f32 v38, v43;
	v3 =	vmul.f32 v3, v4;
	v32 =	vadd.f32 v12, v26  }
0x13f: {  	v12 =	vmul.f32 v48, v48;
	v18 =	vadd.f32 v15, v27;
	v45 =	vadd.f32 v21, v33  }
0x140: {  	v1 =	vmul.f32 v1, v38;
	v15 =	vadd.f32 v11, v24;
	v24 =	vmul.f32 v32, v32  }
0x141: {  	v27 =	vmul.f32 v18, v18;
	v26 =	vmul.f32 v45, v45;
	v11 =	vadd.f32 v0, v29  }
0x142: {  	v3 =	vsub.f32 $1.500000000e+00, v3;
	v0 =	vmul.f32 v46, v46;
	v29 =	vmul.f32 v15, v15  }
0x143: {  	v12 =	vadd.f32 v26, v12;
	v26 =	vmul.f32 v60, v60;
	v31 =	vmul.f32 v11, v11  }
0x144: {  	v4 =	vmul.f32 v3, v4;
	v3 =	vadd.f32 v24, v0;
	v0 =	vsub.f32 $1.500000000e+00, v1  }
0x145: {  	v1 =	vadd.f32 v27, v26;
	v24 =	vadd.f32 v31, v29  }
0x146: {  	v5 =	vmul.f32 v51, v51;
	v25 =	vmul.f32 v2, v2  }
0x147: {  	v24 =	vadd.f32 v24, v1;
	v1 =	vld [tilespmem:$0x1FB30]  }
0x148: {  	v5 =	vadd.f32 v25, v5;
	_ =	sdelay $0x1  }
0x149: {  	v22 =	vadd.f32 v5, v22;
	v5 =	vmul.f32 v13, v59  }
0x14a: {  	v7 =	vmul.f32 v50, v50;
	v25 =	vmul.f32 v58, v58  }
0x14b: {  	v27 =	vmul.f32 v5, v1;
	v5 =	vld [tilespmem:$0x1FB40]  }
0x14c: {  	v28 =	vmul.f32 v36, v36;
	v7 =	vadd.f32 v25, v7;
	v25 =	vmul.f32 v47, v47;
	_ =	sdelay $0x1  }
0x14d: {  	v21 =	vmul.f32 v23, v55;
	v25 =	vadd.f32 v28, v25;
	v28 =	vsub.f32 v54, v49;
	_ =	sdelay $0x1  }
0x14e: {  	v21 =	vmul.f32 v21, v28;
	v28 =	vadd.f32 v63, v5;
	v5 =	vld [tilespmem:$0x1FB50];
	_ =	sdelay $0x2  }
0x14f: {  	v7 =	vadd.f32 v25, v7;
	v25 =	vadd.f32 v3, v12;
	v3 =	vmul.f32 v13, v61;
	_ =	sdelay $0x1  }
0x150: {  	v29 =	vmul.f32 v3, v5;
	v5 =	vld [tilespmem:$0x1FB70];
	_ =	sdelay $0x2  }
0x151: {  	v1 =	vmul.f32 v13, v55;
	_ =	sdelay $0x1  }
0x152: {  	v1 =	vmul.f32 v1, v5;
	_ =	sdelay $0x1  }
0x153: {  	v3 =	vld [tilespmem:$0x1FB60];
	v5 =	vadd.f32 v20, v34;
	[tilespmem:$0x1FED0] =	vst v1;
	v1 =	vadd.f32 v35, v37;
	_ =	sdelay $0x1  }
0x154: {  	v54 =	vadd.f32 v30, v39;
	v30 =	vadd.f32 v5, v1;
	v5 =	vld [tilespmem:$0x1FB80]  }
0x155: {  	v12 =	vmul.f32 v13, v52  }
0x156: {  	v13 =	vadd.f32 v16, v17  }
0x157: {  	v63 =	vmovc v20;
	v3 =	vmul.f32 v12, v3;
	v12 =	vadd.f32 v40, v19;
	v20 =	vmul.f32 v6, v59;
	_ =	sdelay $0x1  }
0x158: {  	[tilespmem:$0x1FEC0] =	vst v3;
	v3 =	vadd.f32 v13, v12;
	v13 =	vmul.f32 v20, v5;
	v5 =	vld [tilespmem:$0x1FB90];
	_ =	sdelay $0x2  }
0x159: {  	v1 =	vmul.f32 v6, v61;
	_ =	sdelay $0x1  }
0x15a: {  	v5 =	vmul.f32 v1, v5;
	v1 =	vld [tilespmem:$0x1FBA0];
	_ =	sdelay $0x2  }
0x15b: {  	v31 =	vmul.f32 v6, v52;
	_ =	sdelay $0x1  }
0x15c: {  	v12 =	vmul.f32 v6, v55;
	v6 =	vmul.f32 v31, v1;
	v1 =	vld [tilespmem:$0x1FBD0];
	_ =	sdelay $0x4  }
0x15d: {  	[tilespmem:$0x1FBF0] =	vst v2;
	v1 =	vmul.f32 v12, v1;
	v12 =	vadd.f32 v2, v51;
	v2 =	vld [tilespmem:$0x1FC40];
	_ =	sdelay $0x2  }
0x15e: {  	v43 =	vmul.f32 v9, v59;
	_ =	sdelay $0x1  }
0x15f: {  	v33 =	vmul.f32 v43, v2;
	v2 =	vld [tilespmem:$0x1FC50];
	_ =	sdelay $0x1  }
0x160: {  	v26 =	vadd.f32 v42, v41  }
0x161: {  	[tilespmem:$0x1FC20] =	vst v47;
	v42 =	vadd.f32 v36, v47;
	v47 =	vmul.f32 v9, v61;
	v20 =	vadd.f32 v8, v10;
	_ =	sdelay $0x1  }
0x162: {  	[tilespmem:$0x1FC30] =	vst v36;
	v36 =	vadd.f32 v12, v20;
	v12 =	vmul.f32 v47, v2;
	v2 =	vld [tilespmem:$0x1FC60];
	_ =	sdelay $0x2  }
0x163: {  	v20 =	vmul.f32 v9, v52;
	_ =	sdelay $0x1  }
0x164: {  	v20 =	vmul.f32 v20, v2;
	v2 =	vld [tilespmem:$0x1FC70];
	_ =	sdelay $0x2  }
0x165: {  	v9 =	vmul.f32 v9, v55  }
0x166: {  	[tilespmem:$0x1FBC0] =	vst v8;
	v8 =	vld [tilespmem:$0x1FC90]  }
0x167: {  	v9 =	vmul.f32 v9, v2;
	v2 =	vld [tilespmem:$0x1FC80];
	_ =	sdelay $0x4  }
0x168: {  	v34 =	vsub.f32 v2, v8;
	v2 =	vld [tilespmem:$0x1FCA0];
	_ =	sdelay $0x4  }
0x169: {  	v35 =	vsub.f32 v2, v8;
	v2 =	vld [tilespmem:$0x1FCB0];
	_ =	sdelay $0x4  }
0x16a: {  	v37 =	vsub.f32 v2, v8;
	v2 =	vld [tilespmem:$0x1FCC0];
	_ =	sdelay $0x3  }
0x16b: {  	[tilespmem:$0x1FCD0] =	vst v48;
	v43 =	vadd.f32 v45, v48;
	v48 =	vld [tilespmem:$0x1FFA0]  }
0x16c: {  	[tilespmem:$0x1FBB0] =	vst v10;
	v40 =	vsub.f32 v2, v8;
	v2 =	vld [tilespmem:$0x1FD10]  }
0x16d: {  	[tilespmem:$0x1FBE0] =	vst v51  }
0x16e: {  	[tilespmem:$0x1FC00] =	vst v50  }
0x16f: {  	[tilespmem:$0x1FC10] =	vst v58  }
0x170: {  	[tilespmem:$0x1FD00] =	vst v46;
	v31 =	vadd.f32 v58, v50  }
0x171: {  	[tilespmem:$0x1FCF0] =	vst v32;
	v58 =	vadd.f32 v32, v46;
	v46 =	vadd.f32 v2, v48  }
0x172: {  	s18 =	simm.s32 $0x16100;
	[tilespmem:$0x1FCE0] =	vst v45;
	v50 =	vmul.f32 v14, v59  }
0x173: {  	[tilespmem:s18+$0xF0] =	vst v46  }
0x174: {  	v34 =	vmul.f32 v50, v34;
	v50 =	vld [tilespmem:$0x1FF70]  }
0x175: {  	v2 =	vld [tilespmem:$0x1FD20];
	_ =	sdelay $0x3  }
0x176: {  	v8 =	vld [tilespmem:$0x1FD40]  }
0x177: {  	v47 =	vadd.f32 v2, v50;
	v2 =	vld [tilespmem:$0x1FD30];
	_ =	sdelay $0x2  }
0x178: {  	v51 =	vmul.f32 v14, v61;
	_ =	sdelay $0x1  }
0x179: {  	v35 =	vmul.f32 v51, v35;
	v51 =	vsub.f32 v2, v8;
	v2 =	vld [tilespmem:$0x1FD50];
	_ =	sdelay $0x4  }
0x17a: {  	v17 =	vsub.f32 v2, v8;
	v2 =	vld [tilespmem:$0x1FD60];
	_ =	sdelay $0x4  }
0x17b: {  	v32 =	vsub.f32 v2, v8;
	v2 =	vld [tilespmem:$0x1FD70]  }
0x17c: {  	v31 =	vadd.f32 v42, v31;
	v42 =	vmul.f32 v14, v52  }
0x17d: {  	(xrf2) =	vadd.scan.msk.f32 $0xffff, v26;
	v14 =	vmul.f32 v14, v55;
	v26 =	vadd.f32 v58, v43;
	v58 =	vmul.f32 v44, v59  }
0x17e: {  	[tilespmem:s18+$0xC0] =	vst v47  }
0x17f: {  	(xrf2) =	vadd.scan.msk.f32 $0xffff, v54;
	v14 =	vmul.f32 v14, v40;
	v40 =	vmul.f32 v58, v51;
	v51 =	vld [tilespmem:$0x1FF80]  }
0x180: {  	(xrf2) =	vadd.scan.msk.f32 $0xffff, v22;
	v22 =	vsub.f32 v2, v8;
	v2 =	vld [tilespmem:$0x1FD80];
	_ =	sdelay $0x3  }
0x181: {  	v54 =	vld [tilespmem:$0x1FF90]  }
0x182: {  	v46 =	vadd.f32 v2, v51;
	v2 =	vld [tilespmem:$0x1FD90];
	_ =	sdelay $0x3  }
0x183: {  	v8 =	vld [tilespmem:$0x1FDB0]  }
0x184: {  	(xrf2) =	vadd.scan.msk.f32 $0xffff, v7;
	v7 =	vadd.f32 v2, v54;
	v2 =	vld [tilespmem:$0x1FDA0];
	_ =	sdelay $0x3  }
0x185: {  	[tilespmem:s18+$0xD0] =	vst v46  }
0x186: {  	v37 =	vmul.f32 v42, v37;
	v42 =	vsub.f32 v2, v8;
	v2 =	vld [tilespmem:$0x1FDC0];
	_ =	sdelay $0x2  }
0x187: {  	[tilespmem:$0x1FDD0] =	vst v53  }
0x188: {  	[tilespmem:s18+$0xE0] =	vst v7  }
0x189: {  	v39 =	vsub.f32 v2, v8;
	v2 =	vld [tilespmem:$0x1FDE0];
	_ =	sdelay $0x1  }
0x18a: {  	v7 =	vadd.f32 v21, v48  }
0x18b: {  	s17 =	simm.s32 $0x16300  }
0x18c: {  	v58 =	vadd.f32 v56, v62;
	[tilespmem:s17+$0xF0] =	vst v7  }
0x18d: {  	v21 =	vsub.f32 v2, v8;
	v2 =	vld [tilespmem:$0x1FDF0]  }
0x18e: {  	(xrf2) =	vadd.scan.msk.f32 $0xffff, v25;
	v25 =	vadd.f32 v53, v57;
	_ =	sdelay $0x1  }
0x18f: {  	v43 =	vadd.f32 v25, v58;
	v58, _, _ =	vpop (xrf2)  }
0x190: {  	[tilespmem:s13+$0xFFFFFFB0] =	vst v58  }
0x191: {  	v7 =	vsub.f32 v2, v8;
	v2 =	vld [tilespmem:$0x1FE00];
	_ =	sdelay $0x2  }
0x192: {  	v53 =	vmul.f32 v4, v61;
	_ =	sdelay $0x1  }
0x193: {  	v25 =	vmul.f32 v53, v39;
	[tilespmem:$0x1FE20] =	vst v60;
	v39 =	vsub.f32 v2, v49;
	v2 =	vld [tilespmem:$0x1FE10]  }
0x194: {  	v45 =	vmul.f32 v44, v52;
	[tilespmem:$0x1FE30] =	vst v18  }
0x195: {  	(xrf2) =	vadd.scan.msk.f32 $0xffff, v24;
	[tilespmem:$0x1FE40] =	vst v11  }
0x196: {  	(xrf2) =	vadd.scan.msk.f32 $0xffff, v28;
	v28, _, _ =	vpop (xrf2);
	v41 =	vmul.f32 v45, v32;
	v32 =	vmul.f32 v4, v59;
	[tilespmem:$0x1FE50] =	vst v15  }
0x197: {  	[tilespmem:s13+$0xFFFFFFD0] =	vst v28  }
0x198: {  	v24 =	vmul.f32 v32, v42;
	v42 =	vsub.f32 v2, v49;
	v2 =	vld [tilespmem:$0x1FE60];
	_ =	sdelay $0x1  }
0x199: {  	v53 =	vadd.f32 v18, v60;
	v60, _, _ =	vpop (xrf2)  }
0x19a: {  	v0 =	vmul.f32 v0, v38;
	v38 =	vmul.f32 v44, v61;
	[tilespmem:s13+$0xFFFFFFF0] =	vst v60  }
0x19b: {  	v8 =	vld [tilespmem:$0x1FE80]  }
0x19c: {  	v32 =	vmul.f32 v23, v59;
	v19 =	vsub.f32 v2, v49;
	v2 =	vld [tilespmem:$0x1FE70]  }
0x19d: {  	v58 =	vmul.f32 v23, v61;
	v23 =	vmul.f32 v23, v52  }
0x19e: {  	v17 =	vmul.f32 v38, v17;
	v38 =	vmov v57;
	v57 =	vmul.f32 v4, v52  }
0x19f: {  	v4 =	vmul.f32 v4, v55;
	v19 =	vmul.f32 v23, v19;
	v23 =	vadd.f32 v27, v50;
	v27, _, _ =	vpop (xrf2)  }
0x1a0: {  	[tilespmem:s13+$0x10] =	vst v27  }
0x1a1: {  	v4 =	vmul.f32 v4, v7;
	v7 =	vsub.f32 v2, v8;
	v2 =	vld [tilespmem:$0x1FE90];
	_ =	sdelay $0x3  }
0x1a2: {  	[tilespmem:s18+$0xFFFFFF40] =	vst v23  }
0x1a3: {  	v27 =	vsub.f32 v2, v8;
	v2 =	vld [tilespmem:$0x1FEA0];
	_ =	sdelay $0x2  }
0x1a4: {  	v49 =	vmul.f32 v0, v52;
	v52, _, _ =	vpop (xrf2)  }
0x1a5: {  	[tilespmem:s13+$0x30] =	vst v52  }
0x1a6: {  	v23 =	vsub.f32 v2, v8;
	v2 =	vld [tilespmem:$0x1FEB0]  }
0x1a7: {  	v29 =	vadd.f32 v29, v51;
	(xrf2) =	vadd.scan.msk.f32 $0xffff, v30;
	v30 =	vmul.f32 v0, v59;
	_ =	sdelay $0x1  }
0x1a8: {  	v21 =	vmul.f32 v57, v21;
	v57 =	vadd.f32 v11, v15;
	v30 =	vmul.f32 v30, v7;
	v7, _, _ =	vpop (xrf2);
	[tilespmem:s18+$0xFFFFFF50] =	vst v29  }
0x1a9: {  	[tilespmem:s13+$0x50] =	vst v7  }
0x1aa: {  	v47 =	vmul.f32 v44, v55;
	v44 =	vadd.f32 v57, v53;
	(xrf2) =	vadd.scan.msk.f32 $0xffff, v3;
	v53 =	vsub.f32 v2, v8;
	v2 =	vld [tilespmem:$0x1FEC0];
	_ =	sdelay $0x3  }
0x1ab: {  	(xrf2) =	vadd.scan.msk.f32 $0xffff, v36  }
0x1ac: {  	v3 =	vadd.f32 v2, v54;
	_ =	sdelay $0x1  }
0x1ad: {  	v57, _, _ =	vpop (xrf2);
	[tilespmem:s18+$0xFFFFFF60] =	vst v3  }
0x1ae: {  	s19 =	simm.s32 $0x12F;
	v13 =	vadd.f32 v13, v50;
	v59, _, _ =	vpop (xrf2);
	v2 =	vld [tilespmem:$0x1FED0];
	[tilespmem:s13+$0xFFFFFF90] =	vst v57  }
0x1af: {  	v5 =	vadd.f32 v5, v51;
	v46 =	vadd.f32 v14, v48;
	v29 =	vmov s19;
	[tilespmem:s13+$0xFFFFFFA0] =	vst v59  }
0x1b0: {  	v61 =	vmul.f32 v0, v61;
	v0 =	vmul.f32 v0, v55;
	v14, _, _ =	vpop (xrf2);
	v55 =	vand.u32 $0x1F28, v29;
	[tilespmem:s18+$0xFFFFFF80] =	vst v13  }
0x1b1: {  	v6 =	vadd.f32 v6, v54;
	v3 =	vor.u32 $0x17, v55;
	[tilespmem:s13+$0xFFFFFFC0] =	vst v14  }
0x1b2: {  	v1 =	vadd.f32 v1, v48;
	(xrf2) =	vadd.scan.msk.f32 $0xffff, v31;
	[tilespmem:s18+$0xFFFFFF90] =	vst v5  }
0x1b3: {  	(xrf2) =	vadd.scan.msk.f32 $0xffff, v26;
	[tilespmem:s18+$0xFFFFFFA0] =	vst v6  }
0x1b4: {  	(xrf2) =	vadd.scan.msk.f32 $0xffff, v44;
	v44 =	vadd.f32 v4, v48;
	v4, _, _ =	vpop (xrf2);
	[tilespmem:s18+$0xFFFFFFB0] =	vst v1;
	v2 =	vadd.f32 v2, v48  }
0x1b5: {  	[tilespmem:s13+$0xFFFFFFE0] =	vst v4;
	v26 =	vld.idx.msk [tilespmem:v29+s24+$0x0], $0xffff  }
0x1b6: {  	v14 =	vld.idx.msk [tilespmem:v3+s24+$0x0], $0xffff;
	[tilespmem:s18+$0xFFFFFF70] =	vst v2  }
0x1b7: {  	v3 =	vld [tilespmem:$0x1FEE0];
	_ =	sdelay $0x2  }
0x1b8: {  	s21 =	simm.s32 $0x14F;
	v6 =	vmul.f32 $1.562500000e-02, v26  }
0x1b9: {  	v28 =	vmul.f32 v32, v39;
	v32 =	vmul.f32 v0, v53;
	v0 =	vmov s21  }
0x1ba: {  	(xrf2) =	vadd.scan.msk.f32 $0xffff, v43;
	v43 =	vsub.f32 v3, v6;
	v3 =	vld [tilespmem:$0x1FEF0];
	_ =	sdelay $0x1  }
0x1bb: {  	s10 =	simm.s32 $0x18F;
	s8 =	simm.s32 $0x16F;
	v39 =	vmul.f32 v58, v42;
	v31 =	vadd.f32 v33, v50;
	v58 =	vand.u32 $0x1F48, v0  }
0x1bc: {  	v60 =	vmov s10;
	v36 =	vmov s8;
	v2 =	vor.u32 $0x17, v58  }
0x1bd: {  	v29 =	vand.u32 $0x1F68, v36;
	v5 =	vld.idx.msk [tilespmem:v0+s24+$0x0], $0xffff;
	v0 =	vand.u32 $0x1F88, v60;
	[tilespmem:s18+$0xFFFFFFC0] =	vst v31  }
0x1be: {  	v1 =	vor.u32 $0x17, v0;
	v0 =	vadd.f32 v39, v51;
	v39 =	vsub.f32 v3, v6;
	v3 =	vld [tilespmem:$0x1FF00]  }
0x1bf: {  	v13 =	vor.u32 $0x17, v29;
	_ =	sdelay $0x1  }
0x1c0: {  	v52 =	vadd.f32 v21, v54;
	v2 =	vld.idx.msk [tilespmem:v2+s24+$0x0], $0xffff  }
0x1c1: {  	v21 =	vadd.f32 v19, v54;
	v19 =	vld.idx.msk [tilespmem:v36+s24+$0x0], $0xffff;
	v5 =	vmul.f32 $1.562500000e-02, v5;
	v36 =	vsub.f32 v63, v6  }
0x1c2: {  	v4 =	vmul.f32 $1.562500000e-02, v14;
	v14 =	vmul.f32 v6, v6;
	v31 =	vsub.f32 v3, v6;
	v6, _, _ =	vpop (xrf2)  }
0x1c3: {  	[tilespmem:s13+$0x0] =	vst v6;
	v6 =	vld.idx.msk [tilespmem:v13+s24+$0x0], $0xffff;
	v13 =	vmul.f32 v5, v5  }
0x1c4: {  	v12 =	vadd.f32 v12, v51;
	v22 =	vmul.f32 v47, v22  }
0x1c5: {  	v20 =	vadd.f32 v20, v54;
	s21 =	simm.s32 $0x1CF;
	v11 =	vmul.f32 $1.562500000e-02, v2  }
0x1c6: {  	v57 =	vadd.f32 v22, v48;
	v22 =	vmov s21;
	[tilespmem:s18+$0xFFFFFFD0] =	vst v12  }
0x1c7: {  	v18 =	vand.u32 $0x1FC8, v22;
	[tilespmem:s18+$0xFFFFFFE0] =	vst v20;
	v11 =	vsub.f32 v11, v13;
	v13, _, _ =	vpop (xrf2)  }
0x1c8: {  	v9 =	vadd.f32 v9, v48;
	[tilespmem:s13+$0x20] =	vst v13;
	v13 =	vor.u32 $0x17, v18;
	v18 =	vld.idx.msk [tilespmem:v1+s24+$0x0], $0xffff  }
0x1c9: {  	v40 =	vadd.f32 v40, v50;
	v35 =	vadd.f32 v35, v51;
	v1 =	vld [tilespmem:$0x1FF10]  }
0x1ca: {  	v37 =	vadd.f32 v37, v54;
	v17 =	vadd.f32 v17, v51;
	s19 =	simm.s32 $0x1AF  }
0x1cb: {  	v27 =	vmul.f32 v61, v27;
	v61 =	vmov s19;
	v23 =	vmul.f32 v49, v23  }
0x1cc: {  	v49 =	vadd.f32 v24, v50;
	v24 =	vand.u32 $0x1FA8, v61;
	v4 =	vsub.f32 v4, v14;
	v14 =	vld.idx.msk [tilespmem:v60+s24+$0x0], $0xffff;
	[tilespmem:s18+$0xFFFFFFF0] =	vst v9  }
0x1cd: {  	v42 =	vadd.f32 v28, v50;
	v33 =	vadd.f32 v34, v50;
	v12 =	vor.u32 $0x17, v24;
	v3 =	vld [tilespmem:$0x1FF30]  }
0x1ce: {  	v24 =	vadd.f32 v32, v48;
	v32 =	vsub.f32 v1, v5;
	v1 =	vld [tilespmem:$0x1FF20]  }
0x1cf: {  	v55 =	vadd.f32 v25, v51;
	v25 =	vadd.f32 v23, v54  }
0x1d0: {  	s7 =	simm.s32 $0x10F;
	v29 =	vadd.f32 v30, v50;
	v58 =	vadd.f32 v41, v54  }
0x1d1: {  	v7 =	vmov s7;
	v41 =	vsub.f32 v16, v5;
	v2 =	vadd.f32 v27, v51;
	v9 =	vld.idx.msk [tilespmem:v61+s24+$0x0], $0xffff  }
0x1d2: {  	v20 =	vor.u32 $0x17, v7;
	v48 =	vmul.f32 $1.562500000e-02, v19;
	v8 =	vadd.f32 $9.999999960e-13, v11;
	v16 =	vld.idx.msk [tilespmem:v12+s24+$0x0], $0xffff  }
0x1d3: {  	v50 =	vmul.f32 $1.562500000e-02, v14;
	[tilespmem:s18+$0x0] =	vst v33;
	v47 =	vsub.f32 v3, v5;
	v45 =	vsub.f32 v1, v5;
	v5, _, _ =	vpop (xrf2)  }
0x1d4: {  	v1 =	vadd.f32 $9.999999960e-13, v4;
	v4 =	vmul.f32 $1.562500000e-02, v6;
	[tilespmem:s13+$0x40] =	vst v5;
	v5 =	vmul.f32 v48, v48;
	v10, _, _ =	vpop (xrf2)  }
0x1d5: {  	v12 =	vshra.s32 v8, $0x1;
	v11 =	vmul.f32 $1.562500000e-02, v18;
	v18 =	vmul.f32 v50, v50;
	[tilespmem:s13+$0xFFFFFF80] =	vst v10;
	v10 =	vld.idx.msk [tilespmem:v13+s24+$0x0], $0xffff  }
0x1d6: {  	v14 =	vmul.f32 $5.000000000e-01, v8;
	v15 =	vsub.s32 $0x5F3759DF, v12;
	[tilespmem:s18+$0x10] =	vst v35;
	v5 =	vsub.f32 v4, v5;
	v4 =	vld.idx.msk [tilespmem:v22+s24+$0x0], $0xffff  }
0x1d7: {  	[tilespmem:s18+$0x20] =	vst v37;
	v37 =	vmul.f32 $1.562500000e-02, v9;
	v12 =	vsub.f32 v11, v18;
	v11 =	vmul.f32 $1.562500000e-02, v16;
	v8 =	vld.idx.msk [tilespmem:v7+s24+$0x0], $0xffff  }
0x1d8: {  	[tilespmem:s18+$0x30] =	vst v46;
	v6 =	vshra.s32 v1, $0x1;
	v61 =	vmul.f32 $5.000000000e-01, v1;
	v13 =	vadd.f32 $9.999999960e-13, v5  }
0x1d9: {  	[tilespmem:s18+$0x40] =	vst v40;
	v16 =	vmul.f32 v37, v37;
	v1 =	vsub.s32 $0x5F3759DF, v6;
	v7 =	vmul.f32 v15, v14  }
0x1da: {  	s2 =	sshll.u32 s0, $0x1;
	s19 =	simm.s32 $0x8;
	[tilespmem:s18+$0x50] =	vst v17;
	v9 =	vld.idx.msk [tilespmem:v20+s24+$0x0], $0xffff;
	v6 =	vmul.f32 v1, v61;
	v5 =	vshra.s32 v13, $0x1;
	v13 =	vmul.f32 $5.000000000e-01, v13  }
.LBB2_3:
0x1db: {  	v27 =	vmul.f32 $1.562500000e-02, v4  }
0x1dc: {  	v5 =	vsub.s32 $0x5F3759DF, v5;
	v10 =	vmul.f32 $1.562500000e-02, v10;
	[tilespmem:s18+$0xFFFFFF20] =	vst v25;
	v25 =	vmul.f32 $1.562500000e-02, v8  }
0x1dd: {  	s21 =	sadd.s32 s19, s1;
	[tilespmem:s17+$0xC0] =	vst v42;
	v42 =	vlaneseq.u32;
	v12 =	vadd.f32 $9.999999960e-13, v12;
	v4 =	vmul.f32 v5, v13  }
0x1de: {  	s6 =	sadd.s32 $0x9, s21;
	s7 =	sadd.s32 $0xA, s21;
	s8 =	sadd.s32 $0xF, s21;
	v11 =	vsub.f32 v11, v16;
	v6 =	vmul.f32 v1, v6;
	v7 =	vmul.f32 v15, v7  }
0x1df: {  	v26 =	vld [tilespmem:$0x1FFF0];
	s10 =	sadd.s32 $0xD, s21;
	v16 =	vmov s6;
	v17 =	vmov s7;
	s6 =	sadd.s32 $0xB, s21;
	v18 =	vmov s8  }
0x1e0: {  	[tilespmem:$0x1F8A0] =	vst v41;
	s7 =	sadd.s32 $0xC, s21;
	v22 =	vmov s10;
	v8 =	vmul.f32 v27, v27;
	v19 =	vmov s6  }
0x1e1: {  	[tilespmem:$0x1F7A0] =	vst v37;
	v20 =	vmov s7;
	v18 =	vshrl.u32 v18, $0x3;
	v3 =	vshrl.u32 v16, $0x3  }
0x1e2: {  	[tilespmem:$0x1F840] =	vst v38;
	v16 =	vshrl.u32 v17, $0x3;
	v22 =	vshrl.u32 v22, $0x3;
	v11 =	vadd.f32 $9.999999960e-13, v11  }
0x1e3: {  	[tilespmem:s18+$0x80] =	vst v49;
	s7 =	sadd.s32 $0xE, s21;
	v49 =	vsub.f32 $1.500000000e+00, v6;
	v7 =	vsub.f32 $1.500000000e+00, v7;
	v51 =	vmul.f32 v5, v4  }
0x1e4: {  	[tilespmem:$0x1F830] =	vst v56;
	v23 =	vmov s7;
	v9 =	vmul.f32 $1.562500000e-02, v9;
	v18 =	vshll.u32 v18, v26  }
0x1e5: {  	[tilespmem:s17+$0xD0] =	vst v0;
	v0 =	vshll.u32 v3, v26;
	v3 =	vshll.u32 v16, v26;
	v17 =	vadd.s32 $0x7, v18  }
0x1e6: {  	[tilespmem:$0x1F7E0] =	vst v43;
	v8 =	vsub.f32 v10, v8;
	v3 =	vadd.s32 $0x2, v3;
	v17 =	vbroadcast v17, $0x0  }
0x1e7: {  	[tilespmem:$0x1F880] =	vst v45;
	v23 =	vshrl.u32 v23, $0x3;
	v15 =	vmul.f32 v15, v7;
	v3 =	vbroadcast v3, $0x0  }
0x1e8: {  	[tilespmem:s17+$0xE0] =	vst v21;
	v18 =	vshrl.u32 v19, $0x3;
	v19 =	vshrl.u32 v20, $0x3;
	v21 =	vshll.u32 v23, v26  }
0x1e9: {  	[tilespmem:s18+$0x60] =	vst v58;
	v43 =	vld [tilespmem:$0x1FFC0];
	v0 =	vadd.s32 $0x1, v0;
	v16 =	vshll.u32 v18, v26;
	v18 =	vshll.u32 v19, v26  }
0x1ea: {  	[tilespmem:s18+$0xFFFFFF10] =	vst v2;
	v45 =	vld [tilespmem:$0x1FFD0];
	s8 =	sadd.s32 $0x8, s21;
	v19 =	vshll.u32 v22, v26;
	v22 =	vbroadcast v0, $0x0;
	v0 =	vadd.s32 $0x6, v21  }
0x1eb: {  	[tilespmem:s18+$0xFFFFFF30] =	vst v24;
	v56 =	vld [tilespmem:$0x1FFE0];
	v20 =	vmov s8;
	v2 =	vadd.s32 $0x3, v16;
	v24 =	vbroadcast v0, $0x0  }
0x1ec: {  	[tilespmem:s18+$0x70] =	vst v57;
	v8 =	vadd.f32 $9.999999960e-13, v8;
	v16 =	vadd.s32 $0x4, v18;
	v21 =	vbroadcast v2, $0x0;
	v17 =	vld.idx.msk [tilespmem:v17+s15+$0x0], $0xffff  }
0x1ed: {  	[tilespmem:s18+$0x90] =	vst v55;
	s3 =	sadd.s32 $0x200, s3;
	v20 =	vshrl.u32 v20, $0x3;
	v18 =	vadd.s32 $0x5, v19;
	v16 =	vbroadcast v16, $0x0;
	v10 =	vld.idx.msk [tilespmem:v3+s15+$0x0], $0xffff  }
0x1ee: {  	[tilespmem:s18+$0xA0] =	vst v52;
	v28 =	vld [tilespmem:s3+$0xD0];
	v19 =	vshll.u32 v20, v26;
	v23 =	vbroadcast v18, $0x0;
	v2 =	vshra.s32 v12, $0x1  }
0x1ef: {  	[tilespmem:s18+$0xB0] =	vst v44;
	v30 =	vld [tilespmem:s3+$0xE0];
	v19 =	vbroadcast v19, $0x0;
	v18 =	vshra.s32 v11, $0x1;
	v3 =	vmul.f32 $5.000000000e-01, v11  }
0x1f0: {  	[tilespmem:s18+$0xFFFFFF00] =	vst v29;
	v0 =	vsub.s32 $0x5F3759DF, v2;
	v2 =	vmul.f32 $5.000000000e-01, v12;
	v20 =	vsub.s32 $0x5F3759DF, v18;
	v18 =	vld.idx.msk [tilespmem:v22+s15+$0x0], $0xffff  }
0x1f1: {  	[tilespmem:$0x1F7B0] =	vst v27;
	v24 =	vld.idx.msk [tilespmem:v24+s15+$0x0], $0xffff;
	v27 =	vmul.f32 v20, v3;
	v12 =	vshll.u32 v17, $0x6;
	v17 =	vmul.f32 v25, v25  }
0x1f2: {  	[tilespmem:$0x1F800] =	vst v25;
	v11 =	vld.idx.msk [tilespmem:v21+s15+$0x0], $0xffff;
	v25 =	vmul.f32 v0, v2;
	v10 =	vshll.u32 v10, $0x6;
	v22 =	vor.u32 v42, v12  }
0x1f3: {  	v41 =	vld.idx.msk [tilespmem:v16+s15+$0x0], $0xffff;
	v21 =	vor.u32 v43, v12;
	v26 =	vor.u32 v45, v12;
	v29 =	vor.u32 v56, v12  }
0x1f4: {  	[tilespmem:$0x1F860] =	vst v36;
	v23 =	vld.idx.msk [tilespmem:v23+s15+$0x0], $0xffff;
	v12 =	vshra.s32 v8, $0x1;
	v36 =	vor.u32 v43, v10;
	v9 =	vsub.f32 v9, v17  }
0x1f5: {  	[tilespmem:$0x1F850] =	vst v31;
	v19 =	vld.idx.msk [tilespmem:v19+s15+$0x0], $0xffff;
	v37 =	vor.u32 v45, v10;
	v38 =	vor.u32 v56, v10;
	v31 =	vsub.s32 $0x5F3759DF, v12  }
0x1f6: {  	v17 =	vld [tilespmem:s3+$0xC0];
	v12 =	vmul.f32 $5.000000000e-01, v8;
	v8 =	vshll.u32 v18, $0x6;
	v9 =	vadd.f32 $9.999999960e-13, v9  }
0x1f7: {  	v24 =	vshll.u32 v24, $0x6;
	v25 =	vmul.f32 v0, v25;
	v33 =	vor.u32 v43, v8;
	v22 =	vld.idx.msk [tilespmem:v22+s14+$0x0], $0xffff  }
0x1f8: {  	v34 =	vor.u32 v45, v8;
	v35 =	vor.u32 v56, v8;
	v63 =	vshra.s32 v9, $0x1;
	v21 =	vld.idx.msk [tilespmem:v21+s14+$0x0], $0xffff  }
0x1f9: {  	[tilespmem:$0x1F810] =	vst v62;
	v18 =	vmul.f32 $5.000000000e-01, v9;
	v9 =	vor.u32 v42, v8;
	v8 =	vshll.u32 v11, $0x6;
	v11 =	vld.idx.msk [tilespmem:v26+s14+$0x0], $0xffff  }
0x1fa: {  	[tilespmem:$0x1F820] =	vst v39;
	v62 =	vshll.u32 v41, $0x6;
	v23 =	vshll.u32 v23, $0x6;
	v53 =	vor.u32 v43, v24;
	v29 =	vld.idx.msk [tilespmem:v29+s14+$0x0], $0xffff  }
0x1fb: {  	[tilespmem:$0x1F890] =	vst v47;
	v47 =	vor.u32 v45, v62;
	v6 =	vmul.f32 v31, v12;
	v26 =	vor.u32 v42, v10;
	v10 =	vld [tilespmem:s3+$0xF0]  }
0x1fc: {  	[tilespmem:$0x1F870] =	vst v32;
	v55 =	vld.idx.msk [tilespmem:v37+s14+$0x0], $0xffff;
	v37 =	vor.u32 v42, v23;
	v39 =	vor.u32 v42, v8;
	v32 =	vsub.s32 $0x5F3759DF, v63  }
0x1fd: {  	v40 =	vor.u32 v43, v8;
	v44 =	vor.u32 v45, v8;
	v16 =	vmul.f32 v32, v18;
	v58 =	vld.idx.msk [tilespmem:v33+s14+$0x0], $0xffff  }
0x1fe: {  	v46 =	vor.u32 v56, v8;
	v8 =	vadd.f32 v22, v17;
	v60 =	vadd.f32 v21, v28;
	v57 =	vld.idx.msk [tilespmem:v9+s14+$0x0], $0xffff  }
0x1ff: {  	v21 =	vmul.f32 v20, v27;
	v9 =	vadd.f32 v11, v30;
	v27 =	vmul.f32 v32, v16;
	v16 =	vld.idx.msk [tilespmem:v34+s14+$0x0], $0xffff  }
0x200: {  	v4 =	vadd.f32 v29, v10;
	v22 =	vmul.f32 v31, v6;
	v28 =	vsub.f32 $1.500000000e+00, v51;
	v51 =	vld.idx.msk [tilespmem:v35+s14+$0x0], $0xffff  }
0x201: {  	v33 =	vor.u32 v56, v62;
	v6 =	vld.idx.msk [tilespmem:v26+s14+$0x0], $0xffff;
	v29 =	vmul.f32 v8, v8;
	v30 =	vmul.f32 v60, v60  }
0x202: {  	v26 =	vshll.u32 v19, $0x6;
	v37 =	vld.idx.msk [tilespmem:v37+s14+$0x0], $0xffff;
	v63 =	vmul.f32 v9, v9;
	v41 =	vmul.f32 v4, v4  }
0x203: {  	v34 =	vor.u32 v42, v62;
	v35 =	vld.idx.msk [tilespmem:v39+s14+$0x0], $0xffff;
	v11 =	vadd.f32 v60, v8;
	v17 =	vadd.f32 v4, v9  }
0x204: {  	v19 =	vld [tilespmem:s3+$0xFFFFFF00];
	v39 =	vor.u32 v56, v24;
	[tilespmem:$0x1F7C0] =	vst v8;
	v29 =	vadd.f32 v30, v29;
	v30 =	vadd.f32 v41, v63  }
0x205: {  	s11 =	sadd.s32 $0x100, s11;
	[tilespmem:$0x1F7D0] =	vst v60;
	v60 =	vor.u32 v45, v24;
	v8 =	vld.idx.msk [tilespmem:v44+s14+$0x0], $0xffff;
	v17 =	vadd.f32 v17, v11  }
0x206: {  	s8 =	sadd.s32 $0xFFFFFF20, s11;
	v11 =	vld.idx.msk [tilespmem:v36+s14+$0x0], $0xffff;
	v41 =	vor.u32 v42, v24;
	v24 =	vsub.f32 $1.500000000e+00, v25;
	v29 =	vadd.f32 v30, v29  }
0x207: {  	v10 =	vmov s8;
	v59 =	vor.u32 v42, v26;
	v25 =	vmul.f32 v1, v49;
	v49 =	vld.idx.msk [tilespmem:v46+s14+$0x0], $0xffff;
	(xrf2) =	vadd.scan.msk.f32 $0xffff, v17  }
0x208: {  	v52 =	vor.u32 v43, v26;
	v54 =	vor.u32 v45, v26;
	v1 =	vld [tilespmem:$0x1FBB0];
	v0 =	vmul.f32 v0, v24;
	(xrf2) =	vadd.scan.msk.f32 $0xffff, v29  }
0x209: {  	[tilespmem:$0x1FAB0] =	vst v10;
	v22 =	vsub.f32 $1.500000000e+00, v22;
	v27 =	vsub.f32 $1.500000000e+00, v27;
	v46 =	vmul.f32 v5, v28;
	v5 =	vld [tilespmem:$0x1FBC0]  }
0x20a: {  	s21 =	sadd.s32 $0xFFFFFF60, s11;
	v26 =	vor.u32 v56, v26;
	[tilespmem:$0x1F7F0] =	vst v9;
	v21 =	vsub.f32 $1.500000000e+00, v21;
	v42 =	vmul.f32 v0, v2;
	v2 =	vld [tilespmem:$0x1FBF0]  }
0x20b: {  	s10 =	sadd.s32 $0xFFFFFF40, s11;
	v7 =	vmul.f32 v32, v27;
	v32 =	vmul.f32 v31, v22;
	v31 =	vmov s21;
	[tilespmem:$0x1F780] =	vst v6;
	v6 =	vld.idx.msk [tilespmem:v40+s14+$0x0], $0xffff  }
0x20c: {  	v36 =	vor.u32 v43, v62;
	v62 =	vor.u32 v45, v23;
	s21 =	sadd.s32 $0xFFFFFFE0, s11;
	v9 =	vld.idx.msk [tilespmem:v34+s14+$0x0], $0xffff;
	[tilespmem:$0x1F970] =	vst v31;
	v17 =	vmov s10  }
0x20d: {  	v30 =	vld.idx.msk [tilespmem:v38+s14+$0x0], $0xffff;
	[tilespmem:$0x1F930] =	vst v17;
	v24 =	vand.u32 $0x1F28, v17;
	v17 =	vmov s21;
	v1 =	vsub.f32 v1, v48  }
0x20e: {  	v63 =	vor.u32 v56, v23;
	v38 =	vor.u32 v43, v23;
	v23 =	vld [tilespmem:s3+$0xFFFFFF10];
	[tilespmem:$0x1FA90] =	vst v17;
	v5 =	vsub.f32 v5, v48  }
0x20f: {  	v52 =	vld.idx.msk [tilespmem:v52+s14+$0x0], $0xffff;
	[tilespmem:$0x1F8B0] =	vst v1;
	v2 =	vsub.f32 v2, v48  }
0x210: {  	s8 =	sadd.s32 $0xFFFFFFA0, s11;
	v54 =	vld.idx.msk [tilespmem:v54+s14+$0x0], $0xffff;
	[tilespmem:$0x1F8C0] =	vst v5  }
0x211: {  	s13 =	sadd.s32 $0x100, s13;
	v28 =	vmov s8;
	v18 =	vmul.f32 v7, v18;
	v26 =	vld.idx.msk [tilespmem:v26+s14+$0x0], $0xffff;
	v1 =	vmul.f32 v20, v21;
	[tilespmem:$0x1F8E0] =	vst v2;
	v21, _, _ =	vpop (xrf2)  }
0x212: {  	s7 =	sadd.s32 $0xFFFFFF80, s11;
	v31 =	vand.u32 $0x1F48, v31;
	v27 =	vmul.f32 v25, v61;
	v61 =	vand.u32 $0x1F88, v28;
	v29 =	vld.idx.msk [tilespmem:v36+s14+$0x0], $0xffff;
	[tilespmem:s13+$0x60] =	vst v21;
	v21, _, _ =	vpop (xrf2)  }
0x213: {  	v18 =	vmul.f32 v18, v7;
	v36 =	vld.idx.msk [tilespmem:v47+s14+$0x0], $0xffff;
	v47 =	vmov s7;
	[tilespmem:s13+$0x70] =	vst v21;
	v21 =	vor.u32 $0x17, v24  }
0x214: {  	s10 =	sadd.s32 $0xFFFFFFC0, s11;
	v5 =	vld.idx.msk [tilespmem:v33+s14+$0x0], $0xffff;
	v33 =	vand.u32 $0x1F68, v47;
	v24 =	vand.u32 $0x1FC8, v17;
	v17 =	vor.u32 $0x17, v31;
	[tilespmem:$0x1F940] =	vst v21  }
0x215: {  	v56 =	vmov s10;
	v45 =	vld.idx.msk [tilespmem:v62+s14+$0x0], $0xffff;
	v44 =	vsub.f32 $1.500000000e+00, v18;
	[tilespmem:$0x1F990] =	vst v17;
	v17 =	vor.u32 $0x17, v33  }
0x216: {  	v18 =	vld [tilespmem:s3+$0xFFFFFF60];
	v20 =	vmov s11;
	v21 =	vand.u32 $0x1FA8, v56;
	[tilespmem:$0x1F9C0] =	vst v17;
	v17 =	vor.u32 $0x17, v61  }
0x217: {  	v38 =	vld.idx.msk [tilespmem:v38+s14+$0x0], $0xffff;
	[tilespmem:$0x1FA20] =	vst v17;
	v17 =	vor.u32 $0x17, v10;
	v10 =	vor.u32 $0x17, v21  }
0x218: {  	v14 =	vmul.f32 v15, v14;
	v22 =	vor.u32 $0x17, v20;
	v2 =	vld [tilespmem:$0x1FC00];
	[tilespmem:$0x1FA80] =	vst v10;
	v10 =	vor.u32 $0x17, v24  }
0x219: {  	[tilespmem:$0x1FAA0] =	vst v10;
	v10 =	vld [tilespmem:$0x1FBE0]  }
0x21a: {  	v14 =	vmul.f32 v14, v15;
	v43 =	vmul.f32 v1, v3;
	v3 =	vld [tilespmem:$0x1FFB0]  }
0x21b: {  	v40 =	vld.idx.msk [tilespmem:v20+s24+$0x0], $0xffff  }
0x21c: {  	v14 =	vsub.f32 $1.500000000e+00, v14;
	v31 =	vld.idx.msk [tilespmem:v39+s14+$0x0], $0xffff  }
0x21d: {  	v13 =	vmul.f32 v46, v13;
	v12 =	vmul.f32 v32, v12;
	v2 =	vsub.f32 v2, v50;
	v21 =	vld.idx.msk [tilespmem:v22+s24+$0x0], $0xffff  }
0x21e: {  	v27 =	vmul.f32 v27, v25;
	v39 =	vmul.f32 v14, v15;
	v14 =	vld [tilespmem:s3+$0xFFFFFF40];
	v10 =	vsub.f32 v10, v48  }
0x21f: {  	v13 =	vmul.f32 v13, v46;
	v12 =	vmul.f32 v12, v32;
	v20 =	vld.idx.msk [tilespmem:v63+s14+$0x0], $0xffff;
	[tilespmem:$0x1F8F0] =	vst v2  }
0x220: {  	v33 =	vmul.f32 v42, v0;
	v2 =	vld [tilespmem:$0x1FC10];
	[tilespmem:$0x1F8D0] =	vst v10;
	v10 =	vmul.f32 $1.562500000e-02, v40  }
0x221: {  	v27 =	vsub.f32 $1.500000000e+00, v27;
	v13 =	vsub.f32 $1.500000000e+00, v13;
	v34 =	vmul.f32 v43, v1;
	v48 =	vld.idx.msk [tilespmem:v59+s14+$0x0], $0xffff  }
0x222: {  	[tilespmem:$0x1F9A0] =	vst v47;
	v33 =	vsub.f32 $1.500000000e+00, v33;
	v21 =	vmul.f32 $1.562500000e-02, v21;
	v59 =	vld [tilespmem:s3+$0xFFFFFF20];
	v47 =	vmul.f32 v10, v10  }
0x223: {  	v12 =	vsub.f32 $1.500000000e+00, v12;
	v62 =	vmul.f32 v27, v25;
	v25 =	vsub.f32 $1.500000000e+00, v34;
	v63 =	vld.idx.msk [tilespmem:v41+s14+$0x0], $0xffff  }
0x224: {  	[tilespmem:$0x1FA60] =	vst v56;
	v34 =	vmul.f32 v13, v46;
	v46 =	vmul.f32 v33, v0;
	v0 =	vld [tilespmem:s3+$0xFFFFFF50];
	v21 =	vsub.f32 v21, v47  }
0x225: {  	v56 =	vld [tilespmem:s3+$0xFFFFFF30];
	[tilespmem:$0x1FAC0] =	vst v17;
	v17 =	vadd.f32 v52, v23;
	v2 =	vsub.f32 v2, v50  }
0x226: {  	[tilespmem:$0x1FA10] =	vst v28;
	v22 =	vld.idx.msk [tilespmem:v53+s14+$0x0], $0xffff;
	v23 =	vadd.f32 v57, v14;
	v53 =	vadd.f32 $9.999999960e-13, v21  }
0x227: {  	v33 =	vmul.f32 v25, v1;
	[tilespmem:$0x1F900] =	vst v2;
	v2 =	vadd.f32 v48, v19;
	v28 =	vadd.f32 v54, v59;
	v59 =	vld [tilespmem:s3+$0xFFFFFF90]  }
0x228: {  	v1 =	vmul.f32 v17, v17;
	v19 =	vld [tilespmem:s3+$0xFFFFFF70];
	v13 =	vshra.s32 v53, $0x1;
	v52 =	vmul.f32 $5.000000000e-01, v53  }
0x229: {  	v24 =	vld.idx.msk [tilespmem:v60+s14+$0x0], $0xffff;
	v25 =	vadd.f32 v58, v0;
	v15 =	vmul.f32 v2, v2;
	v61 =	vsub.s32 $0x5F3759DF, v13  }
0x22a: {  	v43 =	vld [tilespmem:s3+$0xFFFFFFA0];
	[tilespmem:$0x1F910] =	vst v2;
	v2 =	vadd.f32 v17, v2;
	v13 =	vadd.f32 v26, v56;
	v60 =	vmul.f32 v61, v52  }
0x22b: {  	[tilespmem:$0x1F920] =	vst v17;
	v0 =	vld [tilespmem:$0x1F780];
	v17 =	vmul.f32 v12, v32;
	v32 =	vmul.f32 v28, v28;
	v57 =	vadd.f32 v1, v15  }
0x22c: {  	v54 =	vld [tilespmem:s3+$0xFFFFFF80];
	v58 =	vadd.f32 v11, v59;
	v1 =	vmul.f32 v13, v13;
	v48 =	vmul.f32 v61, v60  }
0x22d: {  	v26 =	vadd.f32 v16, v18;
	v16 =	vmul.f32 v23, v23;
	v18 =	vld [tilespmem:s3+$0xFFFFFFB0];
	v60 =	vadd.f32 v51, v19  }
0x22e: {  	v11 =	vld [tilespmem:s3+$0xFFFFFFE0];
	v32 =	vadd.f32 v1, v32;
	v1 =	vmul.f32 v25, v25;
	v48 =	vsub.f32 $1.500000000e+00, v48  }
0x22f: {  	v56 =	vld [tilespmem:s3+$0xFFFFFFC0];
	v47 =	vmul.f32 v26, v26  }
0x230: {  	v42 =	vld [tilespmem:s3+$0xFFFFFFD0];
	v48 =	vmul.f32 v61, v48;
	v61 =	vadd.f32 v1, v16;
	v16 =	vmul.f32 v60, v60  }
0x231: {  	v55 =	vadd.f32 v55, v43;
	v59 =	vld [tilespmem:s3+$0xFFFFFFF0];
	v19 =	vadd.f32 v0, v54  }
0x232: {  	v52 =	vmul.f32 v48, v52;
	v51 =	vadd.f32 v16, v47;
	v47 =	vadd.f32 v30, v18;
	v30 =	vld [tilespmem:s3+$0x0]  }
0x233: {  	v43 =	vmul.f32 v19, v19;
	v1 =	vadd.f32 v8, v11;
	v11 =	vld [tilespmem:s3+$0x30];
	v18 =	vmul.f32 v58, v58  }
0x234: {  	v0 =	vmul.f32 v55, v55;
	v16 =	vadd.f32 v35, v56;
	v56 =	vld [tilespmem:s3+$0x10];
	v52 =	vmul.f32 v52, v48  }
0x235: {  	v21 =	vadd.f32 v18, v43;
	v53 =	vmul.f32 v47, v47;
	v18 =	vadd.f32 v6, v42;
	v6 =	vld [tilespmem:s3+$0x20]  }
0x236: {  	v44 =	vmul.f32 v44, v7;
	[tilespmem:$0x1F790] =	vst v2;
	v2 =	vadd.f32 v49, v59;
	v43 =	vld [tilespmem:s3+$0x40];
	v35 =	vsub.f32 $1.500000000e+00, v52  }
0x237: {  	v49 =	vmul.f32 v1, v1;
	v15 =	vadd.f32 v53, v0;
	v0 =	vadd.f32 v9, v30;
	v9 =	vld [tilespmem:s3+$0x50]  }
0x238: {  	v4 =	vsub.f32 v4, v10;
	v8 =	vmul.f32 v16, v16;
	v42 =	vmul.f32 v18, v18;
	v30 =	vld [tilespmem:s3+$0x60]  }
0x239: {  	v52 =	vadd.f32 v5, v11;
	v14 =	vadd.f32 v29, v56;
	v35 =	vmul.f32 v35, v48;
	v48 =	vld [tilespmem:s3+$0x70]  }
0x23a: {  	v56 =	vld [tilespmem:s3+$0x80];
	v42 =	vadd.f32 v42, v8;
	v8 =	vmul.f32 v2, v2;
	v36 =	vadd.f32 v36, v6  }
0x23b: {  	v5 =	vmul.f32 v0, v0;
	v11 =	vmul.f32 v14, v14;
	v37 =	vadd.f32 v37, v43  }
0x23c: {  	v7 =	vadd.f32 v14, v0;
	v6 =	vmul.f32 v35, v3;
	v49 =	vadd.f32 v8, v49;
	v8 =	vld [tilespmem:s3+$0xB0]  }
0x23d: {  	v54 =	vmul.f32 v36, v36;
	v11 =	vadd.f32 v11, v5;
	v40 =	vadd.f32 v38, v9  }
0x23e: {  	v53 =	vld [tilespmem:s3+$0xA0];
	v4 =	vmul.f32 v6, v4;
	v45 =	vadd.f32 v45, v30;
	v48 =	vadd.f32 v20, v48  }
0x23f: {  	[tilespmem:$0x1FBB0] =	vst v16;
	v43 =	vld [tilespmem:s3+$0x90];
	v6 =	vmul.f32 v52, v52;
	v41 =	vadd.f32 v63, v56;
	v63 =	vadd.f32 v18, v16  }
0x240: {  	[tilespmem:$0x1FC00] =	vst v0;
	v16 =	vadd.f32 v40, v37;
	v0 =	vadd.f32 v48, v45  }
0x241: {  	v30 =	vmul.f32 v37, v37;
	v9 =	vadd.f32 v6, v54;
	v54 =	vadd.f32 v31, v8  }
0x242: {  	[tilespmem:$0x1FA00] =	vst v60;
	v5 =	vmul.f32 v40, v40;
	v31 =	vadd.f32 v60, v26;
	v60 =	vadd.f32 v0, v16;
	v0 =	vld [tilespmem:$0x1F790]  }
0x243: {  	v53 =	vadd.f32 v24, v53  }
0x244: {  	v27 =	vmov v50;
	v50 =	vadd.f32 v22, v43;
	v56 =	vadd.f32 v5, v30  }
0x245: {  	[tilespmem:$0x1FBE0] =	vst v1;
	v5 =	vadd.f32 v2, v1;
	v1 =	vadd.f32 v13, v28  }
0x246: {  	[tilespmem:$0x1FA50] =	vst v55;
	v59 =	vadd.f32 v47, v55;
	v55 =	vadd.f32 v50, v41  }
0x247: {  	[tilespmem:$0x1FBF0] =	vst v2;
	v2 =	vadd.f32 v54, v53;
	v0 =	vadd.f32 v1, v0;
	_ =	sdelay $0x1  }
0x248: {  	[tilespmem:$0x1F9B0] =	vst v0;
	v0 =	vadd.f32 v2, v55;
	_ =	sdelay $0x1  }
0x249: {  	[tilespmem:$0x1F980] =	vst v0;
	v0 =	vld [tilespmem:$0x1FC20];
	_ =	sdelay $0x2  }
0x24a: {  	v22 =	vadd.f32 v25, v23;
	_ =	sdelay $0x1  }
0x24b: {  	v12 =	vld [tilespmem:$0x1FFA0];
	[tilespmem:$0x1F9F0] =	vst v26;
	v26 =	vadd.f32 v31, v22;
	v22 =	vsub.f32 v0, v27;
	v0 =	vmov v36  }
0x24c: {  	[tilespmem:$0x1FC20] =	vst v0;
	v0 =	vld [tilespmem:$0x1FC30]  }
0x24d: {  	[tilespmem:$0x1FC10] =	vst v14;
	v14 =	vld [tilespmem:$0x1FF40]  }
0x24e: {  	v51 =	vadd.f32 v51, v61;
	[tilespmem:$0x1FBC0] =	vst v18;
	v18 =	vld [tilespmem:$0x1FF50]  }
0x24f: {  	v38 =	vadd.f32 v58, v19;
	v20 =	vmul.f32 v45, v45;
	v6 =	vld [tilespmem:$0x1FF60];
	v30 =	vmul.f32 v48, v48  }
0x250: {  	v42 =	vadd.f32 v49, v42;
	v4 =	vadd.f32 v4, v12;
	v1 =	vld [tilespmem:$0x1F7A0]  }
0x251: {  	[tilespmem:$0x1F960] =	vst v13;
	v20 =	vadd.f32 v30, v20;
	v30 =	vsub.f32 v0, v27;
	v0 =	vld [tilespmem:$0x1FCD0]  }
0x252: {  	s18 =	smov.u32 s17;
	s17 =	sadd.s32 $0x200, s17;
	[tilespmem:$0x1FA30] =	vst v19;
	(xrf2) =	vadd.scan.msk.f32 $0xffff, v51;
	v13 =	vadd.f32 v15, v21;
	v21 =	vadd.f32 v32, v57  }
0x253: {  	[tilespmem:s17+$0xF0] =	vst v4;
	v32 =	vadd.f32 v59, v38;
	v38 =	vmul.f32 v34, v14;
	v15 =	vmul.f32 v34, v3  }
0x254: {  	v4 =	vadd.f32 v52, v36;
	v19 =	vmul.f32 v34, v18;
	v16 =	vmul.f32 v46, v14;
	(xrf2) =	vadd.scan.msk.f32 $0xffff, v13  }
0x255: {  	v9 =	vadd.f32 v9, v11;
	v11 =	vmul.f32 v34, v6;
	(xrf2) =	vadd.scan.msk.f32 $0xffff, v42;
	v34 =	vmul.f32 v46, v18  }
0x256: {  	v42 =	vmul.f32 v46, v3;
	v36 =	vmul.f32 v46, v6;
	v46 =	vsub.f32 v0, v1;
	v0 =	vmovc v52  }
0x257: {  	[tilespmem:$0x1FC30] =	vst v0;
	v0 =	vld [tilespmem:$0x1FCE0];
	_ =	sdelay $0x4  }
0x258: {  	v52 =	vsub.f32 v0, v1;
	v0 =	vmov v37  }
0x259: {  	[tilespmem:$0x1FCD0] =	vst v0;
	v0 =	vld [tilespmem:$0x1FD00];
	_ =	sdelay $0x4  }
0x25a: {  	(xrf2) =	vadd.scan.msk.f32 $0xffff, v9;
	v9 =	vsub.f32 v0, v1;
	v0 =	vld [tilespmem:$0x1FCF0];
	_ =	sdelay $0x3  }
0x25b: {  	v2 =	vld [tilespmem:$0x1F7B0]  }
0x25c: {  	v61 =	vsub.f32 v0, v1;
	v0 =	vld [tilespmem:$0x1FE20];
	_ =	sdelay $0x1  }
0x25d: {  	v24 =	vmul.f32 v41, v41;
	v8 =	vmul.f32 v50, v50;
	_ =	sdelay $0x1  }
0x25e: {  	v43 =	vmul.f32 v53, v53;
	v8 =	vadd.f32 v8, v24  }
0x25f: {  	[tilespmem:$0x1FA40] =	vst v58;
	v24 =	vmul.f32 v54, v54;
	v58 =	vadd.f32 v4, v7;
	v7 =	vsub.f32 v0, v2;
	v0 =	vld [tilespmem:$0x1FE30];
	_ =	sdelay $0x1  }
0x260: {  	v24 =	vadd.f32 v24, v43  }
0x261: {  	[tilespmem:$0x1F9D0] =	vst v23;
	v23 =	vmul.f32 v39, v14;
	v49 =	vmul.f32 v39, v18;
	v56 =	vadd.f32 v20, v56  }
0x262: {  	v31 =	vmul.f32 v39, v3;
	v8 =	vadd.f32 v24, v8;
	v24 =	vmul.f32 v39, v6;
	v39, _, _ =	vpop (xrf2)  }
0x263: {  	(xrf2) =	vadd.scan.msk.f32 $0xffff, v56;
	v56 =	vsub.f32 v0, v2;
	v0, _, _ =	vpop (xrf2)  }
0x264: {  	[tilespmem:s13+$0xFFFFFFD0] =	vst v0;
	v0 =	vld [tilespmem:$0x1FE40];
	_ =	sdelay $0x1  }
0x265: {  	v59 =	vmul.f32 v35, v14  }
0x266: {  	[tilespmem:$0x1F9E0] =	vst v25;
	v25 =	vmul.f32 v62, v6;
	v57 =	vmul.f32 v33, v6  }
0x267: {  	v13 =	vmul.f32 v17, v6;
	[tilespmem:s13+$0xFFFFFFB0] =	vst v39;
	v39 =	vmul.f32 v35, v18;
	v1 =	vld [tilespmem:$0x1FE50]  }
0x268: {  	v35 =	vmul.f32 v35, v6;
	v27 =	vmul.f32 v44, v6;
	v6 =	vsub.f32 v0, v2;
	v0 =	vld [tilespmem:$0x1F7C0];
	_ =	sdelay $0x4  }
0x269: {  	v4 =	vsub.f32 v1, v2;
	v1 =	vsub.f32 v0, v10;
	v0 =	vld [tilespmem:$0x1F7D0];
	_ =	sdelay $0x4  }
0x26a: {  	[tilespmem:$0x1FA70] =	vst v47;
	v47 =	vadd.f32 v5, v63;
	v5 =	vsub.f32 v0, v10;
	v0 =	vld [tilespmem:$0x1F7E0];
	_ =	sdelay $0x2  }
0x26b: {  	v43 =	vmul.f32 v62, v14;
	_ =	sdelay $0x1  }
0x26c: {  	(xrf2) =	vadd.scan.msk.f32 $0xffff, v8;
	v8 =	vmul.f32 v43, v0;
	v0 =	vld [tilespmem:$0x1F7F0];
	_ =	sdelay $0x3  }
0x26d: {  	v2 =	vld [tilespmem:$0x1F810]  }
0x26e: {  	v10 =	vsub.f32 v0, v10;
	v0 =	vld [tilespmem:$0x1F800];
	_ =	sdelay $0x3  }
0x26f: {  	v51 =	vmul.f32 v33, v14  }
0x270: {  	[tilespmem:$0x1F950] =	vst v28;
	v28 =	vmul.f32 v44, v14;
	v37 =	vmul.f32 v17, v14;
	v14 =	vsub.f32 v2, v0;
	v2 =	vld [tilespmem:$0x1F820];
	_ =	sdelay $0x2  }
0x271: {  	v29 =	vmul.f32 v62, v18;
	_ =	sdelay $0x1  }
0x272: {  	v29 =	vmul.f32 v29, v2;
	v2 =	vld [tilespmem:$0x1F830];
	_ =	sdelay $0x3  }
0x273: {  	v43, _, _ =	vpop (xrf2)  }
0x274: {  	[tilespmem:s13+$0xFFFFFFF0] =	vst v43;
	v43 =	vsub.f32 v2, v0;
	v2 =	vld [tilespmem:$0x1F840];
	_ =	sdelay $0x4  }
0x275: {  	v63 =	vmul.f32 v17, v18;
	v20 =	vmul.f32 v17, v3;
	v17 =	vsub.f32 v2, v0;
	v2 =	vmovc v0;
	v0 =	vld [tilespmem:$0x1F850];
	_ =	sdelay $0x4  }
0x276: {  	v25 =	vmul.f32 v25, v0;
	v0 =	vld [tilespmem:$0x1FDD0];
	_ =	sdelay $0x4  }
0x277: {  	(xrf2) =	vadd.scan.msk.f32 $0xffff, v21;
	v21 =	vsub.f32 v0, v2;
	v2 =	vld [tilespmem:$0x1F880];
	_ =	sdelay $0x3  }
0x278: {  	v0 =	vld [tilespmem:$0x1F860]  }
0x279: {  	v49 =	vmul.f32 v49, v2;
	v2 =	vld [tilespmem:$0x1F890];
	_ =	sdelay $0x1  }
0x27a: {  	v62 =	vmul.f32 v62, v3;
	_ =	sdelay $0x1  }
0x27b: {  	v62 =	vmul.f32 v62, v0;
	v0 =	vld [tilespmem:$0x1F870]  }
0x27c: {  	v24 =	vmul.f32 v24, v2;
	v2 =	vld [tilespmem:$0x1FF80];
	_ =	sdelay $0x3  }
0x27d: {  	v23 =	vmul.f32 v23, v0;
	v0, _, _ =	vpop (xrf2)  }
0x27e: {  	[tilespmem:s13+$0x10] =	vst v0;
	v0 =	vadd.f32 v29, v2;
	v29 =	vld [tilespmem:$0x1F8A0]  }
0x27f: {  	v55 =	vmul.f32 v33, v18;
	v33 =	vmul.f32 v33, v3  }
0x280: {  	v18 =	vmul.f32 v44, v18;
	v44 =	vmul.f32 v44, v3;
	v3 =	vld [tilespmem:$0x1FF70];
	_ =	sdelay $0x2  }
0x281: {  	v29 =	vmul.f32 v31, v29;
	v31 =	vld [tilespmem:$0x1F8B0];
	_ =	sdelay $0x1  }
0x282: {  	v8 =	vadd.f32 v8, v3;
	_ =	sdelay $0x1  }
0x283: {  	[tilespmem:s18+$0xFFFFFF40] =	vst v8;
	v8 =	vadd.f32 v62, v12;
	v62 =	vld [tilespmem:$0x1F8E0]  }
0x284: {  	v31 =	vmul.f32 v38, v31;
	v38 =	vld [tilespmem:$0x1F8C0];
	_ =	sdelay $0x3  }
0x285: {  	v15 =	vmul.f32 v15, v62;
	v62 =	vld [tilespmem:$0x1F8F0]  }
0x286: {  	v19 =	vmul.f32 v19, v38;
	v38 =	vld [tilespmem:$0x1F8D0];
	_ =	sdelay $0x1  }
0x287: {  	(xrf2) =	vadd.scan.msk.f32 $0xffff, v26;
	v26 =	vld [tilespmem:$0x1FF90]  }
0x288: {  	v22 =	vmul.f32 v36, v22;
	v7 =	vmul.f32 v37, v7  }
0x289: {  	v28 =	vmul.f32 v28, v14;
	v14 =	vmul.f32 v27, v17  }
0x28a: {  	v16 =	vmul.f32 v16, v62;
	v11 =	vmul.f32 v11, v38;
	v38, _, _ =	vpop (xrf2);
	(xrf2) =	vadd.scan.msk.f32 $0xffff, v32  }
0x28b: {  	v23 =	vadd.f32 v23, v3;
	v32 =	vadd.f32 v49, v2;
	v49 =	vmul.f32 v51, v46  }
0x28c: {  	v17 =	vmul.f32 v44, v21;
	v21 =	vld [tilespmem:$0x1F940];
	[tilespmem:s18+$0xFFFFFF70] =	vst v8;
	v8 =	vadd.f32 v16, v3;
	v16 =	vadd.f32 v22, v26  }
0x28d: {  	v22 =	vadd.f32 v49, v3;
	v49 =	vadd.f32 v7, v3;
	v7 =	vmov v40  }
0x28e: {  	[tilespmem:$0x1FCE0] =	vst v7;
	v7 =	vld [tilespmem:$0x1F970]  }
0x28f: {  	[tilespmem:s18+$0xFFFFFF80] =	vst v23;
	v25 =	vadd.f32 v25, v26  }
0x290: {  	v62 =	vld [tilespmem:$0x1F900];
	[tilespmem:s18+$0xFFFFFF50] =	vst v0;
	v51, _, _ =	vpop (xrf2)  }
0x291: {  	v4 =	vmul.f32 v13, v4;
	[tilespmem:s18+$0xFFFFFF60] =	vst v25;
	v13, _, _ =	vpop (xrf2)  }
0x292: {  	[tilespmem:s13+$0xFFFFFF90] =	vst v13;
	v13 =	vadd.f32 v15, v12;
	v15, _, _ =	vpop (xrf2)  }
0x293: {  	v25 =	vmul.f32 v18, v43;
	v18 =	vld [tilespmem:$0x1F910];
	[tilespmem:s13+$0xFFFFFFA0] =	vst v15  }
0x294: {  	[tilespmem:s18+$0xFFFFFF90] =	vst v32;
	v23 =	vld.idx.msk [tilespmem:v21+s24+$0x0], $0xffff;
	v21, _, _ =	vpop (xrf2)  }
0x295: {  	v0 =	vadd.f32 v24, v26;
	v62 =	vmul.f32 v34, v62;
	[tilespmem:s13+$0xFFFFFFC0] =	vst v21  }
0x296: {  	v9 =	vmul.f32 v57, v9;
	v7 =	vld.idx.msk [tilespmem:v7+s24+$0x0], $0xffff  }
0x297: {  	(xrf2) =	vadd.scan.msk.f32 $0xffff, v47;
	[tilespmem:s18+$0xFFFFFFA0] =	vst v0;
	v0 =	vld [tilespmem:$0x1F990]  }
0x298: {  	(xrf2) =	vadd.scan.msk.f32 $0xffff, v58;
	v58 =	vadd.f32 v9, v26;
	v9 =	vld [tilespmem:$0x1F950]  }
0x299: {  	v15 =	vadd.f32 v62, v2;
	v62 =	vmov v18;
	v18 =	vld [tilespmem:$0x1F920];
	_ =	sdelay $0x2  }
0x29a: {  	v42 =	vmul.f32 v42, v30  }
0x29b: {  	v6 =	vmul.f32 v20, v6;
	v1 =	vmul.f32 v59, v1;
	[tilespmem:s13+$0x30] =	vst v38;
	v38 =	vmov v9;
	v9 =	vld [tilespmem:$0x1F960]  }
0x29c: {  	v29 =	vadd.f32 v29, v12;
	v30 =	vadd.f32 v31, v3;
	v31 =	vmul.f32 v63, v56;
	v56 =	vmovc v18;
	v18 =	vld [tilespmem:$0x1F930]  }
0x29d: {  	v20 =	vadd.f32 v42, v12;
	v24 =	vmul.f32 v55, v52;
	v52 =	vadd.f32 v4, v26;
	v4 =	vld.idx.msk [tilespmem:v0+s24+$0x0], $0xffff  }
0x29e: {  	v42 =	vadd.f32 v1, v3;
	[tilespmem:s18+$0xFFFFFFB0] =	vst v29;
	v29 =	vadd.f32 v28, v3;
	v3 =	vld [tilespmem:$0x1F9C0];
	_ =	sdelay $0x1  }
0x29f: {  	v9 =	vmov v9  }
0x2a0: {  	[tilespmem:$0x1FDD0] =	vst v9;
	v9 =	vld [tilespmem:$0x1F980];
	_ =	sdelay $0x2  }
0x2a1: {  	v0, _, _ =	vpop (xrf2)  }
0x2a2: {  	(xrf2) =	vadd.scan.msk.f32 $0xffff, v60;
	v18 =	vld.idx.msk [tilespmem:v18+s24+$0x0], $0xffff;
	[tilespmem:s13+$0xFFFFFFE0] =	vst v0  }
0x2a3: {  	(xrf2) =	vadd.scan.msk.f32 $0xffff, v9;
	v9 =	vld.idx.msk [tilespmem:v3+s24+$0x0], $0xffff  }
0x2a4: {  	v3 =	vld [tilespmem:$0x1F9D0];
	_ =	sdelay $0x1  }
0x2a5: {  	v1 =	vmov v41  }
0x2a6: {  	[tilespmem:$0x1FE20] =	vst v1;
	v1 =	vmul.f32 $1.562500000e-02, v18;
	_ =	sdelay $0x1  }
0x2a7: {  	v43 =	vsub.f32 v3, v1;
	v3 =	vld [tilespmem:$0x1F9E0];
	_ =	sdelay $0x4  }
0x2a8: {  	v5 =	vmul.f32 v39, v5;
	v39 =	vsub.f32 v3, v1;
	v3 =	vld [tilespmem:$0x1F9F0];
	_ =	sdelay $0x4  }
0x2a9: {  	v55 =	vadd.f32 v31, v2;
	v31 =	vsub.f32 v3, v1;
	v3 =	vld [tilespmem:$0x1FA00];
	_ =	sdelay $0x4  }
0x2aa: {  	v36 =	vsub.f32 v3, v1;
	v3 =	vld [tilespmem:$0x1FA10];
	_ =	sdelay $0x1  }
0x2ab: {  	v10 =	vmul.f32 v35, v10;
	_ =	sdelay $0x2  }
0x2ac: {  	v27 =	vadd.f32 v24, v2  }
0x2ad: {  	v19 =	vadd.f32 v19, v2;
	v21 =	vadd.f32 v10, v26;
	v10, _, _ =	vpop (xrf2)  }
0x2ae: {  	v0 =	vadd.f32 v5, v2;
	v2 =	vadd.f32 v25, v2;
	[tilespmem:s13+$0x0] =	vst v10  }
0x2af: {  	v25 =	vadd.f32 v14, v26;
	v14 =	vmul.f32 v1, v1;
	v1 =	vmul.f32 $1.562500000e-02, v7;
	v7 =	vld.idx.msk [tilespmem:v3+s24+$0x0], $0xffff  }
0x2b0: {  	v3 =	vld [tilespmem:$0x1FA20];
	_ =	sdelay $0x7  }
0x2b1: {  	v10 =	vld.idx.msk [tilespmem:v3+s24+$0x0], $0xffff;
	v3 =	vmov v50  }
0x2b2: {  	[tilespmem:$0x1FE30] =	vst v3;
	v3 =	vld [tilespmem:$0x1FA30];
	_ =	sdelay $0x4  }
0x2b3: {  	v32 =	vsub.f32 v3, v1;
	v3 =	vld [tilespmem:$0x1FA40];
	_ =	sdelay $0x2  }
0x2b4: {  	v5 =	vmov v48  }
0x2b5: {  	[tilespmem:$0x1FCF0] =	vst v5;
	v5 =	vld [tilespmem:$0x1F9A0]  }
0x2b6: {  	v44 =	vadd.f32 v6, v12;
	v6 =	vmov v45;
	v45 =	vsub.f32 v3, v1;
	v3 =	vld [tilespmem:$0x1FA50];
	_ =	sdelay $0x4  }
0x2b7: {  	v47 =	vsub.f32 v3, v1;
	v3 =	vld [tilespmem:$0x1FA60];
	_ =	sdelay $0x2  }
0x2b8: {  	v5 =	vld.idx.msk [tilespmem:v5+s24+$0x0], $0xffff  }
0x2b9: {  	v33 =	vmul.f32 v33, v61;
	_ =	sdelay $0x1  }
0x2ba: {  	v57 =	vadd.f32 v33, v12;
	v24 =	vadd.f32 v17, v12;
	v12, _, _ =	vpop (xrf2)  }
0x2bb: {  	[tilespmem:s13+$0x20] =	vst v12  }
0x2bc: {  	v48 =	vmul.f32 $1.562500000e-02, v5;
	v5 =	vld.idx.msk [tilespmem:v3+s24+$0x0], $0xffff;
	v3 =	vmov v53  }
0x2bd: {  	[tilespmem:$0x1FE50] =	vst v3;
	v3 =	vld [tilespmem:$0x1FA70];
	_ =	sdelay $0x2  }
0x2be: {  	[tilespmem:$0x1FD00] =	vst v6;
	v6 =	vld [tilespmem:$0x1F9B0];
	v11 =	vadd.f32 v11, v26;
	_ =	sdelay $0x1  }
0x2bf: {  	[tilespmem:s18+$0xFFFFFFE0] =	vst v11;
	v11 =	vmul.f32 v1, v1;
	v41 =	vsub.f32 v3, v1;
	v1 =	vld [tilespmem:$0x1FA80];
	_ =	sdelay $0x1  }
0x2c0: {  	v3 =	vld [tilespmem:$0x1FA90]  }
0x2c1: {  	(xrf2) =	vadd.scan.msk.f32 $0xffff, v6;
	v6 =	vmul.f32 $1.562500000e-02, v23;
	_ =	sdelay $0x1  }
0x2c2: {  	v6 =	vsub.f32 v6, v14  }
0x2c3: {  	v4 =	vmul.f32 $1.562500000e-02, v4  }
0x2c4: {  	[tilespmem:s13+$0x50] =	vst v51;
	v6 =	vadd.f32 $9.999999960e-13, v6  }
0x2c5: {  	v4 =	vsub.f32 v4, v11;
	[tilespmem:s18+$0x0] =	vst v8;
	v11 =	vld.idx.msk [tilespmem:v1+s24+$0x0], $0xffff;
	v1, _, _ =	vpop (xrf2)  }
0x2c6: {  	v8 =	vshra.s32 v6, $0x1;
	[tilespmem:s13+$0x40] =	vst v1;
	v1 =	vmov v54  }
0x2c7: {  	[tilespmem:$0x1FE40] =	vst v1;
	v1 =	vsub.s32 $0x5F3759DF, v8;
	v8 =	vadd.f32 $9.999999960e-13, v4;
	v4 =	vld.idx.msk [tilespmem:v3+s24+$0x0], $0xffff  }
0x2c8: {  	v3 =	vld [tilespmem:$0x1FAA0];
	_ =	sdelay $0x5  }
0x2c9: {  	[tilespmem:s18+$0xFFFFFFF0] =	vst v13;
	v13 =	vmul.f32 $1.562500000e-02, v9;
	v12 =	vmul.f32 v48, v48;
	_ =	sdelay $0x1  }
0x2ca: {  	v50 =	vmul.f32 $1.562500000e-02, v7;
	v7 =	vsub.f32 v13, v12;
	v12 =	vmul.f32 $1.562500000e-02, v10;
	v10 =	vld.idx.msk [tilespmem:v3+s24+$0x0], $0xffff  }
0x2cb: {  	v3 =	vld [tilespmem:$0x1FAB0];
	_ =	sdelay $0x5  }
0x2cc: {  	v9, _, _ =	vpop (xrf2)  }
0x2cd: {  	[tilespmem:s13+$0xFFFFFF80] =	vst v9  }
0x2ce: {  	v9 =	vshra.s32 v8, $0x1;
	v14 =	vmul.f32 $5.000000000e-01, v8;
	v8 =	vld.idx.msk [tilespmem:v3+s24+$0x0], $0xffff  }
0x2cf: {  	v3 =	vld [tilespmem:$0x1FAC0];
	_ =	sdelay $0x1  }
0x2d0: {  	s19 =	sadd.s32 $0x8, s19;
	[tilespmem:s18+$0xFFFFFFC0] =	vst v30  }
0x2d1: {  	p1 =	slt.u32 s19, $0xF8;
	[tilespmem:s18+$0xFFFFFFD0] =	vst v19  }
.Ltmp2:
0x2d2: {  	[tilespmem:s18+$0x20] =	vst v16;
	v13 =	vmul.f32 v50, v50;
	v16 =	vadd.f32 $9.999999960e-13, v7;
	(pc) =	sbr.rel @p1 .LBB2_3-.Ltmp2, $4  }
0x2d3: {  	v61 =	vmul.f32 $5.000000000e-01, v6;
	[tilespmem:s18+$0x10] =	vst v15;
	v37 =	vmul.f32 $1.562500000e-02, v5  }
0x2d4: {  	[tilespmem:s18+$0x30] =	vst v20;
	v12 =	vsub.f32 v12, v13;
	v13 =	vmul.f32 $5.000000000e-01, v16;
	v5 =	vshra.s32 v16, $0x1  }
0x2d5: {  	v16 =	vmul.f32 v37, v37;
	[tilespmem:s18+$0x40] =	vst v22;
	v6 =	vmul.f32 v1, v61;
	v15 =	vsub.s32 $0x5F3759DF, v9  }
0x2d6: {  	[tilespmem:s18+$0x50] =	vst v27;
	v11 =	vmul.f32 $1.562500000e-02, v11;
	v7 =	vmul.f32 v15, v14;
	v9 =	vld.idx.msk [tilespmem:v3+s24+$0x0], $0xffff  }
0x2d7: {  	v17 =	vsub.s32 $0x5F3759DF, v5;
	v5 =	vmul.f32 $1.562500000e-02, v4;
	v4 =	vmul.f32 $1.562500000e-02, v8  }
0x2d8: {  	v12 =	vadd.f32 $9.999999960e-13, v12;
	v8 =	vmul.f32 $1.562500000e-02, v10;
	v6 =	vmul.f32 v1, v6  }
0x2d9: {  	v11 =	vsub.f32 v11, v16;
	v16 =	vmul.f32 v17, v13;
	v7 =	vmul.f32 v15, v7  }
0x2da: {  	v18 =	vmul.f32 v4, v4;
	v19 =	vshra.s32 v12, $0x1;
	v12 =	vmul.f32 $5.000000000e-01, v12  }
0x2db: {  	v6 =	vsub.f32 $1.500000000e+00, v6;
	v10 =	vadd.f32 $9.999999960e-13, v11;
	v11 =	vmul.f32 v5, v5  }
0x2dc: {  	v16 =	vmul.f32 v17, v16;
	v7 =	vsub.f32 $1.500000000e+00, v7;
	v9 =	vmul.f32 $1.562500000e-02, v9  }
0x2dd: {  	v1 =	vmul.f32 v1, v6;
	v20 =	vshra.s32 v10, $0x1;
	v8 =	vsub.f32 v8, v11  }
0x2de: {  	v11 =	vsub.s32 $0x5F3759DF, v19;
	v10 =	vmul.f32 $5.000000000e-01, v10;
	v16 =	vsub.f32 $1.500000000e+00, v16  }
0x2df: {  	v7 =	vmul.f32 v15, v7;
	v9 =	vsub.f32 v9, v18;
	v18 =	vsub.s32 $0x5F3759DF, v20  }
0x2e0: {  	v19 =	vmul.f32 v11, v12;
	v8 =	vadd.f32 $9.999999960e-13, v8;
	v20 =	vmul.f32 v18, v10  }
0x2e1: {  	v16 =	vmul.f32 v17, v16;
	v14 =	vmul.f32 v7, v14;
	v9 =	vadd.f32 $9.999999960e-13, v9  }
0x2e2: {  	v19 =	vmul.f32 v11, v19;
	v22 =	vshra.s32 v8, $0x1;
	v8 =	vmul.f32 $5.000000000e-01, v8  }
0x2e3: {  	[tilespmem:s18+$0x60] =	vst v58;
	v20 =	vmul.f32 v18, v20;
	v13 =	vmul.f32 v16, v13  }
0x2e4: {  	[tilespmem:s18+$0x70] =	vst v57;
	v14 =	vmul.f32 v14, v7;
	v6 =	vshra.s32 v9, $0x1;
	v9 =	vmul.f32 $5.000000000e-01, v9  }
0x2e5: {  	[tilespmem:s18+$0x80] =	vst v49;
	v22 =	vsub.s32 $0x5F3759DF, v22;
	v19 =	vsub.f32 $1.500000000e+00, v19;
	v6 =	vsub.s32 $0x5F3759DF, v6  }
0x2e6: {  	v59 =	vld [tilespmem:$0x1FF40];
	v26 =	vmul.f32 v22, v8;
	v15 =	vsub.f32 $1.500000000e+00, v20;
	v13 =	vmul.f32 v13, v16  }
0x2e7: {  	v58 =	vld [tilespmem:$0x1FF50];
	[tilespmem:s18+$0x90] =	vst v55;
	v14 =	vsub.f32 $1.500000000e+00, v14;
	v23 =	vmul.f32 v6, v9;
	v11 =	vmul.f32 v11, v19  }
0x2e8: {  	v60 =	vld [tilespmem:$0x1FF60];
	v26 =	vmul.f32 v22, v26;
	v15 =	vmul.f32 v18, v15  }
0x2e9: {  	v3 =	vld [tilespmem:$0x1FBB0];
	v18 =	vmul.f32 v1, v61;
	v7 =	vmul.f32 v14, v7  }
0x2ea: {  	v13 =	vsub.f32 $1.500000000e+00, v13;
	v23 =	vmul.f32 v6, v23;
	v12 =	vmul.f32 v11, v12  }
0x2eb: {  	v17 =	vsub.f32 $1.500000000e+00, v26;
	v10 =	vmul.f32 v15, v10;
	v18 =	vmul.f32 v18, v1  }
0x2ec: {  	v13 =	vmul.f32 v13, v16;
	v16 =	vmul.f32 v7, v59;
	v54 =	vsub.f32 $1.500000000e+00, v23  }
0x2ed: {  	v63 =	vld [tilespmem:$0x1FFB0];
	[tilespmem:s18+$0xA0] =	vst v52;
	v19 =	vmul.f32 v7, v60;
	v12 =	vmul.f32 v12, v11;
	v18 =	vsub.f32 $1.500000000e+00, v18  }
0x2ee: {  	v14 =	vsub.f32 v3, v48;
	v3 =	vld [tilespmem:$0x1FBC0];
	[tilespmem:s18+$0xB0] =	vst v44;
	v17 =	vmul.f32 v22, v17;
	v6 =	vmul.f32 v6, v54  }
0x2ef: {  	v10 =	vmul.f32 v10, v15;
	v1 =	vmul.f32 v18, v1;
	v18 =	vld [tilespmem:$0x1FBE0];
	[tilespmem:s17+$0xC0] =	vst v42  }
0x2f0: {  	v61 =	vmul.f32 v13, v59;
	v9 =	vmul.f32 v6, v9;
	v57 =	vld [tilespmem:$0x1FBF0];
	[tilespmem:s17+$0xD0] =	vst v0  }
0x2f1: {  	v40 =	vmul.f32 v13, v58;
	v26 =	vmul.f32 v13, v60;
	v0 =	vld [tilespmem:$0x1FC00];
	[tilespmem:s17+$0xE0] =	vst v21  }
0x2f2: {  	v13 =	vmul.f32 v13, v63;
	v9 =	vmul.f32 v9, v6;
	v21 =	vld [tilespmem:$0x1FC10];
	[tilespmem:s18+$0xFFFFFF00] =	vst v29  }
0x2f3: {  	v16 =	vmul.f32 v16, v32;
	v12 =	vsub.f32 $1.500000000e+00, v12;
	v3 =	vsub.f32 v3, v48;
	v29 =	vld [tilespmem:$0x1FC20];
	[tilespmem:s18+$0xFFFFFF10] =	vst v2  }
0x2f4: {  	v19 =	vmul.f32 v19, v47;
	v8 =	vmul.f32 v17, v8;
	v9 =	vsub.f32 $1.500000000e+00, v9;
	v2 =	vld [tilespmem:$0x1FC30];
	[tilespmem:s18+$0xFFFFFF20] =	vst v25  }
0x2f5: {  	v10 =	vsub.f32 $1.500000000e+00, v10;
	v11 =	vmul.f32 v12, v11;
	v3 =	vmul.f32 v40, v3;
	v35 =	vld [tilespmem:$0x1FF70]  }
0x2f6: {  	v6 =	vmul.f32 v9, v6;
	v9 =	vmul.f32 v1, v59  }
0x2f7: {  	v8 =	vmul.f32 v8, v17;
	v10 =	vmul.f32 v10, v15  }
0x2f8: {  	v12 =	vmul.f32 v1, v58;
	v9 =	vmul.f32 v9, v43  }
0x2f9: {  	v15 =	vmul.f32 v1, v60;
	v27 =	vmul.f32 v11, v59;
	v25 =	vld [tilespmem:$0x1FCD0];
	[tilespmem:s18+$0xFFFFFF30] =	vst v24  }
0x2fa: {  	v28 =	vmul.f32 v11, v58;
	v8 =	vsub.f32 $1.500000000e+00, v8;
	v34 =	vld [tilespmem:$0x1FF80];
	v9 =	vadd.f32 v9, v35  }
0x2fb: {  	v30 =	vmul.f32 v11, v60;
	v12 =	vmul.f32 v12, v39;
	v33 =	vld [tilespmem:$0x1FF90]  }
0x2fc: {  	v15 =	vmul.f32 v15, v31;
	v8 =	vmul.f32 v8, v17;
	v31 =	vld [tilespmem:$0x1FCE0];
	[tilespmem:s17+$0xFFFFFF40] =	vst v9  }
0x2fd: {  	v18 =	vsub.f32 v18, v48;
	v17 =	vmul.f32 v7, v58;
	v7 =	vmul.f32 v7, v63;
	v42 =	vld [tilespmem:$0x1FFA0]  }
0x2fe: {  	v20 =	vsub.f32 v57, v48;
	v1 =	vmul.f32 v1, v63;
	v0 =	vsub.f32 v0, v50  }
0x2ff: {  	v24 =	vmul.f32 v10, v59;
	v21 =	vsub.f32 v21, v50;
	v12 =	vadd.f32 v12, v34  }
0x300: {  	v17 =	vmul.f32 v17, v45;
	v1 =	vmul.f32 v1, v36;
	v15 =	vadd.f32 v15, v33  }
0x301: {  	v7 =	vmul.f32 v7, v41;
	v29 =	vsub.f32 v29, v50;
	v16 =	vadd.f32 v16, v35;
	[tilespmem:s17+$0xFFFFFF50] =	vst v12  }
0x302: {  	v0 =	vmul.f32 v27, v0;
	v2 =	vsub.f32 v2, v50;
	[tilespmem:s17+$0xFFFFFF60] =	vst v15;
	v1 =	vadd.f32 v1, v42  }
0x303: {  	v17 =	vadd.f32 v17, v34;
	v9 =	vmul.f32 v10, v58;
	v12 =	vmul.f32 v10, v60;
	v15 =	vld [tilespmem:$0x1FD00];
	[tilespmem:s17+$0xFFFFFF80] =	vst v16  }
0x304: {  	v7 =	vadd.f32 v7, v42;
	[tilespmem:s17+$0xFFFFFF70] =	vst v1;
	v1 =	vmul.f32 v10, v63;
	v10 =	vmul.f32 v61, v14  }
0x305: {  	v11 =	vmul.f32 v11, v63;
	v25 =	vsub.f32 v25, v37;
	[tilespmem:s17+$0xFFFFFF90] =	vst v17;
	v14 =	vadd.f32 v19, v33  }
0x306: {  	v18 =	vmul.f32 v26, v18;
	v0 =	vadd.f32 v0, v35;
	v17 =	vld [tilespmem:$0x1FCF0];
	[tilespmem:s17+$0xFFFFFFB0] =	vst v7;
	v10 =	vadd.f32 v10, v35  }
0x307: {  	v13 =	vmul.f32 v13, v20;
	v31 =	vsub.f32 v31, v37;
	v3 =	vadd.f32 v3, v34;
	[tilespmem:s17+$0xFFFFFFA0] =	vst v14  }
0x308: {  	v18 =	vadd.f32 v18, v33;
	v2 =	vmul.f32 v11, v2;
	v16 =	vmul.f32 v8, v59;
	[tilespmem:s17+$0xFFFFFFC0] =	vst v10  }
0x309: {  	v9 =	vmul.f32 v9, v31;
	v13 =	vadd.f32 v13, v42;
	v19 =	vmul.f32 v28, v21;
	v10 =	vld [tilespmem:$0x1FE20];
	[tilespmem:s17+$0xFFFFFFD0] =	vst v3  }
0x30a: {  	v2 =	vadd.f32 v2, v42;
	v15 =	vsub.f32 v15, v37;
	v7 =	vmul.f32 v8, v60;
	[tilespmem:s17+$0xFFFFFFE0] =	vst v18  }
0x30b: {  	v14 =	vmul.f32 v8, v58;
	v11 =	vadd.f32 v19, v34;
	v19 =	vmul.f32 v24, v25;
	v18 =	vld [tilespmem:$0x1FE30];
	[tilespmem:s17+$0xFFFFFFF0] =	vst v13  }
0x30c: {  	v3 =	vmul.f32 v8, v63;
	v8 =	vmul.f32 v30, v29;
	v17 =	vsub.f32 v17, v37;
	[tilespmem:s17+$0x0] =	vst v0  }
0x30d: {  	v12 =	vmul.f32 v12, v15;
	v15 =	vadd.f32 v19, v35;
	v13 =	vmul.f32 v6, v59;
	[tilespmem:s17+$0x10] =	vst v11  }
0x30e: {  	v8 =	vadd.f32 v8, v33;
	v11 =	vld [tilespmem:$0x1FE50];
	[tilespmem:s17+$0x30] =	vst v2;
	v1 =	vmul.f32 v1, v17;
	v10 =	vsub.f32 v10, v5  }
0x30f: {  	v9 =	vadd.f32 v9, v34;
	v0 =	vmul.f32 v6, v58;
	v2 =	vmul.f32 v6, v63;
	[tilespmem:s17+$0x40] =	vst v15  }
0x310: {  	[tilespmem:s17+$0x20] =	vst v8;
	v8 =	vmul.f32 v6, v60;
	v1 =	vadd.f32 v1, v42;
	v6 =	vmul.f32 v16, v10  }
0x311: {  	v10 =	vadd.f32 v12, v33;
	v12 =	vld [tilespmem:$0x1FE40];
	[tilespmem:s17+$0x50] =	vst v9  }
0x312: {  	[tilespmem:s17+$0x70] =	vst v1;
	v6 =	vadd.f32 v6, v35  }
0x313: {  	[tilespmem:s17+$0x60] =	vst v10  }
0x314: {  	v11 =	vsub.f32 v11, v5;
	[tilespmem:s17+$0x80] =	vst v6  }
0x315: {  	v1 =	vsub.f32 v38, v4;
	v6 =	vld [tilespmem:$0x1FDD0]  }
0x316: {  	v7 =	vmul.f32 v7, v11;
	v10 =	vsub.f32 v56, v4  }
0x317: {  	v18 =	vsub.f32 v18, v5;
	v1 =	vmul.f32 v8, v1  }
0x318: {  	v7 =	vadd.f32 v7, v33;
	v0 =	vmul.f32 v0, v10;
	v5 =	vsub.f32 v12, v5  }
0x319: {  	v9 =	vsub.f32 v62, v4;
	v1 =	vadd.f32 v1, v33;
	v12 =	vmul.f32 v14, v18  }
0x31a: {  	[tilespmem:s17+$0xA0] =	vst v7;
	v0 =	vadd.f32 v0, v34;
	v3 =	vmul.f32 v3, v5;
	v4 =	vsub.f32 v6, v4  }
0x31b: {  	v9 =	vmul.f32 v13, v9;
	[tilespmem:s17+$0xFFFFFF20] =	vst v1;
	v5 =	vadd.f32 v12, v34  }
0x31c: {  	[tilespmem:s17+$0xFFFFFF10] =	vst v0;
	v3 =	vadd.f32 v3, v42;
	v2 =	vmul.f32 v2, v4  }
0x31d: {  	[tilespmem:s17+$0x90] =	vst v5;
	v5 =	vadd.f32 v9, v35  }
0x31e: {  	[tilespmem:s17+$0xB0] =	vst v3;
	v2 =	vadd.f32 v2, v42  }
0x31f: {  	s3 =	sshll.u32 s0, $0xC;
	[tilespmem:s17+$0xFFFFFF00] =	vst v5  }
0x320: {  	p1 =	seq.s32 s0, $0xF;
	s3 =	sadd.s32 s3, s9;
	[tilespmem:s17+$0xFFFFFF30] =	vst v2  }
0x321: {  	[hbm4b:s3+s4] =	stream.linear.scatter [tilespmem:s25], [sflag:$0x3], $0x4000, $0x38;
	[tilespmem:$0x1E080] =	vst v63  }
0x322: {  	s3 =	sshll.u32 @!p1 s0, $0x9  }
0x323: {  	s3 =	sand.u32 @!p1 $0x3FFFFE00, s3  }
0x324: {  	s7 =	simm.s32 @!p1 $0x80;
	s8 =	simm.s32 @!p1 $0xE000;
	s6 =	sadd.s32 @!p1 $0x200, s3  }
0x325: {  	[tilespmem:s8], [sflag:$0x1] =	stream.indirect.gather @!p1 [hbm4b:s5+s7], $0x40, s6, s7, $0xb8;
	[tilespmem:$0x1E080] =	vst v63  }
0x326: {  	s3 =	sadd.s32 @!p1 $0x280, s3;
	s8 =	simm.s32 @!p1 $0x10000  }
0x327: {  	[tilespmem:s8], [sflag:$0x1] =	stream.indirect.gather @!p1 [hbm4b:s5+s7], $0x40, s3, s7, $0xb8;
	[tilespmem:$0x1E080] =	vst v63  }
0x328: {  	_ =	swait.ge [sflag:s26], $0x2000  }
0x329: {  	v61 =	vld [tilespmem:$0x1FFF0]  }
0x32a: {  	s6 =	sadd.s32 $0xFFFFFFF8, s1  }
0x32b: {  	s10 =	sadd.s32 $0x10F, s6  }
0x32c: {  	v0 =	vmov s10  }
0x32d: {  	v0 =	vshrl.u32 v0, $0x3  }
0x32e: {  	[sflag:s26] =	ssyncset.done $0x0;
	v0 =	vshll.u32 v0, v61  }
0x32f: {  	[sflag:s26] =	ssyncadd.s32 $0xFFFFE000;
	v0 =	vadd.s32 $0x7, v0  }
0x330: {  	_ =	swait.ge [sflag:s26], $0x2000;
	v0 =	vbroadcast v0, $0x0  }
0x331: {  	[sflag:s26] =	ssyncset.done $0x0  }
0x332: {  	s17 =	sadd.s32 $0x10B, s6;
	s3 =	simm.s32 @!p0 $0x4;
	[sflag:s26] =	ssyncadd.s32 $0xFFFFE000  }
0x333: {  	v3 =	vmov s17;
	_ =	swait.ge @!p0 [sflag:s3], $0x4000  }
0x334: {  	s11 =	sadd.s32 $0x109, s6;
	v3 =	vshrl.u32 v3, $0x3;
	[sflag:s3] =	ssyncset.done @!p0 $0x0  }
0x335: {  	s13 =	sadd.s32 $0x10A, s6;
	v1 =	vmov s11;
	v3 =	vshll.u32 v3, v61;
	[sflag:s3] =	ssyncadd.s32 @!p0 $0xFFFFC000  }
0x336: {  	v2 =	vmov s13;
	v1 =	vshrl.u32 v1, $0x3;
	v3 =	vadd.s32 $0x3, v3;
	v0 =	vld.idx.msk [tilespmem:v0+s15+$0x0], $0xffff  }
0x337: {  	v2 =	vshrl.u32 v2, $0x3;
	v1 =	vshll.u32 v1, v61;
	v44 =	vld [tilespmem:$0x1FFC0];
	v3 =	vbroadcast v3, $0x0  }
0x338: {  	v57 =	vlaneseq.u32;
	s18 =	sadd.s32 $0x10C, s6;
	v2 =	vshll.u32 v2, v61;
	v1 =	vadd.s32 $0x1, v1;
	v45 =	vld [tilespmem:$0x1FFD0]  }
0x339: {  	s19 =	sadd.s32 $0x10D, s6;
	s21 =	sadd.s32 $0x10E, s6;
	v4 =	vmov s18;
	s11 =	simm.s32 $0x12100;
	v2 =	vadd.s32 $0x2, v2;
	v47 =	vld [tilespmem:$0x1FFE0];
	v1 =	vbroadcast v1, $0x0  }
0x33a: {  	s6 =	sadd.s32 $0x108, s6;
	v5 =	vmov s19;
	v6 =	vmov s21;
	v2 =	vbroadcast v2, $0x0;
	v10 =	vld [tilespmem:s11+$0xC0]  }
0x33b: {  	v8 =	vmov s6;
	v4 =	vshrl.u32 v4, $0x3;
	v12 =	vld [tilespmem:s11+$0xD0];
	v0 =	vshll.u32 v0, $0x6  }
0x33c: {  	v5 =	vshrl.u32 v5, $0x3;
	v8 =	vshrl.u32 v8, $0x3;
	v13 =	vld [tilespmem:s11+$0xE0];
	v7 =	vor.u32 v57, v0  }
0x33d: {  	v6 =	vshrl.u32 v6, $0x3;
	v8 =	vshll.u32 v8, v61;
	v9 =	vld.idx.msk [tilespmem:v3+s15+$0x0], $0xffff;
	v3 =	vor.u32 v44, v0  }
0x33e: {  	v4 =	vshll.u32 v4, v61;
	v8 =	vbroadcast v8, $0x0;
	v15 =	vld [tilespmem:s11+$0xF0];
	v11 =	vor.u32 v45, v0  }
0x33f: {  	v5 =	vshll.u32 v5, v61;
	v6 =	vshll.u32 v6, v61;
	v4 =	vadd.s32 $0x4, v4;
	v1 =	vld.idx.msk [tilespmem:v1+s15+$0x0], $0xffff  }
0x340: {  	v5 =	vadd.s32 $0x5, v5;
	v4 =	vbroadcast v4, $0x0;
	v2 =	vld.idx.msk [tilespmem:v2+s15+$0x0], $0xffff;
	v0 =	vor.u32 v47, v0  }
0x341: {  	v6 =	vadd.s32 $0x6, v6;
	v5 =	vbroadcast v5, $0x0;
	v7 =	vld.idx.msk [tilespmem:v7+s14+$0x0], $0xffff  }
0x342: {  	v6 =	vbroadcast v6, $0x0;
	v3 =	vld.idx.msk [tilespmem:v3+s14+$0x0], $0xffff  }
0x343: {  	v11 =	vld.idx.msk [tilespmem:v11+s14+$0x0], $0xffff  }
0x344: {  	v8 =	vld.idx.msk [tilespmem:v8+s15+$0x0], $0xffff;
	v1 =	vshll.u32 v1, $0x6  }
0x345: {  	v14 =	vld.idx.msk [tilespmem:v0+s14+$0x0], $0xffff;
	v0 =	vor.u32 v57, v1  }
0x346: {  	v4 =	vld.idx.msk [tilespmem:v4+s15+$0x0], $0xffff;
	v16 =	vor.u32 v44, v1;
	v7 =	vadd.f32 v7, v10  }
0x347: {  	v5 =	vld.idx.msk [tilespmem:v5+s15+$0x0], $0xffff;
	v18 =	vshll.u32 v2, $0x6;
	v17 =	vor.u32 v45, v1;
	v2 =	vadd.f32 v3, v12  }
0x348: {  	v6 =	vld.idx.msk [tilespmem:v6+s15+$0x0], $0xffff;
	v19 =	vor.u32 v47, v1;
	v1 =	vadd.f32 v11, v13;
	[tilespmem:$0x1F2D0] =	vst v7  }
0x349: {  	v43 =	vor.u32 v57, v18;
	[tilespmem:$0x1F2E0] =	vst v2  }
0x34a: {  	v9 =	vshll.u32 v9, $0x6;
	v46 =	vor.u32 v44, v18;
	v0 =	vld.idx.msk [tilespmem:v0+s14+$0x0], $0xffff;
	[tilespmem:$0x1F2F0] =	vst v1  }
0x34b: {  	v49 =	vor.u32 v57, v9;
	v10 =	vld.idx.msk [tilespmem:v16+s14+$0x0], $0xffff  }
0x34c: {  	v4 =	vshll.u32 v4, $0x6;
	v50 =	vor.u32 v45, v9;
	v51 =	vadd.f32 v14, v15;
	v12 =	vld.idx.msk [tilespmem:v17+s14+$0x0], $0xffff  }
0x34d: {  	v5 =	vshll.u32 v5, $0x6;
	v24 =	vor.u32 v45, v4;
	v16 =	vld.idx.msk [tilespmem:v19+s14+$0x0], $0xffff  }
0x34e: {  	v25 =	vor.u32 v57, v5;
	v48 =	vadd.f32 v51, v1;
	v17 =	vmul.f32 v1, v1;
	v1 =	vld.idx.msk [tilespmem:v43+s14+$0x0], $0xffff  }
0x34f: {  	v26 =	vor.u32 v44, v5;
	v21 =	vld.idx.msk [tilespmem:v46+s14+$0x0], $0xffff  }
0x350: {  	v23 =	vld.idx.msk [tilespmem:v49+s14+$0x0], $0xffff  }
0x351: {  	v22 =	vld.idx.msk [tilespmem:v50+s14+$0x0], $0xffff  }
0x352: {  	v24 =	vld.idx.msk [tilespmem:v24+s14+$0x0], $0xffff  }
0x353: {  	v11 =	vor.u32 v45, v18;
	v13 =	vmul.f32 v7, v7;
	v25 =	vld.idx.msk [tilespmem:v25+s14+$0x0], $0xffff  }
0x354: {  	v15 =	vor.u32 v47, v18;
	v14 =	vmul.f32 v2, v2;
	v18 =	vmul.f32 v51, v51;
	v50 =	vld.idx.msk [tilespmem:v26+s14+$0x0], $0xffff  }
0x355: {  	v19 =	vadd.f32 v2, v7;
	v54 =	vld [tilespmem:s11+$0xFFFFFF20]  }
0x356: {  	v13 =	vadd.f32 v14, v13;
	v33 =	vld [tilespmem:s11+$0xFFFFFF30];
	v14 =	vadd.f32 v18, v17  }
0x357: {  	v56 =	vld [tilespmem:s11+$0xFFFFFF40];
	v18 =	vadd.f32 v48, v19  }
0x358: {  	v46 =	vld [tilespmem:s11+$0xFFFFFF50];
	v13 =	vadd.f32 v14, v13  }
0x359: {  	(xrf2) =	vadd.scan.msk.f32 $0xffff, v18;
	v14 =	vld.idx.msk [tilespmem:v15+s14+$0x0], $0xffff;
	v15 =	vor.u32 v57, v4  }
0x35a: {  	v40 =	vld [tilespmem:s11+$0xFFFFFF70];
	(xrf2) =	vadd.scan.msk.f32 $0xffff, v13;
	v13 =	vor.u32 v44, v4;
	v4 =	vor.u32 v47, v4  }
0x35b: {  	v42 =	vld [tilespmem:s11+$0xFFFFFF80]  }
0x35c: {  	v11 =	vld.idx.msk [tilespmem:v11+s14+$0x0], $0xffff;
	v17 =	vor.u32 v44, v9  }
0x35d: {  	v19 =	vld [tilespmem:s11+$0xFFFFFF00];
	v9 =	vor.u32 v47, v9  }
0x35e: {  	v27 =	vld.idx.msk [tilespmem:v15+s14+$0x0], $0xffff  }
0x35f: {  	v15 =	vor.u32 v45, v5;
	v29 =	vld.idx.msk [tilespmem:v4+s14+$0x0], $0xffff;
	v4 =	vshll.u32 v6, $0x6  }
0x360: {  	s8 =	simm.s32 $0xEF;
	v18 =	vld [tilespmem:s11+$0xFFFFFF10];
	v31 =	vor.u32 v57, v4  }
0x361: {  	v28 =	vmov s8;
	v17 =	vld.idx.msk [tilespmem:v17+s14+$0x0], $0xffff  }
0x362: {  	v9 =	vld.idx.msk [tilespmem:v9+s14+$0x0], $0xffff;
	v5 =	vor.u32 v47, v5  }
0x363: {  	s3 =	simm.s32 $0xC080;
	v8 =	vshll.u32 v8, $0x6;
	v13 =	vld.idx.msk [tilespmem:v13+s14+$0x0], $0xffff;
	v26 =	vor.u32 v44, v4;
	v6, _, _ =	vpop (xrf2)  }
0x364: {  	v53 =	vor.u32 v45, v8;
	v37 =	vld.idx.msk [tilespmem:v15+s14+$0x0], $0xffff;
	[tilespmem:s3+$0x60] =	vst v6;
	v6, _, _ =	vpop (xrf2)  }
0x365: {  	[tilespmem:s3+$0x70] =	vst v6;
	v6 =	vor.u32 v45, v4;
	v31 =	vld.idx.msk [tilespmem:v31+s14+$0x0], $0xffff  }
0x366: {  	v52 =	vor.u32 v44, v8;
	v15 =	vld.idx.msk [tilespmem:v28+s24+$0x0], $0xffff  }
0x367: {  	v30 =	vor.u32 $0x17, v28;
	v28 =	vld.idx.msk [tilespmem:v5+s14+$0x0], $0xffff;
	v5 =	vor.u32 v57, v8  }
0x368: {  	v38 =	vld.idx.msk [tilespmem:v26+s14+$0x0], $0xffff  }
0x369: {  	v26 =	vld.idx.msk [tilespmem:v53+s14+$0x0], $0xffff;
	v8 =	vor.u32 v47, v8  }
0x36a: {  	v4 =	vor.u32 v47, v4;
	v39 =	vld.idx.msk [tilespmem:v6+s14+$0x0], $0xffff  }
0x36b: {  	v6 =	vld.idx.msk [tilespmem:v52+s14+$0x0], $0xffff  }
0x36c: {  	v5 =	vld.idx.msk [tilespmem:v5+s14+$0x0], $0xffff  }
0x36d: {  	v30 =	vld.idx.msk [tilespmem:v30+s24+$0x0], $0xffff  }
0x36e: {  	v8 =	vld.idx.msk [tilespmem:v8+s14+$0x0], $0xffff  }
0x36f: {  	v36 =	vld.idx.msk [tilespmem:v4+s14+$0x0], $0xffff  }
0x370: {  	v20 =	vmul.f32 $1.562500000e-02, v15;
	v15 =	vld [tilespmem:s11+$0xFFFFFF60];
	v62 =	vadd.f32 v6, v18  }
0x371: {  	v18 =	vld [tilespmem:s11+$0xFFFFFF90];
	v49 =	vadd.f32 v5, v19  }
0x372: {  	v52 =	vadd.f32 v26, v54;
	v30 =	vmul.f32 $1.562500000e-02, v30;
	v55 =	vmul.f32 v20, v20;
	v19 =	vld [tilespmem:s11+$0xFFFFFFA0];
	[tilespmem:$0x1F6C0] =	vst v62  }
0x373: {  	v32 =	vadd.f32 v10, v46;
	v48 =	vadd.f32 v8, v33;
	[tilespmem:$0x1F6A0] =	vst v49  }
0x374: {  	v5 =	vsub.f32 v30, v55;
	v30 =	vld [tilespmem:s11+$0xFFFFFFB0];
	[tilespmem:$0x1F6D0] =	vst v52  }
0x375: {  	v8 =	vadd.f32 v0, v56;
	v33 =	vadd.f32 v12, v15;
	v15 =	vmul.f32 v32, v32;
	v41 =	vld [tilespmem:s11+$0xFFFFFFC0];
	[tilespmem:$0x1F6E0] =	vst v48  }
0x376: {  	v46 =	vadd.f32 v16, v40;
	v26 =	vmul.f32 v62, v62;
	v6 =	vmul.f32 v49, v49;
	v34 =	vld [tilespmem:s11+$0xFFFFFFD0]  }
0x377: {  	v53 =	vadd.f32 $9.999999960e-13, v5;
	v5 =	vmul.f32 v52, v52;
	v12 =	vmul.f32 v8, v8;
	v10 =	vld [tilespmem:s11+$0xFFFFFFE0]  }
0x378: {  	v54 =	vadd.f32 v26, v6;
	v26 =	vmul.f32 v48, v48;
	v6 =	vadd.f32 v1, v42;
	v16 =	vld [tilespmem:s11+$0xFFFFFFF0]  }
0x379: {  	v40 =	vld [tilespmem:s11+$0x0];
	v4 =	vadd.f32 v11, v19  }
0x37a: {  	v56 =	vmul.f32 v46, v46;
	v12 =	vadd.f32 v15, v12;
	v11 =	vld [tilespmem:s11+$0x10];
	v55 =	vadd.f32 v26, v5;
	[tilespmem:$0x1F300] =	vst v6  }
0x37b: {  	v35 =	vmul.f32 v33, v33;
	v5 =	vadd.f32 v21, v18;
	v3 =	vadd.f32 v14, v30;
	v14 =	vld [tilespmem:s11+$0x20];
	[tilespmem:$0x1F310] =	vst v4  }
0x37c: {  	v15 =	vmul.f32 v6, v6;
	v42 =	vmul.f32 v4, v4;
	v30 =	vld [tilespmem:s11+$0x30];
	v2 =	vadd.f32 v17, v34  }
0x37d: {  	v19 =	vadd.f32 v56, v35;
	v18 =	vmul.f32 v5, v5;
	v43 =	vmul.f32 v3, v3;
	v17 =	vld [tilespmem:s11+$0x40]  }
0x37e: {  	v56 =	vadd.f32 v23, v41;
	v1 =	vadd.f32 v22, v10;
	v10 =	vld [tilespmem:s11+$0x50];
	[tilespmem:$0x1F320] =	vst v2  }
0x37f: {  	v7 =	vadd.f32 v18, v15;
	v21 =	vadd.f32 v43, v42;
	v43 =	vld [tilespmem:s11+$0x60]  }
0x380: {  	v18 =	vadd.f32 v9, v16;
	v40 =	vadd.f32 v27, v40;
	v9 =	vld [tilespmem:s11+$0x70];
	[tilespmem:$0x1F330] =	vst v1  }
0x381: {  	v41 =	vadd.f32 v13, v11;
	v34 =	vmul.f32 v56, v56;
	v35 =	vmul.f32 v2, v2;
	v11 =	vld [tilespmem:s11+$0x80]  }
0x382: {  	v12 =	vadd.f32 v19, v12;
	v16 =	vmul.f32 v1, v1;
	v42 =	vadd.f32 v24, v14;
	v14 =	vld [tilespmem:s11+$0x90];
	[tilespmem:$0x1F4D0] =	vst v40  }
0x383: {  	v13 =	vmul.f32 v18, v18;
	v23 =	vmul.f32 v40, v40;
	v22 =	vadd.f32 v35, v34;
	[tilespmem:$0x1F4E0] =	vst v41  }
0x384: {  	v24 =	vmul.f32 v41, v41;
	v0 =	vadd.f32 v29, v30;
	v30 =	vadd.f32 v25, v17;
	v17 =	vld [tilespmem:s11+$0xA0];
	[tilespmem:$0x1F4F0] =	vst v42  }
0x385: {  	v13 =	vadd.f32 v13, v16;
	v35 =	vadd.f32 v50, v10;
	v10 =	vld [tilespmem:s11+$0xB0]  }
0x386: {  	v25 =	vmul.f32 v42, v42;
	v23 =	vadd.f32 v24, v23;
	v16 =	vmul.f32 v0, v0  }
0x387: {  	(xrf2) =	vadd.scan.msk.f32 $0xffff, v12;
	v12 =	vmul.f32 $5.000000000e-01, v53;
	v29 =	vadd.f32 v37, v43;
	v28 =	vadd.f32 v28, v9  }
0x388: {  	v27 =	vmul.f32 v30, v30;
	v16 =	vadd.f32 v16, v25;
	v31 =	vadd.f32 v31, v11  }
0x389: {  	v38 =	vadd.f32 v38, v14;
	v24 =	vmul.f32 v29, v29;
	v11 =	vmul.f32 v28, v28  }
0x38a: {  	v9 =	vmul.f32 v35, v35;
	v25 =	vadd.f32 v39, v17;
	v15 =	vadd.f32 v36, v10  }
0x38b: {  	v14 =	vmul.f32 v31, v31;
	v10 =	vadd.f32 v11, v24;
	v11 =	vmul.f32 v38, v38  }
0x38c: {  	v21 =	vadd.f32 v21, v7;
	v17 =	vmul.f32 v25, v25;
	v19 =	vmul.f32 v15, v15  }
0x38d: {  	v13 =	vadd.f32 v13, v22;
	v9 =	vadd.f32 v9, v27;
	v24 =	vshra.s32 v53, $0x1  }
0x38e: {  	v11 =	vadd.f32 v11, v14;
	v14 =	vadd.f32 v19, v17;
	v17 =	vsub.s32 $0x5F3759DF, v24  }
0x38f: {  	(xrf2) =	vadd.scan.msk.f32 $0xffff, v21;
	v16 =	vadd.f32 v16, v23;
	v9 =	vadd.f32 v10, v9;
	v10 =	vmul.f32 v17, v12  }
0x390: {  	(xrf2) =	vadd.scan.msk.f32 $0xffff, v13;
	v13 =	vadd.f32 v46, v33;
	v19 =	vadd.f32 v32, v8  }
0x391: {  	(xrf2) =	vadd.scan.msk.f32 $0xffff, v16;
	v16 =	vadd.f32 v3, v4;
	v11 =	vadd.f32 v14, v11;
	v10 =	vmul.f32 v17, v10  }
0x392: {  	(xrf2) =	vadd.scan.msk.f32 $0xffff, v9;
	v14 =	vadd.f32 v55, v54;
	v13 =	vadd.f32 v13, v19  }
0x393: {  	(xrf2) =	vadd.scan.msk.f32 $0xffff, v11;
	v11 =	vadd.f32 v5, v6;
	v10 =	vsub.f32 $1.500000000e+00, v10  }
0x394: {  	v43 =	vadd.f32 v18, v1;
	(xrf2) =	vadd.scan.msk.f32 $0xffff, v14  }
0x395: {  	v19 =	vadd.f32 v2, v56;
	(xrf2) =	vadd.scan.msk.f32 $0xffff, v13;
	v11 =	vadd.f32 v16, v11;
	v10 =	vmul.f32 v17, v10;
	_ =	sdelay $0x1  }
0x396: {  	[tilespmem:$0x1F500] =	vst v0;
	v19 =	vadd.f32 v43, v19;
	v12 =	vmul.f32 v10, v12  }
0x397: {  	[tilespmem:$0x1F5A0] =	vst v28;
	v28 =	vadd.f32 v28, v29;
	v54, _, _ =	vpop (xrf2)  }
0x398: {  	[tilespmem:$0x1F570] =	vst v30;
	v53 =	vadd.f32 v0, v42;
	(xrf2) =	vadd.scan.msk.f32 $0xffff, v11;
	v11, _, _ =	vpop (xrf2);
	v12 =	vmul.f32 v12, v10  }
0x399: {  	v26 =	vmov v25;
	[tilespmem:$0x1F620] =	vst v25;
	v25 =	vadd.f32 v35, v30;
	v23, _, _ =	vpop (xrf2)  }
0x39a: {  	[tilespmem:$0x1F580] =	vst v35;
	v17 =	vadd.f32 v41, v40;
	(xrf2) =	vadd.scan.msk.f32 $0xffff, v19;
	v19, _, _ =	vpop (xrf2);
	v12 =	vsub.f32 $1.500000000e+00, v12  }
0x39b: {  	s11 =	simm.s32 $0x2F;
	[tilespmem:$0x1F590] =	vst v29;
	v25 =	vadd.f32 v28, v25;
	v28, _, _ =	vpop (xrf2)  }
0x39c: {  	s17 =	simm.s32 $0x6F;
	[tilespmem:$0x1F5F0] =	vst v31;
	v14 =	vmov s11;
	v17 =	vadd.f32 v53, v17;
	v53, _, _ =	vpop (xrf2)  }
0x39d: {  	[tilespmem:$0x1F610] =	vst v38;
	v16 =	vmov s17;
	v24 =	vand.u32 $0x1F28, v14;
	v43, _, _ =	vpop (xrf2);
	v10 =	vmul.f32 v12, v10  }
0x39e: {  	[tilespmem:$0x1F630] =	vst v15;
	v24 =	vor.u32 $0x17, v24;
	(xrf2) =	vadd.scan.msk.f32 $0xffff, v17;
	v17 =	vand.u32 $0x1F68, v16;
	v12, _, _ =	vpop (xrf2)  }
0x39f: {  	v50 =	vmovc v3;
	v3 =	vsub.f32 v51, v20;
	[tilespmem:s3+$0xFFFFFFA0] =	vst v12;
	v12 =	vor.u32 $0x17, v17;
	v17 =	vmul.f32 v10, v63  }
0x3a0: {  	[tilespmem:s3+$0xFFFFFFB0] =	vst v54  }
0x3a1: {  	[tilespmem:s3+$0xFFFFFFD0] =	vst v11;
	v0 =	vmul.f32 v17, v3  }
0x3a2: {  	[tilespmem:s3+$0xFFFFFFF0] =	vst v23;
	v11 =	vld.idx.msk [tilespmem:v14+s24+$0x0], $0xffff  }
0x3a3: {  	v34 =	vld.idx.msk [tilespmem:v24+s24+$0x0], $0xffff;
	v24, _, _ =	vpop (xrf2);
	[tilespmem:$0x1F550] =	vst v0  }
0x3a4: {  	[tilespmem:s3+$0xFFFFFFC0] =	vst v24  }
0x3a5: {  	[tilespmem:s3+$0x10] =	vst v19  }
0x3a6: {  	v0 =	vld [tilespmem:$0x1F2D0]  }
0x3a7: {  	s13 =	simm.s32 $0x4F  }
0x3a8: {  	v30 =	vadd.f32 v38, v31;
	v36 =	vadd.f32 v15, v26;
	v13 =	vmov s13  }
0x3a9: {  	v31 =	vand.u32 $0x1F48, v13;
	v19, _, _ =	vpop (xrf2)  }
0x3aa: {  	v30 =	vadd.f32 v36, v30;
	v31 =	vor.u32 $0x17, v31;
	[tilespmem:s3+$0xFFFFFFE0] =	vst v19  }
0x3ab: {  	s11 =	sadd.s32 $0x0, s1;
	(xrf2) =	vadd.scan.msk.f32 $0xffff, v25;
	v2 =	vsub.f32 v0, v20;
	v0 =	vld [tilespmem:$0x1F2E0]  }
0x3ac: {  	v54 =	vadd.f32 v62, v49;
	s8 =	sadd.s32 $0x10F, s11;
	(xrf2) =	vadd.scan.msk.f32 $0xffff, v30;
	v30 =	vadd.f32 v48, v52  }
0x3ad: {  	s18 =	simm.s32 $0x8F;
	v24 =	vmov s8  }
0x3ae: {  	v22 =	vmov s18;
	v3 =	vadd.f32 v30, v54;
	v13 =	vld.idx.msk [tilespmem:v13+s24+$0x0], $0xffff;
	v19 =	vshrl.u32 v24, $0x3  }
0x3af: {  	v17 =	vmul.f32 v10, v59;
	v30 =	vld.idx.msk [tilespmem:v31+s24+$0x0], $0xffff;
	v1, _, _ =	vpop (xrf2);
	v19 =	vshll.u32 v19, v61;
	[tilespmem:s3+$0x30] =	vst v28  }
0x3b0: {  	v11 =	vmul.f32 $1.562500000e-02, v11;
	v24 =	vsub.f32 v0, v20;
	v0 =	vld [tilespmem:$0x1F2F0];
	[tilespmem:s3+$0x0] =	vst v1;
	v1 =	vadd.s32 $0x7, v19  }
0x3b1: {  	v35 =	vand.u32 $0x1F88, v22;
	v16 =	vld.idx.msk [tilespmem:v16+s24+$0x0], $0xffff;
	v40 =	vbroadcast v1, $0x0;
	v1 =	vmul.f32 v17, v2  }
0x3b2: {  	v14 =	vor.u32 $0x17, v35;
	v12 =	vld.idx.msk [tilespmem:v12+s24+$0x0], $0xffff;
	[tilespmem:s3+$0x50] =	vst v53  }
0x3b3: {  	v35 =	vmul.f32 v10, v58;
	v19 =	vld.idx.msk [tilespmem:v22+s24+$0x0], $0xffff;
	[tilespmem:$0x1F560] =	vst v1;
	v1 =	vsub.f32 v8, v11;
	_ =	sdelay $0x1  }
0x3b4: {  	s19 =	simm.s32 $0xAF;
	v37, _, _ =	vpop (xrf2);
	[tilespmem:$0x1F380] =	vst v1;
	v1 =	vmul.f32 v35, v24  }
0x3b5: {  	v27 =	vmov s19;
	[tilespmem:s3+$0x20] =	vst v37  }
0x3b6: {  	v42 =	vand.u32 $0x1FA8, v27;
	v2 =	vld.idx.msk [tilespmem:v14+s24+$0x0], $0xffff;
	[tilespmem:$0x1F5D0] =	vst v1;
	v1 =	vsub.f32 v32, v11  }
0x3b7: {  	v39 =	vor.u32 $0x17, v42;
	v10 =	vmul.f32 v10, v60;
	v4 =	vmul.f32 $1.562500000e-02, v34;
	(xrf2) =	vadd.scan.msk.f32 $0xffff, v3  }
0x3b8: {  	v3 =	vmul.f32 v11, v11;
	v0 =	vsub.f32 v0, v20;
	[tilespmem:$0x1F3A0] =	vst v1;
	v1 =	vsub.f32 v33, v11  }
0x3b9: {  	s21 =	simm.s32 $0xCF  }
0x3ba: {  	v29 =	vmov s21;
	v7, _, _ =	vpop (xrf2);
	v3 =	vsub.f32 v4, v3;
	v0 =	vmul.f32 v10, v0;
	v4 =	vld.idx.msk [tilespmem:v27+s24+$0x0], $0xffff;
	[tilespmem:$0x1F3B0] =	vst v1  }
0x3bb: {  	[tilespmem:s3+$0x40] =	vst v7  }
0x3bc: {  	v14 =	vld.idx.msk [tilespmem:v39+s24+$0x0], $0xffff;
	[tilespmem:$0x1F5E0] =	vst v0;
	v0 =	vsub.f32 v46, v11;
	_ =	sdelay $0x1  }
0x3bd: {  	v25 =	vand.u32 $0x1FC8, v29;
	[tilespmem:$0x1F3C0] =	vst v0  }
0x3be: {  	s10 =	simm.s32 $0xF;
	v55 =	vmov v5;
	v25 =	vor.u32 $0x17, v25;
	v15 =	vmul.f32 $1.562500000e-02, v13;
	v5 =	vld.idx.msk [tilespmem:v29+s24+$0x0], $0xffff  }
0x3bf: {  	v9 =	vmov s10;
	v6 =	vmul.f32 $1.562500000e-02, v30  }
0x3c0: {  	v62 =	vor.u32 $0x17, v9;
	v13 =	vmul.f32 $1.562500000e-02, v16;
	v8 =	vmul.f32 v15, v15  }
0x3c1: {  	v53 =	vmul.f32 $1.562500000e-02, v19;
	v2 =	vmul.f32 $1.562500000e-02, v2;
	v0 =	vadd.f32 $9.999999960e-13, v3  }
0x3c2: {  	v6 =	vsub.f32 v6, v8;
	v7 =	vmul.f32 $1.562500000e-02, v12;
	v12 =	vmul.f32 v13, v13;
	v11 =	vld.idx.msk [tilespmem:v40+s15+$0x0], $0xffff  }
0x3c3: {  	v54 =	vmul.f32 $1.562500000e-02, v4;
	v8 =	vld.idx.msk [tilespmem:v25+s24+$0x0], $0xffff;
	v10 =	vshra.s32 v0, $0x1;
	v3 =	vmul.f32 $1.562500000e-02, v5  }
0x3c4: {  	v4 =	vmul.f32 v53, v53;
	[tilespmem:s3+$0xFFFFFF90] =	vst v43;
	v35 =	vmul.f32 $5.000000000e-01, v0;
	v0 =	vsub.s32 $0x5F3759DF, v10  }
0x3c5: {  	s19 =	sadd.s32 $0x10D, s11;
	v10 =	vsub.f32 v7, v12;
	v7 =	vmul.f32 $1.562500000e-02, v14;
	v12 =	vmul.f32 v54, v54;
	v14, _, _ =	vpop (xrf2);
	[tilespmem:$0x1F600] =	vst v3  }
0x3c6: {  	v41 =	vmov s19;
	[tilespmem:s3+$0xFFFFFF80] =	vst v14  }
0x3c7: {  	s10 =	sadd.s32 $0x109, s11;
	v1 =	vsub.f32 v2, v4;
	v4 =	vsub.f32 v7, v12;
	v5 =	vshll.u32 v11, $0x6;
	v7 =	vld.idx.msk [tilespmem:v9+s24+$0x0], $0xffff  }
0x3c8: {  	s18 =	sadd.s32 $0x10C, s11;
	v2 =	vmul.f32 $1.562500000e-02, v8;
	v8 =	vmov s10;
	v11 =	vor.u32 v57, v5;
	s3 =	simm.s32 $0x12300;
	v12 =	vld.idx.msk [tilespmem:v62+s24+$0x0], $0xffff  }
0x3c9: {  	v17 =	vmov s18;
	v19 =	vor.u32 v44, v5;
	v8 =	vshrl.u32 v8, $0x3;
	v42 =	vld [tilespmem:s3+$0xC0]  }
0x3ca: {  	v17 =	vshrl.u32 v17, $0x3;
	v24 =	vor.u32 v45, v5;
	v8 =	vshll.u32 v8, v61;
	v27 =	vld [tilespmem:s3+$0xD0]  }
0x3cb: {  	v17 =	vshll.u32 v17, v61;
	v5 =	vor.u32 v47, v5;
	v8 =	vadd.s32 $0x1, v8;
	v28 =	vld [tilespmem:s3+$0xE0]  }
0x3cc: {  	s13 =	sadd.s32 $0x10A, s11;
	s21 =	sadd.s32 $0x10E, s11;
	v22 =	vshrl.u32 v41, $0x3;
	v17 =	vadd.s32 $0x4, v17;
	v8 =	vbroadcast v8, $0x0;
	v30 =	vld [tilespmem:s3+$0xF0]  }
0x3cd: {  	s8 =	sadd.s32 $0x108, s11;
	v17 =	vbroadcast v17, $0x0;
	v25 =	vmov s21;
	v9 =	vmov s13;
	v11 =	vld.idx.msk [tilespmem:v11+s14+$0x0], $0xffff  }
0x3ce: {  	s17 =	sadd.s32 $0x10B, s11;
	v29 =	vmov s8;
	v25 =	vshrl.u32 v25, $0x3;
	v9 =	vshrl.u32 v9, $0x3;
	v19 =	vld.idx.msk [tilespmem:v19+s14+$0x0], $0xffff  }
0x3cf: {  	v14 =	vmov s17;
	v9 =	vshll.u32 v9, v61;
	v24 =	vld.idx.msk [tilespmem:v24+s14+$0x0], $0xffff;
	v7 =	vmul.f32 $1.562500000e-02, v7  }
0x3d0: {  	v29 =	vshrl.u32 v29, $0x3;
	v14 =	vshrl.u32 v14, $0x3;
	v5 =	vld.idx.msk [tilespmem:v5+s14+$0x0], $0xffff;
	v9 =	vadd.s32 $0x2, v9  }
0x3d1: {  	v25 =	vshll.u32 v25, v61;
	v14 =	vshll.u32 v14, v61;
	v9 =	vbroadcast v9, $0x0;
	[tilespmem:$0x1F6B0] =	vst v7  }
0x3d2: {  	v14 =	vadd.s32 $0x3, v14;
	v46 =	vmul.f32 v7, v7;
	v7 =	vadd.f32 v11, v42;
	v8 =	vld.idx.msk [tilespmem:v8+s15+$0x0], $0xffff  }
0x3d3: {  	v14 =	vbroadcast v14, $0x0;
	v43 =	vmul.f32 $1.562500000e-02, v12;
	v12 =	vadd.f32 v19, v27  }
0x3d4: {  	v25 =	vadd.s32 $0x6, v25;
	v31 =	vmul.f32 v3, v3;
	v3 =	vadd.f32 v24, v28;
	[tilespmem:$0x1F640] =	vst v7  }
0x3d5: {  	v29 =	vshll.u32 v29, v61;
	v34 =	vadd.f32 v5, v30;
	v5 =	vbroadcast v25, $0x0;
	[tilespmem:$0x1F650] =	vst v12  }
0x3d6: {  	v22 =	vshll.u32 v22, v61;
	v11 =	vbroadcast v29, $0x0;
	v24 =	vsub.f32 v2, v31;
	[tilespmem:$0x1F690] =	vst v3  }
0x3d7: {  	v27 =	vmul.f32 v7, v7;
	v28 =	vmul.f32 v12, v12;
	v2 =	vld.idx.msk [tilespmem:v9+s15+$0x0], $0xffff;
	v9 =	vshll.u32 v8, $0x6  }
0x3d8: {  	v29 =	vmul.f32 v3, v3;
	v30 =	vmul.f32 v34, v34;
	v25 =	vor.u32 v57, v9  }
0x3d9: {  	v19 =	vadd.f32 v34, v3;
	v14 =	vld.idx.msk [tilespmem:v14+s15+$0x0], $0xffff;
	v27 =	vadd.f32 v28, v27;
	v48 =	vor.u32 v47, v9  }
0x3da: {  	v31 =	vld.idx.msk [tilespmem:v17+s15+$0x0], $0xffff;
	v17 =	vadd.f32 v30, v29;
	v8 =	vadd.f32 v12, v7;
	v28 =	vor.u32 v44, v9  }
0x3db: {  	v22 =	vadd.s32 $0x5, v22;
	v33 =	vld.idx.msk [tilespmem:v5+s15+$0x0], $0xffff  }
0x3dc: {  	v22 =	vbroadcast v22, $0x0;
	v5 =	vadd.f32 v17, v27;
	v27 =	vld.idx.msk [tilespmem:v11+s15+$0x0], $0xffff;
	v19 =	vadd.f32 v19, v8  }
0x3dd: {  	v29 =	vor.u32 v45, v9;
	v2 =	vshll.u32 v2, $0x6;
	v40 =	vld.idx.msk [tilespmem:v25+s14+$0x0], $0xffff  }
0x3de: {  	v11 =	vor.u32 v57, v2;
	(xrf2) =	vadd.scan.msk.f32 $0xffff, v19;
	v19 =	vmul.f32 v0, v35;
	v3 =	vld.idx.msk [tilespmem:v48+s14+$0x0], $0xffff  }
0x3df: {  	v25 =	vor.u32 v44, v2;
	v41 =	vld.idx.msk [tilespmem:v28+s14+$0x0], $0xffff;
	v28 =	vor.u32 v45, v2;
	v2 =	vor.u32 v47, v2  }
0x3e0: {  	(xrf2) =	vadd.scan.msk.f32 $0xffff, v5;
	v5 =	vmul.f32 v0, v19  }
0x3e1: {  	v6 =	vadd.f32 $9.999999960e-13, v6  }
0x3e2: {  	v22 =	vld.idx.msk [tilespmem:v22+s15+$0x0], $0xffff;
	v5 =	vsub.f32 $1.500000000e+00, v5  }
0x3e3: {  	v16 =	vshra.s32 v6, $0x1;
	v26 =	vmul.f32 $5.000000000e-01, v6;
	v10 =	vadd.f32 $9.999999960e-13, v10;
	v42 =	vld.idx.msk [tilespmem:v29+s14+$0x0], $0xffff;
	[tilespmem:$0x1F340] =	vst v3  }
0x3e4: {  	v30 =	vsub.s32 $0x5F3759DF, v16;
	v14 =	vshll.u32 v14, $0x6;
	v12 =	vmul.f32 v0, v5;
	v0 =	vld.idx.msk [tilespmem:v2+s14+$0x0], $0xffff  }
0x3e5: {  	v52 =	vor.u32 v44, v14;
	v29 =	vmul.f32 v30, v26  }
0x3e6: {  	v17 =	vmul.f32 $5.000000000e-01, v10;
	v9 =	vshra.s32 v10, $0x1  }
0x3e7: {  	v23 =	vsub.f32 v43, v46;
	v37 =	vsub.s32 $0x5F3759DF, v9;
	v29 =	vmul.f32 v30, v29;
	v43 =	vld.idx.msk [tilespmem:v11+s14+$0x0], $0xffff  }
0x3e8: {  	v49 =	vmul.f32 v37, v17;
	v46 =	vld.idx.msk [tilespmem:v25+s14+$0x0], $0xffff  }
0x3e9: {  	v31 =	vshll.u32 v31, $0x6;
	v25 =	vsub.f32 $1.500000000e+00, v29;
	v29 =	vld.idx.msk [tilespmem:v28+s14+$0x0], $0xffff;
	[tilespmem:$0x1F350] =	vst v0  }
0x3ea: {  	v51 =	vor.u32 v57, v14;
	v38 =	vmul.f32 v37, v49;
	v49 =	vor.u32 v47, v14;
	v0 =	vld.idx.msk [tilespmem:v52+s14+$0x0], $0xffff  }
0x3eb: {  	v48 =	vor.u32 v45, v14;
	v14 =	vmul.f32 v30, v25;
	v25 =	vor.u32 v44, v31;
	_ =	sdelay $0x3  }
0x3ec: {  	v30 =	vld.idx.msk [tilespmem:v51+s14+$0x0], $0xffff;
	[tilespmem:$0x1F360] =	vst v0  }
0x3ed: {  	v5 =	vadd.f32 $9.999999960e-13, v1;
	v28 =	vor.u32 v57, v31;
	v1 =	vld.idx.msk [tilespmem:v25+s14+$0x0], $0xffff;
	_ =	sdelay $0x2  }
0x3ee: {  	v39 =	vor.u32 v45, v31;
	v52 =	vor.u32 v47, v31;
	v31 =	vld.idx.msk [tilespmem:v48+s14+$0x0], $0xffff  }
0x3ef: {  	v48 =	vld.idx.msk [tilespmem:v49+s14+$0x0], $0xffff  }
0x3f0: {  	s13 =	simm.s32 $0xC180;
	v21 =	vld.idx.msk [tilespmem:v28+s14+$0x0], $0xffff;
	v25, _, _ =	vpop (xrf2);
	[tilespmem:$0x1F370] =	vst v1  }
0x3f1: {  	v4 =	vadd.f32 $9.999999960e-13, v4;
	v2 =	vadd.f32 $9.999999960e-13, v24;
	v24, _, _ =	vpop (xrf2);
	[tilespmem:s13+$0x60] =	vst v25  }
0x3f2: {  	[tilespmem:s13+$0x70] =	vst v24  }
0x3f3: {  	v62 =	vmul.f32 $5.000000000e-01, v4;
	v10 =	vld [tilespmem:$0x1F300]  }
0x3f4: {  	v6 =	vshll.u32 v22, $0x6;
	v19 =	vmul.f32 $5.000000000e-01, v5;
	v51 =	vshra.s32 v5, $0x1  }
0x3f5: {  	s11 =	simm.s32 $0x1EF;
	v7 =	vsub.s32 $0x5F3759DF, v51;
	v51 =	vor.u32 v57, v6;
	v0 =	vadd.f32 $9.999999960e-13, v23  }
0x3f6: {  	v22 =	vmul.f32 $5.000000000e-01, v2;
	v49 =	vshra.s32 v4, $0x1;
	v28 =	vmov s11  }
0x3f7: {  	v4 =	vshll.u32 v27, $0x6;
	v27 =	vshra.s32 v0, $0x1;
	v1 =	vmul.f32 v7, v19;
	v25 =	vld.idx.msk [tilespmem:v39+s14+$0x0], $0xffff  }
0x3f8: {  	v24 =	vmul.f32 $5.000000000e-01, v0;
	v0 =	vsub.s32 $0x5F3759DF, v27;
	v27 =	vld.idx.msk [tilespmem:v52+s14+$0x0], $0xffff;
	v10 =	vsub.f32 v10, v15  }
0x3f9: {  	v9 =	vor.u32 $0x17, v28;
	v61 =	vmul.f32 v7, v1;
	v1 =	vshra.s32 v2, $0x1;
	v2 =	vld [tilespmem:$0x1F310]  }
0x3fa: {  	v8 =	vor.u32 v57, v4;
	v23 =	vld.idx.msk [tilespmem:v51+s14+$0x0], $0xffff;
	[tilespmem:$0x1F3D0] =	vst v10;
	v10 =	vsub.f32 v55, v15  }
0x3fb: {  	v52 =	vor.u32 v44, v4  }
0x3fc: {  	v5 =	vor.u32 v45, v4;
	[tilespmem:$0x1F3E0] =	vst v10  }
0x3fd: {  	v28 =	vld.idx.msk [tilespmem:v28+s24+$0x0], $0xffff  }
0x3fe: {  	v2 =	vsub.f32 v2, v15;
	v55 =	vmul.f32 v0, v24;
	v10 =	vld.idx.msk [tilespmem:v9+s24+$0x0], $0xffff  }
0x3ff: {  	v9 =	vld.idx.msk [tilespmem:v8+s14+$0x0], $0xffff  }
0x400: {  	v20 =	vmul.f32 v0, v55;
	v8 =	vld.idx.msk [tilespmem:v52+s14+$0x0], $0xffff;
	[tilespmem:$0x1F3F0] =	vst v2  }
0x401: {  	v1 =	vsub.s32 $0x5F3759DF, v1;
	v11 =	vld.idx.msk [tilespmem:v5+s14+$0x0], $0xffff;
	v5 =	vsub.f32 v50, v15  }
0x402: {  	v2 =	vmul.f32 v1, v22;
	v20 =	vsub.f32 $1.500000000e+00, v20  }
0x403: {  	[tilespmem:$0x1F420] =	vst v5  }
0x404: {  	v20 =	vmul.f32 v0, v20;
	v0 =	vmul.f32 v1, v2;
	v2 =	vsub.f32 v56, v13;
	v15 =	vld [tilespmem:s3+$0xFFFFFF00]  }
0x405: {  	v36 =	vld [tilespmem:s3+$0xFFFFFF10]  }
0x406: {  	[tilespmem:$0x1F490] =	vst v2;
	v2 =	vld [tilespmem:$0x1F320];
	_ =	sdelay $0x4  }
0x407: {  	v38 =	vsub.f32 $1.500000000e+00, v38;
	v2 =	vsub.f32 v2, v13;
	_ =	sdelay $0x1  }
0x408: {  	v16 =	vmul.f32 v37, v38;
	v37 =	vsub.s32 $0x5F3759DF, v49;
	[tilespmem:$0x1F4A0] =	vst v2;
	v2 =	vld [tilespmem:$0x1F330]  }
0x409: {  	v3 =	vmul.f32 v37, v62  }
0x40a: {  	v4 =	vor.u32 v47, v4  }
0x40b: {  	v3 =	vmul.f32 v37, v3  }
0x40c: {  	v32 =	vsub.f32 $1.500000000e+00, v61  }
0x40d: {  	v3 =	vsub.f32 $1.500000000e+00, v3;
	v2 =	vsub.f32 v2, v13  }
0x40e: {  	v35 =	vmul.f32 v12, v35;
	v50 =	vmul.f32 v7, v32  }
0x40f: {  	v7 =	vmul.f32 v37, v3;
	v37 =	vld.idx.msk [tilespmem:v4+s14+$0x0], $0xffff;
	[tilespmem:$0x1F4B0] =	vst v2;
	v2 =	vsub.f32 v18, v13  }
0x410: {  	v38 =	vor.u32 v45, v6;
	v49 =	vmul.f32 $1.562500000e-02, v28  }
0x411: {  	v5 =	vor.u32 v44, v6;
	v13 =	vmul.f32 v35, v12;
	v28 =	vld [tilespmem:s3+$0xFFFFFF20];
	[tilespmem:$0x1F4C0] =	vst v2;
	v2 =	vsub.f32 $1.500000000e+00, v0  }
0x412: {  	v10 =	vmul.f32 $1.562500000e-02, v10;
	v4 =	vadd.f32 v8, v36;
	v0 =	vmul.f32 v49, v49  }
0x413: {  	v39 =	vld [tilespmem:s3+$0xFFFFFF30];
	v18 =	vmul.f32 v1, v2;
	v1 =	vadd.f32 v9, v15;
	v2 =	vsub.f32 $1.500000000e+00, v13  }
0x414: {  	v6 =	vor.u32 v47, v6;
	v3 =	vld [tilespmem:s3+$0xFFFFFF40];
	[tilespmem:$0x1F5B0] =	vst v4;
	v15 =	vmul.f32 v4, v4  }
0x415: {  	v0 =	vsub.f32 v10, v0;
	[tilespmem:$0x1F5C0] =	vst v1;
	v10 =	vmul.f32 v1, v1;
	v13 =	vmul.f32 v2, v12;
	v2 =	vld [tilespmem:$0x1F340]  }
0x416: {  	v32 =	vshll.u32 v33, $0x6;
	v5 =	vld.idx.msk [tilespmem:v5+s14+$0x0], $0xffff  }
0x417: {  	v9 =	vor.u32 v57, v32;
	v8 =	vld [tilespmem:s3+$0xFFFFFF50];
	v1 =	vadd.f32 v15, v10  }
0x418: {  	v33 =	vld.idx.msk [tilespmem:v38+s14+$0x0], $0xffff  }
0x419: {  	v56 =	vadd.f32 v11, v28;
	v11 =	vmul.f32 v14, v26;
	v26 =	vld [tilespmem:s3+$0xFFFFFF60];
	[tilespmem:$0x1F390] =	vst v1  }
0x41a: {  	v28 =	vadd.f32 v40, v3;
	v3 =	vld.idx.msk [tilespmem:v6+s14+$0x0], $0xffff  }
0x41b: {  	v4 =	vadd.f32 v37, v39;
	v10 =	vmul.f32 v11, v14;
	v11 =	vld [tilespmem:s3+$0xFFFFFF70]  }
0x41c: {  	v52 =	vor.u32 v45, v32;
	v0 =	vadd.f32 $9.999999960e-13, v0;
	v12 =	vmul.f32 v56, v56;
	v35 =	vld.idx.msk [tilespmem:v9+s14+$0x0], $0xffff  }
0x41d: {  	v6 =	vmul.f32 v16, v17;
	v17 =	vmul.f32 v4, v4;
	v38 =	vadd.f32 v41, v8;
	v8 =	vld [tilespmem:s3+$0xFFFFFF80]  }
0x41e: {  	v40 =	vor.u32 v44, v32;
	v1 =	vmul.f32 $5.000000000e-01, v0;
	v9 =	vshra.s32 v0, $0x1;
	v51 =	vld [tilespmem:s3+$0xFFFFFFA0]  }
0x41f: {  	v26 =	vadd.f32 v42, v26;
	v41 =	vsub.s32 $0x5F3759DF, v9;
	v9 =	vld [tilespmem:s3+$0xFFFFFF90];
	v61 =	vadd.f32 v17, v12  }
0x420: {  	v42 =	vmul.f32 v6, v16;
	v6 =	vsub.f32 $1.500000000e+00, v10;
	v10 =	vmul.f32 v41, v1;
	v12 =	vld [tilespmem:s3+$0xFFFFFFB0];
	[tilespmem:$0x1F710] =	vst v38  }
0x421: {  	v55 =	vmul.f32 v28, v28;
	v0 =	vmul.f32 v38, v38;
	v45 =	vld [tilespmem:s3+$0xFFFFFFD0];
	v39 =	vadd.f32 v2, v11  }
0x422: {  	v36 =	vmul.f32 v41, v10;
	v11 =	vld [tilespmem:s3+$0xFFFFFFC0];
	v17 =	vadd.f32 v43, v8;
	v8 =	vsub.f32 $1.500000000e+00, v42  }
0x423: {  	v2 =	vld [tilespmem:$0x1F350];
	v43 =	vadd.f32 v0, v55  }
0x424: {  	v0 =	vld.idx.msk [tilespmem:v40+s14+$0x0], $0xffff;
	v10 =	vadd.f32 v46, v9;
	[tilespmem:$0x1F720] =	vst v39;
	v9 =	vmul.f32 v8, v16;
	v8 =	vsub.f32 $1.500000000e+00, v36  }
0x425: {  	v40 =	vld [tilespmem:s3+$0xFFFFFFE0]  }
0x426: {  	v41 =	vmul.f32 v41, v8;
	v8 =	vld [tilespmem:$0x1F360]  }
0x427: {  	v19 =	vmul.f32 v50, v19;
	v16 =	vadd.f32 v29, v51;
	v51 =	vld.idx.msk [tilespmem:v52+s14+$0x0], $0xffff;
	[tilespmem:$0x1F730] =	vst v17  }
0x428: {  	v29 =	vmul.f32 v17, v17;
	v46 =	vmul.f32 v10, v10;
	[tilespmem:$0x1F750] =	vst v10  }
0x429: {  	v19 =	vmul.f32 v19, v50;
	v15 =	vadd.f32 v2, v12;
	v12 =	vadd.f32 v30, v11;
	v11 =	vld [tilespmem:s3+$0xFFFFFFF0]  }
0x42a: {  	v57 =	vmul.f32 v7, v62;
	v37 =	vmul.f32 v26, v26;
	v36 =	vadd.f32 v46, v29;
	v46 =	vld [tilespmem:s3+$0x0]  }
0x42b: {  	v44 =	vmul.f32 v39, v39;
	v42 =	vmov v10;
	v10 =	vadd.f32 v8, v45;
	v45 =	vld [tilespmem:s3+$0x10];
	[tilespmem:$0x1F760] =	vst v15  }
0x42c: {  	v8 =	vadd.f32 v31, v40;
	v31 =	vor.u32 v47, v32;
	v40 =	vmul.f32 v57, v7;
	v32 =	vld [tilespmem:s3+$0x20]  }
0x42d: {  	v37 =	vadd.f32 v44, v37;
	v30 =	vmul.f32 v16, v16;
	v62 =	vmul.f32 v15, v15;
	v44 =	vld [tilespmem:s3+$0x30]  }
0x42e: {  	v1 =	vmul.f32 v41, v1;
	v2 =	vadd.f32 v48, v11;
	v55 =	vld [tilespmem:s3+$0x50];
	v11 =	vsub.f32 $1.500000000e+00, v40  }
0x42f: {  	v52 =	vmul.f32 v12, v12;
	v30 =	vadd.f32 v62, v30;
	v62 =	vld [tilespmem:s3+$0x40];
	v57 =	vmul.f32 v10, v10  }
0x430: {  	v19 =	vsub.f32 $1.500000000e+00, v19;
	v1 =	vmul.f32 v1, v41;
	v7 =	vmul.f32 v11, v7;
	v11 =	vld [tilespmem:$0x1F370]  }
0x431: {  	v47 =	vadd.f32 v21, v46;
	v46 =	vadd.f32 v57, v52;
	v57 =	vld [tilespmem:s3+$0x60]  }
0x432: {  	v19 =	vmul.f32 v19, v50;
	v1 =	vsub.f32 $1.500000000e+00, v1;
	v29 =	vadd.f32 v25, v32;
	v32 =	vld [tilespmem:s3+$0x70]  }
0x433: {  	v6 =	vmul.f32 v6, v14;
	v52 =	vadd.f32 v5, v55;
	v5 =	vmul.f32 v18, v22;
	v22 =	vld [tilespmem:s3+$0xA0]  }
0x434: {  	v40 =	vld [tilespmem:s3+$0xB0];
	v21 =	vmul.f32 v1, v41;
	v25 =	vmul.f32 v8, v8  }
0x435: {  	v41 =	vadd.f32 v27, v44;
	v50 =	vadd.f32 v11, v45;
	v11 =	vld.idx.msk [tilespmem:v31+s14+$0x0], $0xffff;
	v31 =	vmul.f32 v2, v2  }
0x436: {  	v1 =	vld [tilespmem:s3+$0x80];
	v55 =	vmul.f32 v52, v52;
	v45 =	vadd.f32 v23, v62;
	v48 =	vadd.f32 v33, v57  }
0x437: {  	v44 =	vadd.f32 v31, v25;
	v25 =	vmul.f32 v47, v47;
	v27 =	vmul.f32 v50, v50;
	v31 =	vld [tilespmem:s3+$0x90]  }
0x438: {  	v23 =	vadd.f32 v3, v32;
	v3 =	vmul.f32 v45, v45;
	v14 =	vadd.f32 v51, v22  }
0x439: {  	v57 =	vmul.f32 v41, v41;
	v25 =	vadd.f32 v27, v25;
	v27 =	vmul.f32 v29, v29  }
0x43a: {  	v3 =	vadd.f32 v55, v3;
	v55 =	vmul.f32 v14, v14;
	v51 =	vadd.f32 v11, v40  }
0x43b: {  	v27 =	vadd.f32 v57, v27;
	v57 =	vadd.f32 v35, v1;
	v1 =	vmul.f32 v20, v24  }
0x43c: {  	v35 =	vadd.f32 v0, v31;
	v0 =	vmul.f32 v5, v18;
	v5 =	vmul.f32 v21, v63  }
0x43d: {  	v32 =	vsub.f32 v34, v49;
	v40 =	vmul.f32 v51, v51;
	v1 =	vmul.f32 v1, v20  }
0x43e: {  	v24 =	vmul.f32 v57, v57;
	v0 =	vsub.f32 $1.500000000e+00, v0;
	v31 =	vmul.f32 v35, v35  }
0x43f: {  	v32 =	vmul.f32 v5, v32;
	v5 =	vadd.f32 v40, v55  }
0x440: {  	v62 =	vmovc v4;
	v4 =	vmul.f32 v0, v18;
	v0 =	vsub.f32 $1.500000000e+00, v1;
	v1 =	vadd.f32 v31, v24;
	_ =	sdelay $0x1  }
0x441: {  	v18 =	vadd.f32 v30, v36;
	v30 =	vadd.f32 v5, v1;
	v5 =	vld [tilespmem:$0x1F390];
	_ =	sdelay $0x3  }
0x442: {  	v22 =	vmul.f32 v23, v23;
	v11 =	vmul.f32 v48, v48  }
0x443: {  	v31 =	vadd.f32 v61, v5;
	v5 =	vld [tilespmem:$0x1F3A0]  }
0x444: {  	v11 =	vadd.f32 v22, v11;
	_ =	sdelay $0x1  }
0x445: {  	v25 =	vadd.f32 v27, v25;
	v27 =	vadd.f32 v11, v3;
	v3 =	vmul.f32 v13, v58;
	_ =	sdelay $0x1  }
0x446: {  	v61 =	vmul.f32 v3, v5;
	v3 =	vld [tilespmem:$0x1F3B0];
	_ =	sdelay $0x2  }
0x447: {  	v11 =	vmul.f32 v13, v60;
	_ =	sdelay $0x1  }
0x448: {  	v1 =	vld [tilespmem:$0x1F380];
	v3 =	vmul.f32 v11, v3;
	_ =	sdelay $0x1  }
0x449: {  	[tilespmem:$0x1F6F0] =	vst v3;
	v3 =	vld [tilespmem:$0x1F3C0]  }
0x44a: {  	v24 =	vadd.f32 v37, v43;
	v43 =	vmul.f32 v13, v59;
	_ =	sdelay $0x1  }
0x44b: {  	v55 =	vmul.f32 v43, v1;
	v1 =	vmul.f32 v13, v63;
	_ =	sdelay $0x1  }
0x44c: {  	v1 =	vmul.f32 v1, v3;
	_ =	sdelay $0x1  }
0x44d: {  	v5 =	vadd.f32 v39, v26;
	[tilespmem:$0x1F700] =	vst v1;
	v1 =	vadd.f32 v38, v28;
	_ =	sdelay $0x1  }
0x44e: {  	v33 =	vadd.f32 v5, v1;
	v5 =	vld [tilespmem:$0x1F3D0];
	_ =	sdelay $0x1  }
0x44f: {  	v22 =	vadd.f32 v44, v46  }
0x450: {  	v44 =	vmul.f32 v6, v59;
	v13 =	vadd.f32 v15, v16;
	v11 =	vadd.f32 v42, v17;
	_ =	sdelay $0x1  }
0x451: {  	v3 =	vadd.f32 v13, v11;
	v13 =	vmul.f32 v44, v5;
	v5 =	vld [tilespmem:$0x1F3E0];
	_ =	sdelay $0x2  }
0x452: {  	v1 =	vmul.f32 v6, v58;
	_ =	sdelay $0x1  }
0x453: {  	v5 =	vmul.f32 v1, v5;
	v1 =	vld [tilespmem:$0x1F3F0];
	_ =	sdelay $0x2  }
0x454: {  	v46 =	vmul.f32 v6, v60;
	_ =	sdelay $0x1  }
0x455: {  	v11 =	vmul.f32 v6, v63;
	v6 =	vmul.f32 v46, v1;
	v1 =	vld [tilespmem:$0x1F420];
	_ =	sdelay $0x4  }
0x456: {  	[tilespmem:$0x1F440] =	vst v2;
	v1 =	vmul.f32 v11, v1;
	v11 =	vadd.f32 v2, v8;
	v2 =	vld [tilespmem:$0x1F490];
	_ =	sdelay $0x2  }
0x457: {  	v44 =	vmul.f32 v9, v59;
	_ =	sdelay $0x1  }
0x458: {  	v38 =	vmul.f32 v44, v2;
	v2 =	vld [tilespmem:$0x1F4A0];
	_ =	sdelay $0x2  }
0x459: {  	v0 =	vmul.f32 v0, v20;
	v20 =	vadd.f32 v10, v12;
	v46 =	vmul.f32 v9, v58  }
0x45a: {  	[tilespmem:$0x1F460] =	vst v50;
	v34 =	vadd.f32 v50, v47  }
0x45b: {  	[tilespmem:$0x1F480] =	vst v41;
	v50 =	vadd.f32 v41, v29;
	v41 =	vadd.f32 v11, v20;
	v11 =	vmul.f32 v46, v2;
	v2 =	vld [tilespmem:$0x1F4B0];
	_ =	sdelay $0x2  }
0x45c: {  	[tilespmem:$0x1F450] =	vst v47;
	v47 =	vmul.f32 v9, v60;
	_ =	sdelay $0x1  }
0x45d: {  	v20 =	vmul.f32 v47, v2;
	v2 =	vld [tilespmem:$0x1F4C0];
	_ =	sdelay $0x2  }
0x45e: {  	v9 =	vmul.f32 v9, v63;
	_ =	sdelay $0x1  }
0x45f: {  	v9 =	vmul.f32 v9, v2;
	v2 =	vld [tilespmem:$0x1F4D0];
	_ =	sdelay $0x4  }
0x460: {  	v36 =	vsub.f32 v2, v53;
	v2 =	vld [tilespmem:$0x1F4E0];
	_ =	sdelay $0x4  }
0x461: {  	v37 =	vsub.f32 v2, v53;
	v2 =	vld [tilespmem:$0x1F4F0];
	_ =	sdelay $0x4  }
0x462: {  	v39 =	vsub.f32 v2, v53;
	v2 =	vld [tilespmem:$0x1F500];
	_ =	sdelay $0x3  }
0x463: {  	[tilespmem:$0x1F430] =	vst v8;
	v8 =	vld [tilespmem:$0x1F550]  }
0x464: {  	[tilespmem:$0x1F400] =	vst v12;
	v42 =	vsub.f32 v2, v53;
	v2 =	vld [tilespmem:$0x1FFA0]  }
0x465: {  	[tilespmem:$0x1F410] =	vst v10  }
0x466: {  	[tilespmem:$0x1F470] =	vst v29  }
0x467: {  	[tilespmem:$0x1F510] =	vst v45  }
0x468: {  	[tilespmem:$0x1F520] =	vst v52  }
0x469: {  	[tilespmem:$0x1F530] =	vst v48;
	v47 =	vadd.f32 v8, v2  }
0x46a: {  	s18 =	simm.s32 $0x1A100;
	[tilespmem:$0x1F540] =	vst v23  }
0x46b: {  	[tilespmem:s18+$0xF0] =	vst v47  }
0x46c: {  	v29 =	vld [tilespmem:$0x1FF70]  }
0x46d: {  	v8 =	vld [tilespmem:$0x1F560];
	_ =	sdelay $0x2  }
0x46e: {  	v40 =	vmul.f32 v19, v59;
	_ =	sdelay $0x1  }
0x46f: {  	v36 =	vmul.f32 v40, v36;
	v40 =	vadd.f32 v8, v29;
	v8 =	vld [tilespmem:$0x1F570];
	_ =	sdelay $0x1  }
0x470: {  	v34 =	vadd.f32 v50, v34;
	v50 =	vmul.f32 v19, v58  }
0x471: {  	v53 =	vmul.f32 v19, v60;
	v19 =	vmul.f32 v19, v63;
	_ =	sdelay $0x1  }
0x472: {  	v19 =	vmul.f32 v19, v42;
	v42 =	vsub.f32 v8, v54;
	v8 =	vld [tilespmem:$0x1F580];
	_ =	sdelay $0x4  }
0x473: {  	v12 =	vsub.f32 v8, v54;
	v8 =	vld [tilespmem:$0x1F590];
	_ =	sdelay $0x4  }
0x474: {  	v44 =	vsub.f32 v8, v54;
	v8 =	vld [tilespmem:$0x1F5A0];
	_ =	sdelay $0x3  }
0x475: {  	v39 =	vmul.f32 v53, v39;
	v53 =	vld [tilespmem:$0x1F5C0]  }
0x476: {  	v37 =	vmul.f32 v50, v37;
	v50 =	vsub.f32 v8, v54;
	v54 =	vld [tilespmem:$0x1F5B0];
	[tilespmem:s18+$0xC0] =	vst v40  }
0x477: {  	v10 =	vld [tilespmem:$0x1FF80]  }
0x478: {  	v8 =	vld [tilespmem:$0x1F5D0];
	_ =	sdelay $0x2  }
0x479: {  	(xrf2) =	vadd.scan.msk.f32 $0xffff, v24  }
0x47a: {  	(xrf2) =	vadd.scan.msk.f32 $0xffff, v18;
	v15 =	vld [tilespmem:$0x1F5E0]  }
0x47b: {  	(xrf2) =	vadd.scan.msk.f32 $0xffff, v22;
	v22 =	vadd.f32 v8, v10;
	v8 =	vld [tilespmem:$0x1FF90];
	_ =	sdelay $0x2  }
0x47c: {  	v23 =	vadd.f32 v23, v48;
	v48 =	vmul.f32 v7, v58  }
0x47d: {  	v45 =	vadd.f32 v52, v45;
	v52 =	vmul.f32 v7, v60;
	v43 =	vmul.f32 v7, v59;
	v18 =	vld [tilespmem:$0x1F600]  }
0x47e: {  	v7 =	vmul.f32 v7, v63;
	v12 =	vmul.f32 v48, v12;
	v48 =	vadd.f32 v15, v8;
	v15 =	vld [tilespmem:$0x1F5F0]  }
0x47f: {  	[tilespmem:s18+$0xD0] =	vst v22  }
0x480: {  	v24 =	vadd.f32 v23, v45;
	v23 =	vmul.f32 v7, v50;
	v7 =	vld [tilespmem:$0x1F610];
	_ =	sdelay $0x1  }
0x481: {  	v50 =	vadd.f32 v32, v2;
	[tilespmem:s18+$0xE0] =	vst v48  }
0x482: {  	(xrf2) =	vadd.scan.msk.f32 $0xffff, v25;
	v25 =	vmul.f32 v52, v44;
	v44 =	vsub.f32 v15, v18;
	v15 =	vld [tilespmem:$0x1F620]  }
0x483: {  	(xrf2) =	vadd.scan.msk.f32 $0xffff, v27;
	v27 =	vadd.f32 v62, v56  }
0x484: {  	s17 =	simm.s32 $0x1A300;
	v46 =	vmul.f32 v4, v58;
	v40 =	vadd.f32 v54, v53;
	v7 =	vsub.f32 v7, v18  }
0x485: {  	[tilespmem:s17+$0xF0] =	vst v50;
	v50, _, _ =	vpop (xrf2)  }
0x486: {  	v27 =	vadd.f32 v27, v40;
	v40 =	vmul.f32 v46, v7;
	v7 =	vld [tilespmem:$0x1F630];
	[tilespmem:s13+$0xFFFFFFB0] =	vst v50  }
0x487: {  	v52 =	vsub.f32 v15, v18;
	v15 =	vld [tilespmem:$0x1F640];
	_ =	sdelay $0x1  }
0x488: {  	[tilespmem:$0x1F660] =	vst v57  }
0x489: {  	[tilespmem:$0x1F670] =	vst v35  }
0x48a: {  	v48 =	vmul.f32 v4, v60;
	v17, _, _ =	vpop (xrf2);
	[tilespmem:$0x1F680] =	vst v14  }
0x48b: {  	v42 =	vmul.f32 v43, v42;
	v43 =	vsub.f32 v15, v49;
	v15 =	vld [tilespmem:$0x1F650];
	[tilespmem:s13+$0xFFFFFFD0] =	vst v17  }
0x48c: {  	v22 =	vmul.f32 v48, v52;
	v52 =	vadd.f32 v35, v57;
	v57 =	vadd.f32 v51, v14;
	v14 =	vld [tilespmem:$0x1F690]  }
0x48d: {  	v45 =	vmul.f32 v4, v59;
	v4 =	vmul.f32 v4, v63;
	v35, _, _ =	vpop (xrf2);
	v7 =	vsub.f32 v7, v18  }
0x48e: {  	(xrf2) =	vadd.scan.msk.f32 $0xffff, v30;
	[tilespmem:s13+$0xFFFFFFF0] =	vst v35  }
0x48f: {  	(xrf2) =	vadd.scan.msk.f32 $0xffff, v31;
	v31, _, _ =	vpop (xrf2);
	v4 =	vmul.f32 v4, v7;
	v7 =	vld [tilespmem:$0x1F6A0]  }
0x490: {  	v30 =	vmul.f32 v45, v44;
	v44 =	vsub.f32 v15, v49;
	v15 =	vld [tilespmem:$0x1F6B0];
	[tilespmem:s13+$0x10] =	vst v31  }
0x491: {  	v17 =	vsub.f32 v14, v49;
	v14 =	vld [tilespmem:$0x1F6C0];
	_ =	sdelay $0x1  }
0x492: {  	v48 =	vadd.f32 v55, v29;
	_ =	sdelay $0x1  }
0x493: {  	v32 =	vmul.f32 v21, v58;
	v50 =	vmul.f32 v0, v58;
	v58, _, _ =	vpop (xrf2);
	[tilespmem:s18+$0xFFFFFF40] =	vst v48  }
0x494: {  	(xrf2) =	vadd.scan.msk.f32 $0xffff, v33;
	v7 =	vsub.f32 v7, v15;
	v31 =	vsub.f32 v14, v15;
	v14 =	vld [tilespmem:$0x1F6D0];
	[tilespmem:s13+$0x30] =	vst v58  }
0x495: {  	(xrf2) =	vadd.scan.msk.f32 $0xffff, v3;
	v3 =	vld [tilespmem:$0x1F6E0]  }
0x496: {  	v55 =	vadd.f32 v61, v10;
	v49 =	vmul.f32 v0, v59;
	_ =	sdelay $0x1  }
0x497: {  	v33 =	vmul.f32 v49, v7;
	[tilespmem:s18+$0xFFFFFF50] =	vst v55;
	v7, _, _ =	vpop (xrf2)  }
0x498: {  	[tilespmem:s13+$0x50] =	vst v7  }
0x499: {  	v45 =	vmul.f32 v21, v59;
	v59 =	vsub.f32 v3, v15;
	v3 =	vld [tilespmem:$0x1F6F0];
	_ =	sdelay $0x3  }
0x49a: {  	(xrf2) =	vadd.scan.msk.f32 $0xffff, v41  }
0x49b: {  	v3 =	vadd.f32 v3, v8  }
0x49c: {  	v13 =	vadd.f32 v13, v29  }
0x49d: {  	v18 =	vmul.f32 v45, v43;
	v45 =	vadd.f32 v57, v52;
	v57 =	vmul.f32 v0, v60;
	v48, _, _ =	vpop (xrf2);
	[tilespmem:s18+$0xFFFFFF60] =	vst v3  }
0x49e: {  	s19 =	simm.s32 $0x12F;
	v0 =	vmul.f32 v0, v63;
	v63 =	vmov v2;
	v31 =	vmul.f32 v50, v31;
	v50, _, _ =	vpop (xrf2);
	v2 =	vld [tilespmem:$0x1F700];
	[tilespmem:s13+$0xFFFFFF90] =	vst v48  }
0x49f: {  	v21 =	vmul.f32 v21, v60;
	v60 =	vmov s19;
	[tilespmem:s13+$0xFFFFFFA0] =	vst v50  }
0x4a0: {  	v5 =	vadd.f32 v5, v10;
	v61 =	vand.u32 $0x1F28, v60;
	v55, _, _ =	vpop (xrf2);
	[tilespmem:s18+$0xFFFFFF80] =	vst v13  }
0x4a1: {  	v6 =	vadd.f32 v6, v8;
	v3 =	vor.u32 $0x17, v61;
	[tilespmem:s13+$0xFFFFFFC0] =	vst v55  }
0x4a2: {  	s21 =	simm.s32 $0x14F;
	v1 =	vadd.f32 v1, v63;
	[tilespmem:s18+$0xFFFFFF90] =	vst v5  }
0x4a3: {  	v46 =	vmovc v63;
	v35 =	vmul.f32 v0, v59;
	v0 =	vmov s21;
	v48 =	vadd.f32 v30, v29;
	[tilespmem:s18+$0xFFFFFFA0] =	vst v6  }
0x4a4: {  	(xrf2) =	vadd.scan.msk.f32 $0xffff, v34;
	[tilespmem:s18+$0xFFFFFFB0] =	vst v1;
	v30 =	vadd.f32 v4, v46;
	v4, _, _ =	vpop (xrf2);
	v2 =	vadd.f32 v2, v63  }
0x4a5: {  	(xrf2) =	vadd.scan.msk.f32 $0xffff, v24;
	v24 =	vld.idx.msk [tilespmem:v60+s24+$0x0], $0xffff;
	[tilespmem:s13+$0xFFFFFFE0] =	vst v4  }
0x4a6: {  	v43 =	vmul.f32 v32, v44;
	v32 =	vadd.f32 v42, v29;
	v42 =	vld.idx.msk [tilespmem:v3+s24+$0x0], $0xffff;
	[tilespmem:s18+$0xFFFFFF70] =	vst v2  }
0x4a7: {  	v49 =	vand.u32 $0x1F48, v0;
	v3 =	vld [tilespmem:$0x1F710]  }
0x4a8: {  	s8 =	simm.s32 $0x16F;
	v11 =	vadd.f32 v11, v10;
	v5 =	vld.idx.msk [tilespmem:v0+s24+$0x0], $0xffff;
	v2 =	vor.u32 $0x17, v49  }
0x4a9: {  	s10 =	simm.s32 $0x10F;
	v41 =	vmov s8;
	v34 =	vadd.f32 v38, v29;
	v52 =	vsub.f32 v14, v15  }
0x4aa: {  	v17 =	vmul.f32 v21, v17;
	v7 =	vmov s10;
	s10 =	simm.s32 $0x18F;
	v6 =	vmul.f32 $1.562500000e-02, v24  }
0x4ab: {  	v38 =	vmov s10;
	v21 =	vmul.f32 v57, v52;
	v52 =	vand.u32 $0x1F68, v41;
	[tilespmem:s18+$0xFFFFFFC0] =	vst v34  }
0x4ac: {  	v13 =	vor.u32 $0x17, v52;
	v0 =	vand.u32 $0x1F88, v38;
	v49 =	vsub.f32 v3, v6;
	v3 =	vld [tilespmem:$0x1F720]  }
0x4ad: {  	v1 =	vor.u32 $0x17, v0;
	v0 =	vadd.f32 v43, v10;
	v5 =	vmul.f32 $1.562500000e-02, v5;
	v2 =	vld.idx.msk [tilespmem:v2+s24+$0x0], $0xffff  }
0x4ae: {  	v43 =	vadd.f32 v17, v8;
	v17 =	vmul.f32 v6, v6;
	v4 =	vmul.f32 $1.562500000e-02, v42  }
0x4af: {  	v9 =	vadd.f32 v9, v63;
	v19 =	vadd.f32 v19, v63  }
0x4b0: {  	v63 =	vsub.f32 v28, v6;
	v4 =	vsub.f32 v4, v17;
	v17 =	vmul.f32 v5, v5  }
0x4b1: {  	(xrf2) =	vadd.scan.msk.f32 $0xffff, v45;
	v60 =	vsub.f32 v26, v6;
	v45 =	vsub.f32 v3, v6;
	v6, _, _ =	vpop (xrf2)  }
0x4b2: {  	v20 =	vadd.f32 v20, v8;
	[tilespmem:s13+$0x0] =	vst v6;
	v6 =	vld.idx.msk [tilespmem:v13+s24+$0x0], $0xffff;
	v13 =	vmul.f32 $1.562500000e-02, v2  }
0x4b3: {  	[tilespmem:s18+$0xFFFFFFD0] =	vst v11  }
0x4b4: {  	[tilespmem:s18+$0xFFFFFFE0] =	vst v20;
	v13 =	vsub.f32 v13, v17;
	v17, _, _ =	vpop (xrf2)  }
0x4b5: {  	[tilespmem:s13+$0x20] =	vst v17;
	v17 =	vld.idx.msk [tilespmem:v1+s24+$0x0], $0xffff  }
0x4b6: {  	v1 =	vld [tilespmem:$0x1F730];
	_ =	sdelay $0x4  }
0x4b7: {  	v1 =	vsub.f32 v1, v5  }
0x4b8: {  	v57 =	vld.idx.msk [tilespmem:v41+s24+$0x0], $0xffff  }
0x4b9: {  	v59 =	vld.idx.msk [tilespmem:v38+s24+$0x0], $0xffff;
	[tilespmem:$0x1F740] =	vst v1  }
0x4ba: {  	[tilespmem:s18+$0xFFFFFFF0] =	vst v9  }
0x4bb: {  	v36 =	vadd.f32 v36, v29;
	v39 =	vadd.f32 v39, v8;
	s21 =	simm.s32 $0x1CF;
	(xrf2) =	vadd.scan.msk.f32 $0xffff, v27;
	v3 =	vld [tilespmem:$0x1F760]  }
0x4bc: {  	s19 =	simm.s32 $0x1AF;
	v44 =	vadd.f32 v12, v10;
	v58 =	vadd.f32 v23, v46;
	v23 =	vmov s21;
	v1 =	vld [tilespmem:$0x1F750]  }
0x4bd: {  	v12 =	vmov s19;
	v15 =	vand.u32 $0x1FC8, v23;
	v61 =	vadd.f32 v25, v8  }
0x4be: {  	v55 =	vadd.f32 v40, v10;
	v40 =	vadd.f32 v18, v29;
	v18 =	vand.u32 $0x1FA8, v12  }
0x4bf: {  	v50 =	vadd.f32 v22, v8;
	v52 =	vmul.f32 $1.562500000e-02, v57;
	v11 =	vor.u32 $0x17, v18  }
0x4c0: {  	v15 =	vor.u32 $0x17, v15;
	v41 =	vadd.f32 v21, v8;
	v3 =	vsub.f32 v3, v5  }
0x4c1: {  	v8 =	vmul.f32 v52, v52;
	v38 =	vsub.f32 v1, v5;
	v1 =	vadd.f32 $9.999999960e-13, v4  }
0x4c2: {  	v37 =	vadd.f32 v37, v10;
	v47 =	vsub.f32 v16, v5;
	v9 =	vld.idx.msk [tilespmem:v12+s24+$0x0], $0xffff;
	v5 =	vmul.f32 $1.562500000e-02, v6;
	[tilespmem:$0x1F770] =	vst v3  }
0x4c3: {  	v24 =	vadd.f32 v35, v46;
	v4, _, _ =	vpop (xrf2);
	v6 =	vshra.s32 v1, $0x1;
	v42 =	vmul.f32 $5.000000000e-01, v1;
	[tilespmem:s18+$0x0] =	vst v36  }
0x4c4: {  	v5 =	vsub.f32 v5, v8;
	v12 =	vld.idx.msk [tilespmem:v11+s24+$0x0], $0xffff;
	[tilespmem:s13+$0x40] =	vst v4;
	v1 =	vsub.s32 $0x5F3759DF, v6;
	v6 =	vadd.f32 $9.999999960e-13, v13  }
0x4c5: {  	v18 =	vor.u32 $0x17, v7;
	v2 =	vadd.f32 v31, v10;
	v25 =	vmul.f32 $1.562500000e-02, v59;
	v8, _, _ =	vpop (xrf2);
	[tilespmem:s18+$0x10] =	vst v37;
	v10 =	vld.idx.msk [tilespmem:v23+s24+$0x0], $0xffff  }
0x4c6: {  	v13 =	vmul.f32 $1.562500000e-02, v17;
	[tilespmem:s13+$0xFFFFFF80] =	vst v8;
	v11 =	vld.idx.msk [tilespmem:v15+s24+$0x0], $0xffff;
	v16 =	vadd.f32 $9.999999960e-13, v5;
	v8 =	vshra.s32 v6, $0x1  }
0x4c7: {  	[tilespmem:s18+$0x20] =	vst v39;
	v14 =	vmul.f32 $5.000000000e-01, v6;
	v6 =	vmul.f32 v25, v25;
	v15 =	vsub.s32 $0x5F3759DF, v8;
	v8 =	vld.idx.msk [tilespmem:v7+s24+$0x0], $0xffff  }
0x4c8: {  	v26 =	vadd.f32 v33, v29;
	v27 =	vmul.f32 $1.562500000e-02, v9;
	[tilespmem:s18+$0x30] =	vst v19;
	v4 =	vmul.f32 v1, v42  }
0x4c9: {  	[tilespmem:s18+$0x40] =	vst v32;
	v7 =	vsub.f32 v13, v6;
	v6 =	vmul.f32 v15, v14;
	v13 =	vmul.f32 $5.000000000e-01, v16  }
0x4ca: {  	s2 =	sor.u32 $0x1, s2;
	s19 =	simm.s32 $0x8;
	[tilespmem:s18+$0x50] =	vst v44;
	v9 =	vld.idx.msk [tilespmem:v18+s24+$0x0], $0xffff;
	v5 =	vshra.s32 v16, $0x1;
	v16 =	vmul.f32 v27, v27;
	v12 =	vmul.f32 $1.562500000e-02, v12  }
.LBB2_5:
0x4cb: {  	v5 =	vsub.s32 $0x5F3759DF, v5;
	v28 =	vmul.f32 $1.562500000e-02, v10;
	[tilespmem:s17+$0xE0] =	vst v43  }
0x4cc: {  	s6 =	sadd.s32 s19, s1;
	v11 =	vmul.f32 $1.562500000e-02, v11;
	[tilespmem:s18+$0xFFFFFF30] =	vst v24;
	v24 =	vmul.f32 $1.562500000e-02, v8;
	v43 =	vlaneseq.u32  }
0x4cd: {  	v23 =	vld [tilespmem:$0x1FFF0];
	v17 =	vadd.f32 $9.999999960e-13, v7;
	s7 =	sadd.s32 $0x109, s6;
	v7 =	vmul.f32 v5, v13;
	v10 =	vsub.f32 v12, v16  }
0x4ce: {  	[tilespmem:$0x1F5B0] =	vst v54;
	s8 =	sadd.s32 $0x10A, s6;
	s10 =	sadd.s32 $0x10F, s6;
	s21 =	sadd.s32 $0x10D, s6;
	v4 =	vmul.f32 v1, v4;
	v6 =	vmul.f32 v15, v6;
	v12 =	vmov s7  }
0x4cf: {  	[tilespmem:$0x1F010] =	vst v63;
	v16 =	vmov s8;
	s7 =	sadd.s32 $0x10B, s6;
	s8 =	sadd.s32 $0x10C, s6;
	v18 =	vmov s10;
	v21 =	vmov s21  }
0x4d0: {  	[tilespmem:$0x1F060] =	vst v60;
	s10 =	sadd.s32 $0x108, s6;
	s6 =	sadd.s32 $0x10E, s6;
	v54 =	vmul.f32 v24, v24;
	v19 =	vmov s7;
	v20 =	vmov s8  }
0x4d1: {  	[tilespmem:$0x1F070] =	vst v62;
	v18 =	vshrl.u32 v18, $0x3;
	v22 =	vmov s6;
	v3 =	vshrl.u32 v12, $0x3  }
0x4d2: {  	[tilespmem:$0x1EFE0] =	vst v51;
	v12 =	vshrl.u32 v16, $0x3;
	v59 =	vmov s10;
	v18 =	vshll.u32 v18, v23  }
0x4d3: {  	[tilespmem:s18+$0x80] =	vst v48;
	v21 =	vshrl.u32 v21, $0x3;
	v48 =	vsub.f32 $1.500000000e+00, v4;
	v16 =	vadd.s32 $0x7, v18  }
0x4d4: {  	[tilespmem:s17+$0xD0] =	vst v0;
	v22 =	vshrl.u32 v22, $0x3;
	v0 =	vshll.u32 v3, v23;
	v16 =	vbroadcast v16, $0x0  }
0x4d5: {  	[tilespmem:$0x1F080] =	vst v45;
	v3 =	vshll.u32 v12, v23;
	v60 =	vshll.u32 v22, v23;
	v18 =	vshrl.u32 v19, $0x3  }
0x4d6: {  	[tilespmem:s18+$0x70] =	vst v58;
	v19 =	vshrl.u32 v20, $0x3;
	v0 =	vadd.s32 $0x1, v0;
	v3 =	vadd.s32 $0x2, v3  }
0x4d7: {  	[tilespmem:s17+$0xC0] =	vst v40;
	v45 =	vld [tilespmem:$0x1FFC0];
	v12 =	vshll.u32 v18, v23;
	v18 =	vshll.u32 v19, v23;
	v19 =	vshll.u32 v21, v23  }
0x4d8: {  	v57 =	vld [tilespmem:$0x1FFD0];
	[tilespmem:s18+$0x60] =	vst v61;
	v61 =	vbroadcast v0, $0x0;
	v0 =	vadd.s32 $0x6, v60;
	v3 =	vbroadcast v3, $0x0  }
0x4d9: {  	[tilespmem:s18+$0xFFFFFF10] =	vst v2;
	v58 =	vld [tilespmem:$0x1FFE0];
	v2 =	vadd.s32 $0x3, v12;
	v12 =	vadd.s32 $0x4, v18;
	v18 =	vadd.s32 $0x5, v19  }
0x4da: {  	[tilespmem:$0x1F5C0] =	vst v53;
	s3 =	sadd.s32 $0x200, s3;
	v63 =	vbroadcast v0, $0x0;
	v62 =	vbroadcast v2, $0x0;
	v2 =	vadd.f32 $9.999999960e-13, v10;
	v16 =	vld.idx.msk [tilespmem:v16+s15+$0x0], $0xffff  }
0x4db: {  	[tilespmem:s18+$0x90] =	vst v55;
	v31 =	vld [tilespmem:s3+$0xE0];
	v10 =	vbroadcast v12, $0x0;
	v12 =	vbroadcast v18, $0x0;
	v18 =	vshra.s32 v17, $0x1  }
0x4dc: {  	[tilespmem:s18+$0xA0] =	vst v50;
	v44 =	vld [tilespmem:s3+$0xF0];
	v20 =	vshrl.u32 v59, $0x3;
	v8 =	vsub.s32 $0x5F3759DF, v18;
	v18 =	vmul.f32 v28, v28  }
0x4dd: {  	[tilespmem:$0x1EFD0] =	vst v28;
	v51 =	vsub.f32 $1.500000000e+00, v6;
	v9 =	vmul.f32 $1.562500000e-02, v9;
	v19 =	vshll.u32 v20, v23;
	v28 =	vld [tilespmem:s3+$0xD0]  }
0x4de: {  	[tilespmem:s18+$0xB0] =	vst v30;
	v0 =	vmul.f32 $5.000000000e-01, v17;
	v19 =	vbroadcast v19, $0x0;
	v11 =	vsub.f32 v11, v18;
	v17 =	vld.idx.msk [tilespmem:v61+s15+$0x0], $0xffff  }
0x4df: {  	[tilespmem:$0x1F030] =	vst v24;
	v53 =	vshra.s32 v2, $0x1;
	v2 =	vmul.f32 $5.000000000e-01, v2;
	v24 =	vld.idx.msk [tilespmem:v3+s15+$0x0], $0xffff;
	v16 =	vshll.u32 v16, $0x6  }
0x4e0: {  	[tilespmem:s18+$0xFFFFFF00] =	vst v26;
	v3 =	vsub.f32 v9, v54;
	v9 =	vadd.f32 $9.999999960e-13, v11;
	v11 =	vld [tilespmem:s3+$0xC0];
	v18 =	vor.u32 v43, v16  }
0x4e1: {  	v59 =	vmovc v25;
	v25 =	vmul.f32 v8, v0;
	v20 =	vsub.s32 $0x5F3759DF, v53;
	v23 =	vld.idx.msk [tilespmem:v63+s15+$0x0], $0xffff;
	v26 =	vor.u32 v45, v16  }
0x4e2: {  	[tilespmem:$0x1EFC0] =	vst v27;
	v27 =	vmul.f32 v20, v2;
	v21 =	vld.idx.msk [tilespmem:v62+s15+$0x0], $0xffff;
	v30 =	vadd.f32 $9.999999960e-13, v3;
	v55 =	vor.u32 v57, v16  }
0x4e3: {  	[tilespmem:s18+$0xFFFFFF20] =	vst v41;
	v63 =	vmul.f32 v5, v7;
	v61 =	vld.idx.msk [tilespmem:v12+s15+$0x0], $0xffff;
	v3 =	vshra.s32 v9, $0x1;
	v16 =	vor.u32 v58, v16  }
0x4e4: {  	v19 =	vld.idx.msk [tilespmem:v19+s15+$0x0], $0xffff;
	v32 =	vsub.s32 $0x5F3759DF, v3;
	v3 =	vmul.f32 $5.000000000e-01, v9;
	v33 =	vshra.s32 v30, $0x1  }
0x4e5: {  	v9 =	vshll.u32 v17, $0x6;
	v24 =	vshll.u32 v24, $0x6;
	v33 =	vsub.s32 $0x5F3759DF, v33;
	v17 =	vld.idx.msk [tilespmem:v18+s14+$0x0], $0xffff  }
0x4e6: {  	v34 =	vor.u32 v45, v9;
	v35 =	vor.u32 v57, v9;
	v36 =	vor.u32 v43, v24;
	v26 =	vld.idx.msk [tilespmem:v26+s14+$0x0], $0xffff  }
0x4e7: {  	v37 =	vor.u32 v45, v24;
	v60 =	vor.u32 v57, v24;
	v24 =	vor.u32 v58, v24;
	v22 =	vld.idx.msk [tilespmem:v55+s14+$0x0], $0xffff  }
0x4e8: {  	v62 =	vmul.f32 v32, v3;
	v23 =	vshll.u32 v23, $0x6;
	v21 =	vshll.u32 v21, $0x6;
	v16 =	vld.idx.msk [tilespmem:v16+s14+$0x0], $0xffff  }
0x4e9: {  	[tilespmem:$0x1F040] =	vst v49;
	v49 =	vshll.u32 v19, $0x6;
	v18 =	vmul.f32 $5.000000000e-01, v30;
	v30 =	vor.u32 v43, v9  }
0x4ea: {  	v39 =	vor.u32 v43, v21;
	v40 =	vor.u32 v45, v21;
	v46 =	vor.u32 v57, v21  }
0x4eb: {  	[tilespmem:$0x1F0A0] =	vst v47;
	v47 =	vor.u32 v58, v21;
	v21 =	vshll.u32 v61, $0x6;
	v6 =	vadd.f32 v17, v11;
	v11 =	vld.idx.msk [tilespmem:v34+s14+$0x0], $0xffff  }
0x4ec: {  	v54 =	vor.u32 v43, v49;
	v12 =	vmul.f32 v33, v18;
	v7 =	vadd.f32 v26, v28  }
0x4ed: {  	v10 =	vld.idx.msk [tilespmem:v10+s15+$0x0], $0xffff;
	v26 =	vmul.f32 v20, v27;
	v29 =	vadd.f32 v22, v31;
	v4 =	vadd.f32 v16, v44  }
0x4ee: {  	v9 =	vor.u32 v58, v9;
	v55 =	vld.idx.msk [tilespmem:v30+s14+$0x0], $0xffff;
	v17 =	vmul.f32 v6, v6;
	v30 =	vmul.f32 v7, v7  }
0x4ef: {  	v28 =	vsub.f32 $1.500000000e+00, v63;
	v41 =	vmul.f32 v29, v29;
	v44 =	vmul.f32 v4, v4  }
0x4f0: {  	v22 =	vmul.f32 v32, v62;
	v16 =	vadd.f32 v4, v29;
	[tilespmem:$0x1EF80] =	vst v11;
	v11 =	vadd.f32 v7, v6  }
0x4f1: {  	v27 =	vmul.f32 v33, v12;
	v30 =	vadd.f32 v30, v17;
	v34 =	vadd.f32 v44, v41  }
0x4f2: {  	v50 =	vld.idx.msk [tilespmem:v35+s14+$0x0], $0xffff;
	v31 =	vshll.u32 v10, $0x6;
	v62 =	vor.u32 v43, v21;
	v16 =	vadd.f32 v16, v11  }
0x4f3: {  	[tilespmem:$0x1F050] =	vst v56;
	v10 =	vld.idx.msk [tilespmem:v46+s14+$0x0], $0xffff;
	v46 =	vmul.f32 v1, v48;
	v1 =	vsub.f32 $1.500000000e+00, v26;
	v30 =	vadd.f32 v34, v30  }
0x4f4: {  	v35 =	vor.u32 v43, v31;
	v26 =	vsub.f32 $1.500000000e+00, v27;
	v27 =	vmul.f32 v5, v28;
	v5 =	vld [tilespmem:$0x1F400];
	(xrf2) =	vadd.scan.msk.f32 $0xffff, v16  }
0x4f5: {  	[tilespmem:$0x1F020] =	vst v29;
	v29 =	vor.u32 v43, v23;
	v43 =	vmul.f32 v20, v1;
	v1 =	vld [tilespmem:$0x1F410];
	(xrf2) =	vadd.scan.msk.f32 $0xffff, v30  }
0x4f6: {  	s11 =	sadd.s32 $0x100, s11;
	[tilespmem:$0x1EFF0] =	vst v6;
	v6 =	vld.idx.msk [tilespmem:v9+s14+$0x0], $0xffff  }
0x4f7: {  	[tilespmem:$0x1F090] =	vst v38;
	s21 =	sadd.s32 $0xFFFFFF60, s11;
	v25 =	vmul.f32 v8, v25;
	v19 =	vld [tilespmem:s3+$0xFFFFFF00];
	v56 =	vor.u32 v45, v49  }
0x4f8: {  	s7 =	sadd.s32 $0xFFFFFF80, s11;
	v38 =	vor.u32 v58, v31;
	[tilespmem:$0x1F000] =	vst v7;
	v28 =	vmov s21;
	v17 =	vld.idx.msk [tilespmem:v24+s14+$0x0], $0xffff;
	v24 =	vor.u32 v45, v21  }
0x4f9: {  	[tilespmem:$0x1F170] =	vst v28;
	v41 =	vor.u32 v45, v23;
	v11 =	vld.idx.msk [tilespmem:v37+s14+$0x0], $0xffff;
	v37 =	vor.u32 v45, v31;
	v45 =	vmov s7  }
0x4fa: {  	v25 =	vsub.f32 $1.500000000e+00, v25;
	v53 =	vld.idx.msk [tilespmem:v36+s14+$0x0], $0xffff;
	[tilespmem:$0x1F1A0] =	vst v45;
	v1 =	vsub.f32 v1, v52  }
0x4fb: {  	v48 =	vld.idx.msk [tilespmem:v47+s14+$0x0], $0xffff;
	[tilespmem:$0x1EF90] =	vst v6;
	v6 =	vsub.f32 v5, v52  }
0x4fc: {  	s8 =	sadd.s32 $0xFFFFFF20, s11;
	s10 =	sadd.s32 $0xFFFFFF40, s11;
	v25 =	vmul.f32 v8, v25;
	v7 =	vld.idx.msk [tilespmem:v39+s14+$0x0], $0xffff;
	[tilespmem:$0x1F0C0] =	vst v1;
	v1 =	vmov s11  }
0x4fd: {  	v61 =	vor.u32 v58, v49;
	v12 =	vmov s8;
	s8 =	sadd.s32 $0xFFFFFFA0, s11;
	v9 =	vld.idx.msk [tilespmem:v40+s14+$0x0], $0xffff;
	[tilespmem:$0x1F0B0] =	vst v6;
	v6 =	vmov s10  }
0x4fe: {  	s13 =	sadd.s32 $0x100, s13;
	v47 =	vmov s8;
	v44 =	vor.u32 v57, v31;
	v8 =	vmul.f32 v33, v26;
	v36 =	vld.idx.msk [tilespmem:v38+s14+$0x0], $0xffff;
	[tilespmem:$0x1F130] =	vst v6;
	v5, _, _ =	vpop (xrf2)  }
0x4ff: {  	v39 =	vor.u32 v57, v49;
	v34 =	vor.u32 v57, v21;
	v16 =	vld.idx.msk [tilespmem:v60+s14+$0x0], $0xffff;
	v26 =	vand.u32 $0x1F28, v6;
	[tilespmem:s13+$0x60] =	vst v5;
	v5, _, _ =	vpop (xrf2)  }
0x500: {  	v60 =	vor.u32 v57, v23;
	v38 =	vld.idx.msk [tilespmem:v24+s14+$0x0], $0xffff;
	v24 =	vand.u32 $0x1F48, v28;
	[tilespmem:s13+$0x70] =	vst v5;
	v5 =	vor.u32 $0x17, v26  }
0x501: {  	v28 =	vand.u32 $0x1F68, v45;
	v49 =	vor.u32 $0x17, v1;
	[tilespmem:$0x1F150] =	vst v5;
	v57 =	vld.idx.msk [tilespmem:v1+s24+$0x0], $0xffff;
	v1 =	vor.u32 $0x17, v24  }
0x502: {  	v63 =	vor.u32 v58, v21;
	v33 =	vand.u32 $0x1F88, v47;
	v21 =	vld [tilespmem:s3+$0xFFFFFF10];
	s10 =	sadd.s32 $0xFFFFFFC0, s11;
	[tilespmem:$0x1F190] =	vst v1;
	v1 =	vor.u32 $0x17, v28  }
0x503: {  	v15 =	vmul.f32 v15, v51;
	s21 =	sadd.s32 $0xFFFFFFE0, s11;
	v51 =	vld.idx.msk [tilespmem:v35+s14+$0x0], $0xffff;
	v30 =	vmov s10;
	[tilespmem:$0x1F1C0] =	vst v1;
	v1 =	vor.u32 $0x17, v33  }
0x504: {  	v35 =	vld.idx.msk [tilespmem:v44+s14+$0x0], $0xffff;
	v6 =	vmov s21;
	v5 =	vand.u32 $0x1FA8, v30;
	[tilespmem:$0x1F220] =	vst v1;
	v1 =	vor.u32 $0x17, v12  }
0x505: {  	v45 =	vld [tilespmem:s3+$0xFFFFFFA0];
	v26 =	vand.u32 $0x1FC8, v6;
	[tilespmem:$0x1F2C0] =	vst v1;
	v1 =	vor.u32 $0x17, v5  }
0x506: {  	[tilespmem:$0x1F280] =	vst v1;
	v1 =	vor.u32 $0x17, v26;
	v26 =	vmul.f32 v25, v0;
	v0 =	vld [tilespmem:$0x1F440]  }
0x507: {  	v40 =	vld.idx.msk [tilespmem:v34+s14+$0x0], $0xffff  }
0x508: {  	v44 =	vmul.f32 v46, v42;
	v34 =	vld.idx.msk [tilespmem:v54+s14+$0x0], $0xffff  }
0x509: {  	v54 =	vld.idx.msk [tilespmem:v61+s14+$0x0], $0xffff  }
0x50a: {  	v20 =	vmul.f32 v44, v46;
	v44 =	vld [tilespmem:s3+$0xFFFFFF20]  }
0x50b: {  	v31 =	vld.idx.msk [tilespmem:v37+s14+$0x0], $0xffff;
	v0 =	vsub.f32 v0, v52  }
0x50c: {  	v37 =	vld.idx.msk [tilespmem:v62+s14+$0x0], $0xffff  }
0x50d: {  	v14 =	vmul.f32 v15, v14;
	v22 =	vsub.f32 $1.500000000e+00, v22;
	[tilespmem:$0x1F0E0] =	vst v0;
	v0 =	vld [tilespmem:$0x1F450]  }
0x50e: {  	v62 =	vld.idx.msk [tilespmem:v41+s14+$0x0], $0xffff  }
0x50f: {  	v14 =	vmul.f32 v14, v15;
	v32 =	vmul.f32 v32, v22;
	v24 =	vld.idx.msk [tilespmem:v49+s24+$0x0], $0xffff  }
0x510: {  	[tilespmem:$0x1F2B0] =	vst v12;
	v13 =	vmul.f32 v27, v13;
	v18 =	vmul.f32 v8, v18;
	v41 =	vld.idx.msk [tilespmem:v56+s14+$0x0], $0xffff  }
0x511: {  	v23 =	vor.u32 v58, v23;
	v58 =	vmul.f32 v32, v3;
	v22 =	vld.idx.msk [tilespmem:v60+s14+$0x0], $0xffff;
	v28 =	vmul.f32 v43, v2  }
0x512: {  	v13 =	vmul.f32 v13, v27;
	v12 =	vmul.f32 $1.562500000e-02, v57;
	[tilespmem:$0x1F2A0] =	vst v1;
	v1 =	vld [tilespmem:$0x1F430];
	v0 =	vsub.f32 v0, v59  }
0x513: {  	v14 =	vsub.f32 $1.500000000e+00, v14;
	[tilespmem:$0x1F290] =	vst v6;
	v6 =	vld.idx.msk [tilespmem:v63+s14+$0x0], $0xffff;
	v33 =	vmul.f32 v58, v32;
	v28 =	vmul.f32 v28, v43  }
0x514: {  	v13 =	vsub.f32 $1.500000000e+00, v13;
	v24 =	vmul.f32 $1.562500000e-02, v24;
	v60 =	vmul.f32 v12, v12;
	[tilespmem:$0x1F0F0] =	vst v0;
	v0 =	vld [tilespmem:$0x1F460]  }
0x515: {  	v18 =	vmul.f32 v18, v8;
	v63 =	vld.idx.msk [tilespmem:v29+s14+$0x0], $0xffff;
	v58 =	vsub.f32 $1.500000000e+00, v33;
	v5 =	vadd.f32 v41, v21  }
0x516: {  	v2 =	vld [tilespmem:$0x1EF80];
	v49 =	vsub.f32 $1.500000000e+00, v28;
	v24 =	vsub.f32 v24, v60  }
0x517: {  	v28 =	vsub.f32 $1.500000000e+00, v18;
	v1 =	vsub.f32 v1, v52;
	v52 =	vld.idx.msk [tilespmem:v39+s14+$0x0], $0xffff  }
0x518: {  	[tilespmem:$0x1EFB0] =	vst v59;
	v26 =	vmul.f32 v26, v25;
	v42 =	vadd.f32 $9.999999960e-13, v24;
	v39 =	vmul.f32 v14, v15;
	v14 =	vld [tilespmem:s3+$0xFFFFFF40]  }
0x519: {  	v33 =	vmul.f32 v49, v43;
	[tilespmem:$0x1F0D0] =	vst v1;
	v1 =	vadd.f32 v34, v19;
	v0 =	vsub.f32 v0, v59;
	v59 =	vld [tilespmem:s3+$0xFFFFFF30]  }
0x51a: {  	[tilespmem:$0x1F120] =	vst v5;
	v15 =	vld [tilespmem:s3+$0xFFFFFF50];
	v34 =	vmul.f32 v13, v27;
	v13 =	vshra.s32 v42, $0x1;
	v41 =	vmul.f32 $5.000000000e-01, v42  }
0x51b: {  	v43 =	vmul.f32 v5, v5;
	v19 =	vld [tilespmem:s3+$0xFFFFFF60];
	v18 =	vmul.f32 v1, v1;
	[tilespmem:$0x1F100] =	vst v0;
	v0 =	vsub.s32 $0x5F3759DF, v13  }
0x51c: {  	[tilespmem:$0x1F110] =	vst v1;
	v1 =	vadd.f32 v5, v1;
	v5 =	vld [tilespmem:$0x1EF90];
	v29 =	vadd.f32 v52, v44;
	v44 =	vmul.f32 v0, v41  }
0x51d: {  	v20 =	vsub.f32 $1.500000000e+00, v20;
	v52 =	vld [tilespmem:s3+$0xFFFFFF70]  }
0x51e: {  	v26 =	vsub.f32 $1.500000000e+00, v26;
	v13 =	vadd.f32 v54, v59;
	v54 =	vld [tilespmem:s3+$0xFFFFFF80];
	v59 =	vmul.f32 v0, v44  }
0x51f: {  	v20 =	vmul.f32 v20, v46;
	v21 =	vadd.f32 v55, v14;
	v55 =	vld [tilespmem:s3+$0xFFFFFF90]  }
0x520: {  	v46 =	vmul.f32 v26, v25;
	v26 =	vadd.f32 v50, v19;
	v50 =	vld [tilespmem:s3+$0xFFFFFFC0];
	v60 =	vsub.f32 $1.500000000e+00, v59  }
0x521: {  	v32 =	vmul.f32 v58, v32;
	v24 =	vadd.f32 v2, v15;
	[tilespmem:$0x1EFA0] =	vst v1;
	v1 =	vld [tilespmem:s3+$0xFFFFFFB0]  }
0x522: {  	v27 =	vadd.f32 v16, v45;
	v49 =	vmul.f32 v29, v29;
	v0 =	vmul.f32 v0, v60  }
0x523: {  	[tilespmem:$0x1F210] =	vst v47;
	v47 =	vmul.f32 v21, v21;
	v3 =	vmul.f32 v24, v24;
	v2 =	vadd.f32 v53, v54;
	v53 =	vld [tilespmem:s3+$0xFFFFFFD0]  }
0x524: {  	v45 =	vld [tilespmem:s3+$0xFFFFFFF0];
	v58 =	vadd.f32 v5, v52;
	v42 =	vadd.f32 v11, v55;
	v41 =	vmul.f32 v0, v41  }
0x525: {  	v15 =	vadd.f32 v7, v50;
	v7 =	vld [tilespmem:s3+$0x10];
	v44 =	vadd.f32 v43, v18;
	v18 =	vmul.f32 v13, v13  }
0x526: {  	v17 =	vadd.f32 v17, v1;
	v54 =	vadd.f32 v3, v47;
	v47 =	vld [tilespmem:s3+$0x0];
	v41 =	vmul.f32 v41, v0  }
0x527: {  	[tilespmem:$0x1F260] =	vst v30;
	v11 =	vld [tilespmem:s3+$0xFFFFFFE0];
	v59 =	vmul.f32 v58, v58;
	v30 =	vadd.f32 v18, v49;
	v49 =	vmul.f32 v26, v26  }
0x528: {  	v1 =	vmul.f32 v42, v42;
	v16 =	vadd.f32 v9, v53;
	v9 =	vld [tilespmem:s3+$0x20];
	v41 =	vsub.f32 $1.500000000e+00, v41  }
0x529: {  	v52 =	vmul.f32 v17, v17;
	v56 =	vadd.f32 v59, v49;
	v59 =	vld [tilespmem:s3+$0x40];
	v43 =	vmul.f32 v2, v2  }
0x52a: {  	v3 =	vadd.f32 v48, v45;
	v48 =	vmul.f32 v41, v0;
	v0 =	vadd.f32 v31, v7;
	v7 =	vld [tilespmem:s3+$0x60]  }
0x52b: {  	v49 =	vmul.f32 v27, v27;
	v18 =	vmovc v2;
	v14 =	vadd.f32 v1, v43;
	v1 =	vadd.f32 v51, v47;
	v47 =	vld [tilespmem:s3+$0x50]  }
0x52c: {  	[tilespmem:$0x1F230] =	vst v2;
	v2 =	vadd.f32 v10, v11;
	v10 =	vmul.f32 v15, v15;
	v57 =	vmul.f32 v16, v16  }
0x52d: {  	v43 =	vadd.f32 v52, v49;
	v35 =	vadd.f32 v35, v9;
	v9 =	vld [tilespmem:s3+$0x70]  }
0x52e: {  	v23 =	vld.idx.msk [tilespmem:v23+s14+$0x0], $0xffff;
	v45 =	vmul.f32 v2, v2;
	v19 =	vadd.f32 v57, v10;
	v10 =	vmul.f32 v3, v3  }
0x52f: {  	v37 =	vadd.f32 v37, v59;
	v52 =	vadd.f32 v40, v7;
	v40 =	vld [tilespmem:s3+$0xB0]  }
0x530: {  	v5 =	vld [tilespmem:$0x1FFB0];
	v55 =	vadd.f32 v10, v45;
	v45 =	vadd.f32 v38, v47;
	_ =	sdelay $0x1  }
0x531: {  	v59 =	vmul.f32 v37, v37;
	v49 =	vadd.f32 v6, v9;
	v6 =	vmul.f32 v45, v45  }
0x532: {  	v4 =	vsub.f32 v4, v12;
	v28 =	vmul.f32 v28, v8;
	v8 =	vadd.f32 v0, v1  }
0x533: {  	[tilespmem:$0x1F200] =	vst v58;
	v38 =	vadd.f32 v6, v59;
	v59 =	vadd.f32 v23, v40  }
0x534: {  	[tilespmem:$0x1F440] =	vst v3;
	v31 =	vmul.f32 v48, v5;
	v40 =	vadd.f32 v58, v26;
	v58 =	vadd.f32 v3, v2  }
0x535: {  	v60 =	vld [tilespmem:s3+$0x80];
	v50 =	vmul.f32 v0, v0;
	[tilespmem:$0x1F460] =	vst v0;
	v3 =	vadd.f32 v45, v37;
	v0 =	vadd.f32 v49, v52  }
0x536: {  	v57 =	vld [tilespmem:s3+$0x90]  }
0x537: {  	v4 =	vmul.f32 v31, v4;
	v31 =	vld [tilespmem:s3+$0xA0];
	v0 =	vadd.f32 v0, v3;
	_ =	sdelay $0x1  }
0x538: {  	[tilespmem:$0x1F140] =	vst v0;
	v0 =	vld [tilespmem:$0x1EFA0];
	_ =	sdelay $0x1  }
0x539: {  	v47 =	vadd.f32 v63, v60;
	v57 =	vadd.f32 v62, v57  }
0x53a: {  	v41 =	vmul.f32 v1, v1;
	[tilespmem:$0x1F450] =	vst v1;
	v1 =	vadd.f32 v13, v29;
	v31 =	vadd.f32 v22, v31  }
0x53b: {  	v7 =	vadd.f32 v57, v47  }
0x53c: {  	[tilespmem:$0x1F430] =	vst v2;
	v2 =	vadd.f32 v59, v31;
	v0 =	vadd.f32 v1, v0;
	_ =	sdelay $0x1  }
0x53d: {  	v11 =	vld [tilespmem:s3+$0x30];
	[tilespmem:$0x1F1B0] =	vst v0;
	v0 =	vadd.f32 v2, v7  }
0x53e: {  	v1 =	vld [tilespmem:$0x1EFB0]  }
0x53f: {  	[tilespmem:$0x1F180] =	vst v0;
	v0 =	vld [tilespmem:$0x1F470]  }
0x540: {  	v25 =	vld [tilespmem:$0x1FFA0];
	_ =	sdelay $0x2  }
0x541: {  	[tilespmem:$0x1F160] =	vst v13;
	v36 =	vadd.f32 v36, v11;
	v13 =	vadd.f32 v55, v19  }
0x542: {  	v19 =	vadd.f32 v30, v44;
	v30 =	vsub.f32 v0, v1;
	v0 =	vmov v35  }
0x543: {  	v10 =	vmul.f32 v36, v36;
	v61 =	vmul.f32 v35, v35;
	v4 =	vadd.f32 v4, v25;
	[tilespmem:$0x1F470] =	vst v0;
	v0 =	vld [tilespmem:$0x1F480]  }
0x544: {  	s18 =	smov.u32 s17;
	s17 =	sadd.s32 $0x200, s17;
	v41 =	vadd.f32 v50, v41  }
0x545: {  	v50 =	vadd.f32 v10, v61;
	v61 =	vmul.f32 v52, v52;
	[tilespmem:s17+$0xF0] =	vst v4;
	v4 =	vmul.f32 v49, v49;
	_ =	sdelay $0x1  }
0x546: {  	v51 =	vadd.f32 v4, v61  }
0x547: {  	v4 =	vadd.f32 v36, v35;
	v35 =	vsub.f32 v0, v1;
	v0 =	vld [tilespmem:$0x1F510]  }
0x548: {  	v1 =	vld [tilespmem:$0x1EFC0];
	_ =	sdelay $0x2  }
0x549: {  	v53 =	vadd.f32 v24, v21;
	_ =	sdelay $0x1  }
0x54a: {  	v40 =	vadd.f32 v40, v53;
	v53 =	vsub.f32 v0, v1;
	v0 =	vmov v36  }
0x54b: {  	[tilespmem:$0x1F480] =	vst v0;
	v0 =	vld [tilespmem:$0x1F520];
	_ =	sdelay $0x4  }
0x54c: {  	v36 =	vsub.f32 v0, v1;
	v0 =	vmov v37  }
0x54d: {  	[tilespmem:$0x1F510] =	vst v0;
	v0 =	vld [tilespmem:$0x1F530];
	_ =	sdelay $0x4  }
0x54e: {  	v37 =	vsub.f32 v0, v1;
	v0 =	vld [tilespmem:$0x1F540];
	_ =	sdelay $0x1  }
0x54f: {  	v54 =	vadd.f32 v56, v54;
	v14 =	vadd.f32 v43, v14  }
0x550: {  	v60 =	vadd.f32 v42, v18;
	v62 =	vadd.f32 v17, v27  }
0x551: {  	(xrf2) =	vadd.scan.msk.f32 $0xffff, v54;
	v2 =	vld [tilespmem:$0x1EFD0]  }
0x552: {  	(xrf2) =	vadd.scan.msk.f32 $0xffff, v14;
	v44 =	vadd.f32 v62, v60;
	v62 =	vsub.f32 v0, v1;
	v0 =	vld [tilespmem:$0x1F660]  }
0x553: {  	v22 =	vmul.f32 v47, v47;
	v23 =	vmul.f32 v57, v57;
	_ =	sdelay $0x1  }
0x554: {  	v61 =	vmul.f32 v31, v31;
	v22 =	vadd.f32 v23, v22;
	v23 =	vmul.f32 v59, v59  }
0x555: {  	[tilespmem:$0x1F400] =	vst v15;
	v63 =	vadd.f32 v16, v15;
	v15 =	vld [tilespmem:$0x1FF50]  }
0x556: {  	v23 =	vadd.f32 v23, v61;
	v7 =	vsub.f32 v0, v2;
	v0 =	vld [tilespmem:$0x1F670]  }
0x557: {  	v18 =	vld [tilespmem:$0x1FF60]  }
0x558: {  	v41 =	vadd.f32 v50, v41  }
0x559: {  	(xrf2) =	vadd.scan.msk.f32 $0xffff, v13;
	v6 =	vld [tilespmem:$0x1FF40];
	v38 =	vadd.f32 v51, v38  }
0x55a: {  	[tilespmem:$0x1F1D0] =	vst v21;
	(xrf2) =	vadd.scan.msk.f32 $0xffff, v41;
	v22 =	vadd.f32 v23, v22;
	v23, _, _ =	vpop (xrf2)  }
0x55b: {  	[tilespmem:$0x1F270] =	vst v17;
	v10 =	vmul.f32 v34, v5;
	(xrf2) =	vadd.scan.msk.f32 $0xffff, v38;
	v38 =	vsub.f32 v0, v2;
	v0, _, _ =	vpop (xrf2)  }
0x55c: {  	v17 =	vmul.f32 v20, v15;
	v21 =	vmul.f32 v20, v18;
	[tilespmem:s13+$0xFFFFFFD0] =	vst v0;
	v0 =	vld [tilespmem:$0x1EFE0]  }
0x55d: {  	[tilespmem:$0x1F1E0] =	vst v24;
	v50 =	vmul.f32 v39, v15;
	v24 =	vmul.f32 v39, v18  }
0x55e: {  	v61 =	vmul.f32 v20, v6;
	v43 =	vmul.f32 v39, v6  }
0x55f: {  	v51 =	vmul.f32 v34, v6;
	v14 =	vmul.f32 v46, v6  }
0x560: {  	v54 =	vmul.f32 v33, v6;
	v41 =	vmul.f32 v32, v6;
	v1 =	vld [tilespmem:$0x1F680]  }
0x561: {  	v60 =	vmul.f32 v48, v6;
	[tilespmem:s13+$0xFFFFFFB0] =	vst v23;
	v23 =	vmul.f32 v28, v6;
	v6 =	vsub.f32 v0, v2;
	v0 =	vld [tilespmem:$0x1EFF0]  }
0x562: {  	[tilespmem:$0x1F410] =	vst v16;
	v16 =	vmul.f32 v34, v15;
	v13 =	vmul.f32 v46, v15  }
0x563: {  	[tilespmem:$0x1F250] =	vst v27;
	v55 =	vmul.f32 v33, v15;
	v56 =	vmul.f32 v33, v18  }
0x564: {  	[tilespmem:$0x1F1F0] =	vst v26;
	v9 =	vmul.f32 v32, v18;
	v27 =	vmul.f32 v28, v15  }
0x565: {  	[tilespmem:$0x1F240] =	vst v42;
	v26 =	vmul.f32 v48, v15;
	v42 =	vadd.f32 v58, v63;
	v58 =	vadd.f32 v4, v8  }
0x566: {  	v63 =	vmul.f32 v32, v15;
	v4 =	vsub.f32 v1, v2;
	v1 =	vsub.f32 v0, v12;
	v0 =	vld [tilespmem:$0x1F000]  }
0x567: {  	v8 =	vmul.f32 v34, v18;
	v20 =	vmul.f32 v20, v5  }
0x568: {  	v39 =	vmul.f32 v39, v5;
	v34 =	vmul.f32 v46, v18  }
0x569: {  	v46 =	vmul.f32 v46, v5;
	v33 =	vmul.f32 v33, v5  }
0x56a: {  	v32 =	vmul.f32 v32, v5;
	v48 =	vmul.f32 v48, v18  }
0x56b: {  	v18 =	vmul.f32 v28, v18;
	v28 =	vmul.f32 v28, v5;
	v5 =	vsub.f32 v0, v12;
	v0 =	vld [tilespmem:$0x1F010];
	_ =	sdelay $0x4  }
0x56c: {  	(xrf2) =	vadd.scan.msk.f32 $0xffff, v22;
	v22 =	vmul.f32 v61, v0;
	v0 =	vld [tilespmem:$0x1F020];
	_ =	sdelay $0x3  }
0x56d: {  	v2 =	vld [tilespmem:$0x1F5C0]  }
0x56e: {  	v12 =	vsub.f32 v0, v12;
	v0 =	vld [tilespmem:$0x1F030];
	_ =	sdelay $0x4  }
0x56f: {  	v11 =	vsub.f32 v2, v0;
	v2 =	vld [tilespmem:$0x1F040];
	_ =	sdelay $0x4  }
0x570: {  	v17 =	vmul.f32 v17, v2;
	v2 =	vld [tilespmem:$0x1F5B0];
	_ =	sdelay $0x3  }
0x571: {  	v61, _, _ =	vpop (xrf2)  }
0x572: {  	[tilespmem:s13+$0xFFFFFFF0] =	vst v61;
	v61 =	vsub.f32 v2, v0;
	v2 =	vld [tilespmem:$0x1F050];
	_ =	sdelay $0x4  }
0x573: {  	v15 =	vsub.f32 v2, v0;
	v2 =	vld [tilespmem:$0x1F060];
	_ =	sdelay $0x4  }
0x574: {  	v21 =	vmul.f32 v21, v2;
	v2 =	vld [tilespmem:$0x1F070];
	_ =	sdelay $0x4  }
0x575: {  	(xrf2) =	vadd.scan.msk.f32 $0xffff, v19;
	v19 =	vsub.f32 v2, v0;
	v0 =	vld [tilespmem:$0x1F080];
	_ =	sdelay $0x4  }
0x576: {  	v20 =	vmul.f32 v20, v0;
	v0 =	vld [tilespmem:$0x1F740]  }
0x577: {  	v2 =	vld [tilespmem:$0x1F090];
	_ =	sdelay $0x3  }
0x578: {  	v43 =	vmul.f32 v43, v0;
	v0, _, _ =	vpop (xrf2);
	(xrf2) =	vadd.scan.msk.f32 $0xffff, v40;
	v40 =	vld [tilespmem:$0x1F0C0]  }
0x579: {  	v50 =	vmul.f32 v50, v2;
	v2 =	vld [tilespmem:$0x1F0A0];
	_ =	sdelay $0x1  }
0x57a: {  	v3 =	vld [tilespmem:$0x1FF70];
	_ =	sdelay $0x1  }
0x57b: {  	v16 =	vmul.f32 v16, v40;
	v40 =	vld [tilespmem:$0x1F0D0]  }
0x57c: {  	v24 =	vmul.f32 v24, v2;
	v2 =	vld [tilespmem:$0x1FF80];
	_ =	sdelay $0x1  }
0x57d: {  	v22 =	vadd.f32 v22, v3  }
0x57e: {  	v30 =	vmul.f32 v34, v30  }
0x57f: {  	v7 =	vmul.f32 v41, v7;
	[tilespmem:s18+$0xFFFFFF40] =	vst v22;
	v22 =	vld [tilespmem:$0x1F0E0];
	v8 =	vmul.f32 v8, v40;
	v40, _, _ =	vpop (xrf2)  }
0x580: {  	[tilespmem:s13+$0x10] =	vst v0;
	v0 =	vadd.f32 v17, v2;
	v17 =	vld [tilespmem:$0x1F770];
	v34 =	vadd.f32 v50, v2;
	v50 =	vmul.f32 v54, v53;
	v54, _, _ =	vpop (xrf2)  }
0x581: {  	v4 =	vmul.f32 v9, v4;
	v9, _, _ =	vpop (xrf2)  }
0x582: {  	[tilespmem:s13+$0xFFFFFF90] =	vst v9;
	v9 =	vmul.f32 v48, v12;
	v48 =	vadd.f32 v7, v3;
	v7 =	vld [tilespmem:$0x1F160];
	_ =	sdelay $0x1  }
0x583: {  	v10 =	vmul.f32 v10, v22;
	v22 =	vld [tilespmem:$0x1F0F0];
	(xrf2) =	vadd.scan.msk.f32 $0xffff, v44  }
0x584: {  	v17 =	vmul.f32 v39, v17;
	v39 =	vld [tilespmem:$0x1F0B0]  }
0x585: {  	v33 =	vmul.f32 v33, v62  }
0x586: {  	v15 =	vmul.f32 v18, v15;
	v18 =	vmul.f32 v28, v19;
	v19 =	vld [tilespmem:$0x1F110];
	v62 =	vmovc v7;
	v7 =	vmov v45  }
0x587: {  	[tilespmem:$0x1F520] =	vst v7;
	v7 =	vld [tilespmem:$0x1F170]  }
0x588: {  	v14 =	vmul.f32 v14, v22;
	v22 =	vadd.f32 v43, v3  }
0x589: {  	v39 =	vmul.f32 v51, v39;
	v51 =	vld [tilespmem:$0x1FF90]  }
0x58a: {  	[tilespmem:s18+$0xFFFFFF80] =	vst v22  }
0x58b: {  	v53 =	vmov v19;
	v19 =	vld [tilespmem:$0x1F120];
	[tilespmem:s18+$0xFFFFFF50] =	vst v0  }
0x58c: {  	v5 =	vmul.f32 v26, v5;
	[tilespmem:s13+$0x30] =	vst v40;
	v40 =	vld [tilespmem:$0x1F100];
	v12, _, _ =	vpop (xrf2)  }
0x58d: {  	v26 =	vmul.f32 v23, v11;
	v11 =	vmul.f32 v27, v61;
	[tilespmem:s18+$0xFFFFFF90] =	vst v34;
	v27, _, _ =	vpop (xrf2)  }
0x58e: {  	(xrf2) =	vadd.scan.msk.f32 $0xffff, v42;
	v0 =	vadd.f32 v24, v51;
	[tilespmem:s13+$0xFFFFFFC0] =	vst v27  }
0x58f: {  	v1 =	vmul.f32 v60, v1;
	v26 =	vadd.f32 v26, v3;
	v7 =	vld.idx.msk [tilespmem:v7+s24+$0x0], $0xffff  }
0x590: {  	v14 =	vadd.f32 v14, v3;
	v21 =	vadd.f32 v21, v51;
	[tilespmem:s18+$0xFFFFFFA0] =	vst v0;
	v0 =	vld [tilespmem:$0x1F190]  }
0x591: {  	[tilespmem:s13+$0x50] =	vst v54;
	v54 =	vmov v19;
	v19 =	vld [tilespmem:$0x1F130];
	v13 =	vmul.f32 v13, v40;
	v40 =	vadd.f32 v1, v3  }
0x592: {  	v35 =	vmul.f32 v46, v35;
	v46 =	vadd.f32 v39, v3;
	[tilespmem:s18+$0xFFFFFF60] =	vst v21;
	v21 =	vadd.f32 v50, v3;
	v3 =	vld [tilespmem:$0x1F1C0];
	_ =	sdelay $0x2  }
0x593: {  	v20 =	vadd.f32 v20, v25;
	_ =	sdelay $0x1  }
0x594: {  	v38 =	vmul.f32 v63, v38;
	v63 =	vld [tilespmem:$0x1F140];
	[tilespmem:s18+$0xFFFFFF70] =	vst v20  }
0x595: {  	v50 =	vadd.f32 v4, v51;
	[tilespmem:s13+$0xFFFFFFA0] =	vst v12;
	v4 =	vld.idx.msk [tilespmem:v0+s24+$0x0], $0xffff;
	v0, _, _ =	vpop (xrf2)  }
0x596: {  	v19 =	vld.idx.msk [tilespmem:v19+s24+$0x0], $0xffff;
	[tilespmem:s13+$0xFFFFFFE0] =	vst v0  }
0x597: {  	v43 =	vadd.f32 v9, v51;
	v9 =	vld.idx.msk [tilespmem:v3+s24+$0x0], $0xffff  }
0x598: {  	v3 =	vld [tilespmem:$0x1F1D0];
	_ =	sdelay $0x1  }
0x599: {  	v1 =	vmov v47  }
0x59a: {  	[tilespmem:$0x1F660] =	vst v1;
	v1 =	vmul.f32 $1.562500000e-02, v19  }
0x59b: {  	(xrf2) =	vadd.scan.msk.f32 $0xffff, v58  }
0x59c: {  	(xrf2) =	vadd.scan.msk.f32 $0xffff, v63;
	v63 =	vsub.f32 v3, v1;
	v3 =	vld [tilespmem:$0x1F1E0];
	_ =	sdelay $0x4  }
0x59d: {  	v0 =	vadd.f32 v5, v2;
	v5 =	vmov v49;
	v49 =	vsub.f32 v3, v1;
	v3 =	vld [tilespmem:$0x1F1F0];
	_ =	sdelay $0x4  }
0x59e: {  	v60 =	vsub.f32 v3, v1;
	v3 =	vld [tilespmem:$0x1F200];
	_ =	sdelay $0x4  }
0x59f: {  	v45 =	vsub.f32 v3, v1;
	v3 =	vld [tilespmem:$0x1F210];
	_ =	sdelay $0x2  }
0x5a0: {  	v20 =	vadd.f32 v35, v25;
	v24 =	vmul.f32 v55, v36  }
0x5a1: {  	v16 =	vadd.f32 v16, v2;
	v17 =	vadd.f32 v17, v25  }
0x5a2: {  	v55 =	vadd.f32 v38, v2;
	v35 =	vadd.f32 v24, v2  }
0x5a3: {  	v12 =	vadd.f32 v13, v2;
	v2 =	vadd.f32 v11, v2;
	v11, _, _ =	vpop (xrf2)  }
0x5a4: {  	[tilespmem:s13+$0x0] =	vst v11  }
0x5a5: {  	[tilespmem:s18+$0xFFFFFFB0] =	vst v17;
	v17 =	vmul.f32 v1, v1;
	v1 =	vmul.f32 $1.562500000e-02, v7;
	v7 =	vld.idx.msk [tilespmem:v3+s24+$0x0], $0xffff  }
0x5a6: {  	v3 =	vld [tilespmem:$0x1F220];
	_ =	sdelay $0x7  }
0x5a7: {  	v11 =	vld.idx.msk [tilespmem:v3+s24+$0x0], $0xffff;
	v3 =	vmov v57  }
0x5a8: {  	[tilespmem:$0x1F670] =	vst v3;
	v3 =	vld [tilespmem:$0x1F230];
	_ =	sdelay $0x4  }
0x5a9: {  	v3 =	vsub.f32 v3, v1;
	_ =	sdelay $0x1  }
0x5aa: {  	[tilespmem:$0x1F740] =	vst v3;
	v3 =	vld [tilespmem:$0x1F240];
	_ =	sdelay $0x3  }
0x5ab: {  	[tilespmem:$0x1F540] =	vst v5;
	v5 =	vld [tilespmem:$0x1F1A0]  }
0x5ac: {  	v38 =	vsub.f32 v3, v1;
	v3 =	vld [tilespmem:$0x1F250];
	_ =	sdelay $0x4  }
0x5ad: {  	v47 =	vsub.f32 v3, v1;
	v3 =	vld [tilespmem:$0x1F260];
	_ =	sdelay $0x2  }
0x5ae: {  	v5 =	vld.idx.msk [tilespmem:v5+s24+$0x0], $0xffff  }
0x5af: {  	v6 =	vmul.f32 v32, v6;
	_ =	sdelay $0x1  }
0x5b0: {  	v41 =	vadd.f32 v15, v51;
	v15, _, _ =	vpop (xrf2)  }
0x5b1: {  	v24 =	vld [tilespmem:$0x1F180];
	v13 =	vadd.f32 v30, v51;
	[tilespmem:s13+$0x20] =	vst v15  }
0x5b2: {  	v30 =	vadd.f32 v6, v25;
	v6 =	vmovc v52;
	v52 =	vmul.f32 $1.562500000e-02, v5;
	v5 =	vld.idx.msk [tilespmem:v3+s24+$0x0], $0xffff;
	v3 =	vmov v31  }
0x5b3: {  	[tilespmem:$0x1F680] =	vst v3;
	v3 =	vld [tilespmem:$0x1F270];
	_ =	sdelay $0x2  }
0x5b4: {  	v8 =	vadd.f32 v8, v51;
	_ =	sdelay $0x1  }
0x5b5: {  	(xrf2) =	vadd.scan.msk.f32 $0xffff, v24;
	[tilespmem:s18+$0xFFFFFFE0] =	vst v8;
	v8 =	vmul.f32 v1, v1;
	v1 =	vsub.f32 v3, v1;
	_ =	sdelay $0x1  }
0x5b6: {  	[tilespmem:$0x1F770] =	vst v1;
	v1 =	vld [tilespmem:$0x1F280];
	_ =	sdelay $0x1  }
0x5b7: {  	v3 =	vld [tilespmem:$0x1F290];
	_ =	sdelay $0x4  }
0x5b8: {  	v32 =	vld [tilespmem:$0x1F150];
	[tilespmem:$0x1F530] =	vst v6  }
0x5b9: {  	v10 =	vadd.f32 v10, v25;
	[tilespmem:s18+$0xFFFFFFD0] =	vst v16;
	v16 =	vld.idx.msk [tilespmem:v1+s24+$0x0], $0xffff;
	v1, _, _ =	vpop (xrf2)  }
0x5ba: {  	v6 =	vld [tilespmem:$0x1F1B0];
	[tilespmem:s13+$0x40] =	vst v1  }
0x5bb: {  	[tilespmem:s18+$0xFFFFFFF0] =	vst v10;
	v10 =	vld.idx.msk [tilespmem:v3+s24+$0x0], $0xffff  }
0x5bc: {  	v3 =	vld [tilespmem:$0x1F2A0];
	_ =	sdelay $0x4  }
0x5bd: {  	(xrf2) =	vadd.scan.msk.f32 $0xffff, v6  }
0x5be: {  	v22 =	vld.idx.msk [tilespmem:v32+s24+$0x0], $0xffff  }
0x5bf: {  	v58 =	vadd.f32 v33, v25  }
0x5c0: {  	v24 =	vadd.f32 v18, v25;
	v25 =	vmul.f32 $1.562500000e-02, v7;
	v7 =	vmul.f32 $1.562500000e-02, v11;
	v11 =	vld.idx.msk [tilespmem:v3+s24+$0x0], $0xffff  }
0x5c1: {  	v3 =	vld [tilespmem:$0x1F2B0];
	_ =	sdelay $0x1  }
0x5c2: {  	v6 =	vmul.f32 $1.562500000e-02, v22;
	_ =	sdelay $0x1  }
0x5c3: {  	v6 =	vsub.f32 v6, v17;
	v4 =	vmul.f32 $1.562500000e-02, v4;
	_ =	sdelay $0x1  }
0x5c4: {  	v6 =	vadd.f32 $9.999999960e-13, v6;
	v4 =	vsub.f32 v4, v8;
	v8, _, _ =	vpop (xrf2)  }
0x5c5: {  	[tilespmem:s13+$0xFFFFFF80] =	vst v8  }
0x5c6: {  	v42 =	vmul.f32 $5.000000000e-01, v6;
	v8 =	vld.idx.msk [tilespmem:v3+s24+$0x0], $0xffff  }
0x5c7: {  	v15 =	vmul.f32 $1.562500000e-02, v9;
	v9 =	vshra.s32 v6, $0x1;
	v6 =	vmul.f32 v52, v52;
	v3 =	vld [tilespmem:$0x1F2C0];
	_ =	sdelay $0x1  }
0x5c8: {  	s19 =	sadd.s32 $0x8, s19;
	[tilespmem:s18+$0xFFFFFFC0] =	vst v46;
	v6 =	vsub.f32 v15, v6  }
0x5c9: {  	p0 =	slt.u32 s19, $0xF8;
	[tilespmem:s18+$0x20] =	vst v13;
	v13 =	vmul.f32 v25, v25;
	v1 =	vsub.s32 $0x5F3759DF, v9;
	v9 =	vadd.f32 $9.999999960e-13, v4  }
.Ltmp3:
0x5ca: {  	v44 =	vmul.f32 v56, v37;
	v17 =	vadd.f32 $9.999999960e-13, v6;
	[tilespmem:s18+$0x0] =	vst v14;
	(pc) =	sbr.rel @p0 .LBB2_5-.Ltmp3, $4  }
0x5cb: {  	[tilespmem:s18+$0x10] =	vst v12;
	v7 =	vsub.f32 v7, v13;
	v12 =	vshra.s32 v9, $0x1;
	v14 =	vmul.f32 $5.000000000e-01, v9  }
0x5cc: {  	v56 =	vmovc v29;
	[tilespmem:s18+$0x30] =	vst v20;
	v13 =	vmul.f32 $5.000000000e-01, v17;
	v27 =	vmul.f32 $1.562500000e-02, v5;
	v15 =	vsub.s32 $0x5F3759DF, v12  }
0x5cd: {  	v61 =	vadd.f32 v44, v51;
	[tilespmem:s18+$0x40] =	vst v21;
	v4 =	vmul.f32 v1, v42;
	v6 =	vmul.f32 v15, v14  }
0x5ce: {  	v51 =	vmovc v59;
	v5 =	vshra.s32 v17, $0x1;
	[tilespmem:s18+$0x50] =	vst v35;
	v12 =	vmul.f32 $1.562500000e-02, v16;
	v16 =	vmul.f32 v27, v27;
	v9 =	vld.idx.msk [tilespmem:v3+s24+$0x0], $0xffff  }
0x5cf: {  	v5 =	vsub.s32 $0x5F3759DF, v5;
	v10 =	vmul.f32 $1.562500000e-02, v10;
	v8 =	vmul.f32 $1.562500000e-02, v8  }
0x5d0: {  	v7 =	vadd.f32 $9.999999960e-13, v7;
	v11 =	vmul.f32 $1.562500000e-02, v11;
	v4 =	vmul.f32 v1, v4  }
0x5d1: {  	v6 =	vmul.f32 v15, v6;
	v12 =	vsub.f32 v12, v16;
	v39 =	vmul.f32 v5, v13  }
0x5d2: {  	v17 =	vshra.s32 v7, $0x1;
	v18 =	vmul.f32 v8, v8;
	v20 =	vmul.f32 v10, v10  }
0x5d3: {  	v7 =	vmul.f32 $5.000000000e-01, v7;
	v4 =	vsub.f32 $1.500000000e+00, v4;
	v9 =	vmul.f32 $1.562500000e-02, v9  }
0x5d4: {  	v6 =	vsub.f32 $1.500000000e+00, v6;
	v12 =	vadd.f32 $9.999999960e-13, v12;
	v17 =	vsub.s32 $0x5F3759DF, v17  }
0x5d5: {  	v34 =	vld [tilespmem:$0x1FFE0];
	v16 =	vmul.f32 v5, v39;
	v44 =	vmul.f32 v17, v7;
	v9 =	vsub.f32 v9, v18  }
0x5d6: {  	v33 =	vld [tilespmem:$0x1FFD0];
	v11 =	vsub.f32 v11, v20;
	v59 =	vmul.f32 v1, v4;
	v6 =	vmul.f32 v15, v6  }
0x5d7: {  	v32 =	vld [tilespmem:$0x1FFC0];
	v19 =	vshra.s32 v12, $0x1;
	v12 =	vmul.f32 $5.000000000e-01, v12;
	v9 =	vadd.f32 $9.999999960e-13, v9  }
0x5d8: {  	v46 =	vld [tilespmem:$0x1FFF0];
	v16 =	vsub.f32 $1.500000000e+00, v16;
	v19 =	vsub.s32 $0x5F3759DF, v19;
	v11 =	vadd.f32 $9.999999960e-13, v11  }
0x5d9: {  	v3 =	vld [tilespmem:$0x1F400];
	v18 =	vmul.f32 v17, v44;
	v21 =	vshra.s32 v9, $0x1;
	v9 =	vmul.f32 $5.000000000e-01, v9  }
0x5da: {  	v39 =	vld [tilespmem:$0x1F410];
	v22 =	vmul.f32 v59, v42;
	v57 =	vmul.f32 v19, v12;
	v21 =	vsub.s32 $0x5F3759DF, v21  }
0x5db: {  	v42 =	vld [tilespmem:$0x1F430];
	v5 =	vmul.f32 v5, v16;
	v29 =	vmul.f32 v21, v9  }
0x5dc: {  	v44 =	vld [tilespmem:$0x1F440];
	[tilespmem:s18+$0x60] =	vst v61;
	v28 =	vmul.f32 $5.000000000e-01, v11;
	v11 =	vshra.s32 v11, $0x1;
	v20 =	vmul.f32 v19, v57  }
0x5dd: {  	[tilespmem:s18+$0x70] =	vst v58;
	v18 =	vsub.f32 $1.500000000e+00, v18;
	v11 =	vsub.s32 $0x5F3759DF, v11;
	v15 =	vmul.f32 v21, v29  }
0x5de: {  	[tilespmem:s18+$0x80] =	vst v48;
	v22 =	vmul.f32 v22, v59;
	v23 =	vmul.f32 v11, v28;
	v31 =	vsub.f32 $1.500000000e+00, v20  }
0x5df: {  	[tilespmem:s18+$0x90] =	vst v55;
	v17 =	vmul.f32 v17, v18;
	v18 =	vsub.f32 v3, v52;
	v15 =	vsub.f32 $1.500000000e+00, v15  }
0x5e0: {  	v48 =	vld [tilespmem:$0x1F450];
	v20 =	vsub.f32 v42, v52;
	v23 =	vmul.f32 v11, v23;
	v16 =	vmul.f32 v19, v31  }
0x5e1: {  	v19 =	vsub.f32 v39, v52;
	v15 =	vmul.f32 v21, v15;
	v21 =	vsub.f32 v44, v52;
	v52 =	vld [tilespmem:$0x1F460];
	[tilespmem:s18+$0xA0] =	vst v50  }
0x5e2: {  	v36 =	vsub.f32 $1.500000000e+00, v22;
	v35 =	vsub.f32 $1.500000000e+00, v23;
	v55 =	vld [tilespmem:$0x1F470]  }
0x5e3: {  	v37 =	vmul.f32 v5, v13;
	v57 =	vld [tilespmem:$0x1F480];
	[tilespmem:s18+$0xB0] =	vst v30  }
0x5e4: {  	v1 =	vmul.f32 v36, v59;
	v11 =	vmul.f32 v11, v35;
	v59 =	vld [tilespmem:$0x1FF40]  }
0x5e5: {  	v14 =	vmul.f32 v6, v14;
	v35 =	vld [tilespmem:$0x1F510]  }
0x5e6: {  	v13 =	vmul.f32 v37, v5;
	v4 =	vmul.f32 v11, v28;
	v36 =	vld [tilespmem:$0x1F520];
	[tilespmem:s17+$0xC0] =	vst v40  }
0x5e7: {  	v14 =	vmul.f32 v14, v6;
	v7 =	vmul.f32 v17, v7;
	v37 =	vld [tilespmem:$0x1F530]  }
0x5e8: {  	v13 =	vsub.f32 $1.500000000e+00, v13;
	v12 =	vmul.f32 v16, v12;
	v4 =	vmul.f32 v4, v11;
	v39 =	vld [tilespmem:$0x1F540]  }
0x5e9: {  	v14 =	vsub.f32 $1.500000000e+00, v14;
	v7 =	vmul.f32 v7, v17;
	v9 =	vmul.f32 v15, v9;
	v61 =	vld [tilespmem:$0x1FF50];
	[tilespmem:s17+$0xD0] =	vst v0  }
0x5ea: {  	v5 =	vmul.f32 v13, v5;
	v12 =	vmul.f32 v12, v16;
	v4 =	vsub.f32 $1.500000000e+00, v4;
	v44 =	vld [tilespmem:$0x1F660]  }
0x5eb: {  	v7 =	vsub.f32 $1.500000000e+00, v7;
	v9 =	vmul.f32 v9, v15;
	v13 =	vsub.f32 v52, v25;
	v52 =	vld [tilespmem:$0x1FF60]  }
0x5ec: {  	v12 =	vsub.f32 $1.500000000e+00, v12;
	v4 =	vmul.f32 v4, v11;
	v11 =	vsub.f32 v48, v25;
	v48 =	vld [tilespmem:$0x1F670];
	[tilespmem:s17+$0xE0] =	vst v43  }
0x5ed: {  	v6 =	vmul.f32 v14, v6;
	v9 =	vsub.f32 $1.500000000e+00, v9;
	v50 =	vld [tilespmem:$0x1F680];
	[tilespmem:s18+$0xFFFFFF00] =	vst v26  }
0x5ee: {  	v31 =	vsub.f32 v56, v8;
	v7 =	vmul.f32 v7, v17;
	v12 =	vmul.f32 v12, v16;
	[tilespmem:s18+$0xFFFFFF10] =	vst v2  }
0x5ef: {  	v14 =	vsub.f32 v57, v25;
	v3 =	vmul.f32 v9, v15;
	v9 =	vsub.f32 v55, v25;
	v55 =	vld [tilespmem:$0x1FFB0];
	[tilespmem:s18+$0xFFFFFF20] =	vst v41  }
0x5f0: {  	v58 =	vmul.f32 v1, v59;
	v16 =	vsub.f32 v35, v27;
	v17 =	vsub.f32 v36, v27;
	v35 =	vld [tilespmem:$0x1FF70];
	[tilespmem:s18+$0xFFFFFF30] =	vst v24  }
0x5f1: {  	v2 =	vsub.f32 v54, v8;
	v57 =	vmul.f32 v6, v59;
	v22 =	vsub.f32 v37, v27;
	v36 =	vld [tilespmem:$0x1FF80]  }
0x5f2: {  	v23 =	vsub.f32 v39, v27;
	v40 =	vmul.f32 v1, v61;
	v27 =	vsub.f32 v53, v8  }
0x5f3: {  	v28 =	vsub.f32 v44, v10;
	v15 =	vmul.f32 v58, v63;
	v37 =	vld [tilespmem:$0x1F740];
	v29 =	vsub.f32 v48, v10  }
0x5f4: {  	v30 =	vsub.f32 v50, v10;
	v10 =	vsub.f32 v51, v10;
	v51 =	vmul.f32 v40, v49  }
0x5f5: {  	v8 =	vsub.f32 v62, v8;
	v62 =	vmul.f32 v5, v59;
	v15 =	vadd.f32 v15, v35  }
0x5f6: {  	v41 =	vmul.f32 v7, v61;
	v53 =	vmul.f32 v4, v61;
	v26 =	vadd.f32 v51, v36  }
0x5f7: {  	v58 =	vmul.f32 v6, v61;
	v42 =	vmul.f32 v1, v52;
	[tilespmem:s17+$0xFFFFFF40] =	vst v15  }
0x5f8: {  	v39 =	vmul.f32 v5, v52;
	v25 =	vmul.f32 v57, v37;
	v37 =	vld [tilespmem:$0x1FF90];
	[tilespmem:s17+$0xFFFFFF50] =	vst v26  }
0x5f9: {  	v54 =	vmul.f32 v4, v52;
	v24 =	vmul.f32 v58, v38;
	v26 =	vld [tilespmem:$0x1FFA0]  }
0x5fa: {  	v38 =	vmul.f32 v5, v61;
	v1 =	vmul.f32 v1, v55  }
0x5fb: {  	v58 =	vmul.f32 v3, v59;
	v0 =	vmul.f32 v42, v60  }
0x5fc: {  	v60 =	vmul.f32 v6, v52;
	v1 =	vmul.f32 v1, v45  }
0x5fd: {  	v40 =	vmul.f32 v7, v59;
	v42 =	vmul.f32 v7, v52;
	v0 =	vadd.f32 v0, v37  }
0x5fe: {  	v5 =	vmul.f32 v5, v55;
	v44 =	vmul.f32 v7, v55;
	v1 =	vadd.f32 v1, v26  }
0x5ff: {  	v11 =	vmul.f32 v40, v11;
	v15 =	vmul.f32 v60, v47;
	v25 =	vadd.f32 v25, v35;
	[tilespmem:s17+$0xFFFFFF60] =	vst v0  }
0x600: {  	v24 =	vadd.f32 v24, v36;
	v5 =	vmul.f32 v5, v21;
	v45 =	vmul.f32 v12, v59;
	v63 =	vld [tilespmem:$0x1F770];
	[tilespmem:s17+$0xFFFFFF70] =	vst v1  }
0x601: {  	v51 =	vmul.f32 v4, v59;
	v59 =	vmul.f32 v3, v61;
	v15 =	vadd.f32 v15, v37;
	[tilespmem:s17+$0xFFFFFF80] =	vst v25  }
0x602: {  	v4 =	vmul.f32 v4, v55;
	v7 =	vmul.f32 v45, v16;
	v5 =	vadd.f32 v5, v26;
	[tilespmem:s17+$0xFFFFFF90] =	vst v24  }
0x603: {  	v47 =	vadd.f32 v11, v35;
	v2 =	vmul.f32 v59, v2;
	[tilespmem:s17+$0xFFFFFFA0] =	vst v15  }
0x604: {  	v4 =	vmul.f32 v4, v10;
	v7 =	vadd.f32 v7, v35;
	[tilespmem:s17+$0xFFFFFFF0] =	vst v5  }
0x605: {  	v2 =	vadd.f32 v2, v36;
	v0 =	vmul.f32 v62, v18;
	[tilespmem:s17+$0x0] =	vst v47  }
0x606: {  	v48 =	vmul.f32 v12, v61;
	v62 =	vadd.f32 v4, v26;
	v1 =	vmul.f32 v38, v19;
	[tilespmem:s17+$0x40] =	vst v7  }
0x607: {  	v18 =	vmul.f32 v39, v20;
	[tilespmem:s17+$0xFFFFFF10] =	vst v2;
	v0 =	vadd.f32 v0, v35  }
0x608: {  	v5 =	vmul.f32 v48, v17;
	[tilespmem:s17+$0xB0] =	vst v62;
	v1 =	vadd.f32 v1, v36  }
0x609: {  	v6 =	vmul.f32 v6, v55;
	v43 =	vadd.f32 v18, v37;
	[tilespmem:s17+$0xFFFFFFC0] =	vst v0;
	v0 =	vmul.f32 v42, v9  }
0x60a: {  	v49 =	vmul.f32 v12, v52;
	v5 =	vadd.f32 v5, v36;
	[tilespmem:s17+$0xFFFFFFD0] =	vst v1;
	v1 =	vmul.f32 v44, v14  }
0x60b: {  	[tilespmem:s17+$0xFFFFFFE0] =	vst v43;
	v6 =	vmul.f32 v6, v63;
	v0 =	vadd.f32 v0, v37  }
0x60c: {  	v9 =	vmul.f32 v49, v22;
	[tilespmem:s17+$0x50] =	vst v5;
	v1 =	vadd.f32 v1, v26  }
0x60d: {  	v6 =	vadd.f32 v6, v26;
	[tilespmem:s17+$0x20] =	vst v0;
	v0 =	vmul.f32 v51, v28  }
0x60e: {  	v9 =	vadd.f32 v9, v37;
	[tilespmem:s17+$0x30] =	vst v1;
	v1 =	vmul.f32 v53, v29  }
0x60f: {  	v60 =	vmul.f32 v3, v52;
	[tilespmem:s17+$0xFFFFFFB0] =	vst v6;
	v6 =	vmul.f32 v41, v13;
	v0 =	vadd.f32 v0, v35  }
0x610: {  	v61 =	vmul.f32 v3, v55;
	v7 =	vmul.f32 v58, v27;
	[tilespmem:s17+$0x60] =	vst v9;
	v1 =	vadd.f32 v1, v36  }
0x611: {  	v50 =	vmul.f32 v12, v55;
	v6 =	vadd.f32 v6, v36;
	[tilespmem:s17+$0x80] =	vst v0;
	v0 =	vmul.f32 v60, v31  }
0x612: {  	v63 =	vadd.f32 v7, v35;
	[tilespmem:s17+$0x90] =	vst v1;
	v1 =	vmul.f32 v61, v8  }
0x613: {  	[tilespmem:s17+$0x10] =	vst v6;
	v6 =	vmul.f32 v50, v23;
	v0 =	vadd.f32 v0, v37  }
0x614: {  	v57 =	vmul.f32 v54, v30;
	[tilespmem:s17+$0xFFFFFF00] =	vst v63;
	v1 =	vadd.f32 v1, v26  }
.Ltmp4:
0x615: {  	v56 =	vadd.f32 v6, v26;
	[tilespmem:s17+$0xFFFFFF20] =	vst v0;
	(pc) =	sbr.rel @p1 .LBB2_8-.Ltmp4, $4  }
0x616: {  	v6 =	vadd.f32 v57, v37;
	[tilespmem:s17+$0xFFFFFF30] =	vst v1  }
0x617: {  	s2 =	sshll.u32 s2, $0xB;
	[tilespmem:s17+$0x70] =	vst v56  }
0x618: {  	s2 =	sadd.s32 s2, s9;
	[tilespmem:s17+$0xA0] =	vst v6  }
0x619: {  	[hbm4b:s2+s4] =	stream.linear.scatter [tilespmem:s28], [sflag:$0x4], $0x4000, $0x38;
	[tilespmem:$0x1E080] =	vst v63  }
0x61a: {  	s2 =	sshll.u32 s0, $0x9  }
.Ltmp5:
0x61b: {  	s2 =	sand.u32 $0x3FFFFE00, s2;
	(pc) =	sbr.rel .LBB2_2-.Ltmp5, $4  }
0x61c: {  	s3 =	sadd.s32 $0x300, s2  }
0x61d: {  	[tilespmem:s20], [sflag:$0x2] =	stream.indirect.gather [hbm4b:s5+s16], $0x40, s3, s16, $0xb8;
	[tilespmem:$0x1E080] =	vst v63  }
0x61e: {  	s0 =	sadd.s32 $0x1, s0;
	s1 =	sadd.s32 $0x200, s1;
	s2 =	sadd.s32 $0x380, s2  }
0x61f: {  	v48 =	vmov v32;
	v47 =	vmov v33;
	v50 =	vmov v34;
	[tilespmem:s22], [sflag:$0x2] =	stream.indirect.gather [hbm4b:s5+s16], $0x40, s2, s16, $0xb8;
	[tilespmem:$0x1E080] =	vst v63  }
.LBB2_9:
0x620: {  	_ =	sfence.sel $0x180000  }
0x621: {  	[bflag:$0x0] =	sbarrier.arrive $0xFFFF  }
0x622: {  	_ =	strace $0x90000047  }
0x623: {  	s0 =	stileid.u32;
	[bflag:$0x2] =	sbarrier.arrive $0xFFFF  }
0x624: {  	p0 =	sne.s32 s0, $0x0;
	s0 =	rddreg [dreg:$0x4]  }
0x625: {  	s0 =	sadd.s32 @!p0 $0x100000, s0  }
0x626: {  	[sflag:s0] =	ssyncadd.tile.s32 @!p0 $0x1;
	_ =	shalt  }
.Lfunc_end2:
_tile_overlayer_lowered:
.L_overlay_start_2:
0x627: {  	(tag) =	ssettag $0x2  }
0x628: {  	s0 =	rddreg [dreg:$0x0];
	s2 =	stileid.u32  }
0x629: {  	s1 =	rddreg [dreg:$0x1];
	p0 =	sne.s32 s2, $0x0  }
0x62a: {  	s3 =	rddreg [dreg:$0x2];
	[bflag:$0x3] =	sbarrier.arrive $0xFFFF;
	s2 =	simm.s32 @!p0 $0x1C05  }
0x62b: {  	[timem:s3], [sflag:s2] =	dma.local @!p0 [hbm:s0], s1  }
0x62c: {  	s0 =	simm.s32 @!p0 $0x5  }
0x62d: {  	_ =	swait.ge @!p0 [sflag:s0], s1  }
0x62e: {  	s1 =	ssub.s32 @!p0 $0x0, s1;
	[sflag:s0] =	ssyncset.done @!p0 $0x0  }
0x62f: {  	[sflag:s0] =	ssyncadd.s32 @!p0 s1  }
0x630: {  	[bflag:$0x3] =	sbarrier.arrive $0xFFFF  }
0x631: {  	_ =	shalt  }

</sc_bundles>
